<compile_context>
chip_gen: v7x
topology: tpu7x:2x2x1
jax: 0.10.2.dev20260603
libtpu: 0.0.44.dev20260713+nightly
codegen_flags: <defaults>
</compile_context>

<pallas_src>
import functools

import jax
import jax.numpy as jnp
from jax import lax
from jax.experimental import pallas as pl
from jax.experimental.pallas import tpu as pltpu
from jax.experimental.pallas import tpu_sc as plsc

N = 512
M = 16
HD = 16
E = 4096
NBLK = 512
NC = (N * M) // 128
NSTEP = N // NBLK

NS = 16
EPW = E // NS
APW = (N * N) // NS


def _build_a_sc(src_hbm, dst_hbm, ones_hbm, zeros_hbm, out_hbm,
                src_v, dst_v, idx_v, ones_v, shared):
    wid = lax.axis_index("s")
    base = wid * EPW
    abase = wid * APW
    pltpu.sync_copy(zeros_hbm.at[pl.ds(abase, APW)],
                    shared.at[pl.ds(abase, APW)])
    pltpu.sync_copy(src_hbm.at[pl.ds(base, EPW)], src_v)
    pltpu.sync_copy(dst_hbm.at[pl.ds(base, EPW)], dst_v)
    pltpu.sync_copy(ones_hbm.at[pl.ds(base, EPW)], ones_v)
    for j in range(EPW // 16):
        sl = pl.ds(j * 16, 16)
        idx_v[sl] = dst_v[sl] * N + src_v[sl]
    plsc.subcore_barrier()
    pltpu.sync_copy(ones_v, shared.at[idx_v], add=True)
    plsc.subcore_barrier()
    pltpu.sync_copy(shared.at[pl.ds(abase, APW)],
                    out_hbm.at[pl.ds(abase, APW)])


def _build_a_sparsecore(src_flat, dst_flat):
    mesh = plsc.VectorSubcoreMesh(core_axis_name="c", subcore_axis_name="s",
                                  num_cores=1)
    ones = jnp.ones((E,), jnp.float32)
    zeros = jnp.zeros((N * N,), jnp.float32)
    k = functools.partial(
        pl.kernel, mesh=mesh,
        out_type=jax.ShapeDtypeStruct((N * N,), jnp.float32),
        scratch_types=[
            pltpu.VMEM((EPW,), jnp.int32),
            pltpu.VMEM((EPW,), jnp.int32),
            pltpu.VMEM((EPW,), jnp.int32),
            pltpu.VMEM((EPW,), jnp.float32),
            pltpu.VMEM_SHARED((N * N,), jnp.float32),
        ],
    )(_build_a_sc)
    return k(src_flat, dst_flat, ones, zeros)


def _layers_kernel(b1m_ref, b2m_ref, x_ref, kw1a_ref, b1a_ref, kw2a_ref,
                   b2a_ref, kw1b_ref, b1b_ref, kw2b_ref, o_ref, x1_ref,
                   z_ref):
    i = pl.program_id(0)
    rows = pl.ds((i % NSTEP) * NBLK, NBLK)

    @pl.when(i < NSTEP)
    def _layer1():
        kw1 = kw1a_ref[:, :]
        kw2 = kw2a_ref[:, :]
        b1 = b1a_ref[pl.ds(0, 1), :]
        b2 = b2a_ref[pl.ds(0, 1), :]
        z_ref[:, :] = jnp.dot(b1m_ref[:, :], x_ref[:, :],
                              preferred_element_type=jnp.float32
                              ).astype(jnp.bfloat16)
        for c in range(NC):
            lanes = pl.ds(c * 128, 128)
            v = jnp.maximum(
                jnp.dot(z_ref[:, lanes], kw1,
                        preferred_element_type=jnp.float32) + b1, 0.0)
            x1c = jnp.dot(v.astype(jnp.bfloat16), kw2,
                          preferred_element_type=jnp.float32) + b2
            x1_ref[rows, lanes] = x1c.astype(jnp.bfloat16)

    @pl.when(i >= NSTEP)
    def _layer2():
        kw1 = kw1b_ref[:, :]
        kw2 = kw2b_ref[:, :]
        b1 = b1b_ref[pl.ds(0, 1), :]
        z_ref[:, :] = jnp.dot(b2m_ref[:, :], x1_ref[:, :],
                              preferred_element_type=jnp.float32
                              ).astype(jnp.bfloat16)
        acc = jnp.zeros((NBLK, 128), jnp.float32)
        for c in range(NC):
            lanes = pl.ds(c * 128, 128)
            v = jnp.maximum(
                jnp.dot(z_ref[:, lanes], kw1,
                        preferred_element_type=jnp.float32) + b1, 0.0)
            acc = acc + jnp.dot(v.astype(jnp.bfloat16), kw2,
                                preferred_element_type=jnp.float32)
        pe = jnp.zeros((NBLK, HD), jnp.float32)
        for q in range(128 // HD):
            pe = pe + acc[:, q * HD:(q + 1) * HD]
        o_ref[:, :] = pe


def kernel(W_list, edge_index, basis, eps1, W1a, b1a, W2a, b2a,
           eps2, W1b, b1b, W2b, b2b):
    f32 = jnp.float32
    bf16 = jnp.bfloat16

    x0w = W_list.reshape(N, N * M).astype(bf16)
    a_flat = _build_a_sparsecore(edge_index[0], edge_index[1])
    a16 = a_flat.reshape(N, N).astype(bf16)
    eye = jnp.eye(N, dtype=f32)
    b1m16 = a16 + ((1.0 + eps1[0]) * eye).astype(bf16)
    b2m16 = a16 + ((1.0 + eps2[0]) * eye).astype(bf16)
    scale = (1.0 - jnp.asarray(basis)).astype(f32)

    eye8 = jnp.eye(8, dtype=f32)
    kw1a = jnp.kron(eye8, W1a * scale).astype(bf16)
    kw2a = jnp.kron(eye8, W2a).astype(bf16)
    kw1b = jnp.kron(eye8, W1b).astype(bf16)
    kw2b = jnp.kron(eye8, W2b).astype(bf16)
    b1a_t = jnp.broadcast_to(jnp.tile(b1a, 8)[None, :], (8, 128))
    b2a_t = jnp.broadcast_to(jnp.tile(b2a, 8)[None, :], (8, 128))
    b1b_t = jnp.broadcast_to(jnp.tile(b1b, 8)[None, :], (8, 128))

    wspec = pl.BlockSpec((128, 128), lambda i: (0, 0))
    bspec = pl.BlockSpec((8, 128), lambda i: (0, 0))

    pe = pl.pallas_call(
        _layers_kernel,
        grid=(2 * NSTEP,),
        in_specs=[
            pl.BlockSpec((NBLK, N), lambda i: (i % NSTEP, 0)),
            pl.BlockSpec((NBLK, N), lambda i: (i % NSTEP, 0)),
            pl.BlockSpec((N, N * M), lambda i: (0, 0)),
            wspec, bspec, wspec, bspec, wspec, bspec, wspec,
        ],
        out_specs=pl.BlockSpec(
            (NBLK, HD), lambda i: (jnp.maximum(i - NSTEP, 0), 0)),
        out_shape=jax.ShapeDtypeStruct((N, HD), f32),
        scratch_shapes=[
            pltpu.VMEM((N, N * M), bf16),
            pltpu.VMEM((NBLK, N * M), bf16),
        ],
    )(b1m16, b2m16, x0w, kw1a, b1a_t, kw2a, b2a_t, kw1b, b1b_t, kw2b)

    return pe + N * b2b[None, :]

# --- scband reference (transcript-rebuilt; emitter-appended) ---
"""Pipeline reference for scband-ginsample-aggregator-79645873537731 (READ-ONLY COPY).

The authoritative reference and input builder live on the scoring server;
editing this copy changes nothing except your own understanding.
"""

import jax, jax.numpy as jnp
import numpy as np

N = 512
M = 16
H = 16
E = 4096


def _init_mlp(key, d_in, d_out):
    k1, k2 = jax.random.split(key)
    W1 = jax.random.normal(k1, (d_in, d_out), jnp.float32) * (1.0 / np.sqrt(d_in))
    b1 = jnp.zeros((d_out,), jnp.float32)
    W2 = jax.random.normal(k2, (d_out, d_out), jnp.float32) * (1.0 / np.sqrt(d_out))
    b2 = jnp.zeros((d_out,), jnp.float32)
    return W1, b1, W2, b2


def setup_inputs(seed: int = 0):
    key = jax.random.key(seed)
    ks = jax.random.split(key, 6)
    W_list = jax.random.normal(ks[0], (1, N, N, M), jnp.float32)
    edge_index = jax.random.randint(ks[1], (2, E), 0, N, dtype=jnp.int32)
    eps1 = jax.random.normal(ks[2], (1,), jnp.float32)
    eps2 = jax.random.normal(ks[3], (1,), jnp.float32)
    W1a, b1a, W2a, b2a = _init_mlp(ks[4], M, H)
    W1b, b1b, W2b, b2b = _init_mlp(ks[5], H, H)
    return {"W_list": W_list, "edge_index": edge_index, "basis": 0,
            "eps1": eps1, "W1a": W1a, "b1a": b1a, "W2a": W2a, "b2a": b2a,
            "eps2": eps2, "W1b": W1b, "b1b": b1b, "W2b": W2b, "b2b": b2b}


def _mlp(Z, W1, b1, W2, b2):
    Hh = jnp.maximum(jnp.einsum('nkm,mh->nkh', Z, W1) + b1, 0.0)
    return jnp.einsum('nkh,ho->nko', Hh, W2) + b2


def _gin_layer(X, edge_index, eps, W1, b1, W2, b2):
    # PyG MessagePassing(aggr='add', flow='source_to_target', node_dim=0):
    # message X_j = X[edge_index[0]] (source), aggregated at edge_index[1] (target)
    src = edge_index[0]
    dst = edge_index[1]
    msgs = jnp.take(X, src, axis=0)                  # [E, N, D]
    S = jnp.zeros(X.shape, X.dtype).at[dst].add(msgs)  # scatter-add over target nodes
    Z = (1.0 + eps[0]) * X + S
    return _mlp(Z, W1, b1, W2, b2)


def reference(W_list, edge_index, basis, eps1, W1a, b1a, W2a, b2a, eps2, W1b, b1b, W2b, b2b):
    # basis=False path of GINSampleAggregator.forward (mean=False, final=True,
    # running_sum starts at 0, so PE = gin(W, edge_index).sum(dim=1))
    W = jnp.concatenate([W_list[i] for i in range(W_list.shape[0])], axis=0)  # [N_sum, N, M]
    W = W * (1 - jnp.asarray(basis)).astype(W.dtype)
    X = _gin_layer(W, edge_index, eps1, W1a, b1a, W2a, b2a)
    X = _gin_layer(X, edge_index, eps2, W1b, b1b, W2b, b2b)
    PE = X.sum(axis=1)  # [N_sum, D_pe]
    return PE

if __name__ == "__main__":
    import jax
    _d = setup_inputs()
    print(jax.jit(kernel)(*tuple(_d.values())))

</pallas_src>

<mosaic_0001>
#map = affine_map<(d0, d1) -> (0)>
module attributes {stable_mosaic.version = 14 : i64} {
  func.func @_build_a_sc(%arg0: i32, %arg1: i32, %arg2: memref<4096xi32, #tpu.memory_space<hbm>>, %arg3: memref<4096xi32, #tpu.memory_space<hbm>>, %arg4: memref<4096xf32, #tpu.memory_space<hbm>>, %arg5: memref<262144xf32, #tpu.memory_space<hbm>>, %arg6: memref<262144xf32, #tpu.memory_space<hbm>>, %arg7: memref<256xi32, #tpu.memory_space<vmem>>, %arg8: memref<256xi32, #tpu.memory_space<vmem>>, %arg9: memref<256xi32, #tpu.memory_space<vmem>>, %arg10: memref<256xf32, #tpu.memory_space<vmem>>, %arg11: memref<262144xf32, #tpu.memory_space<vmem_shared>>) attributes {dimension_semantics = [#tpu.dimension_semantics<core_parallel>, #tpu.dimension_semantics<subcore_parallel>], iteration_bounds = array<i64: 1, 16>, scalar_prefetch = 0 : i64, scratch_operands = 5 : i64, tpu.core_type = #tpu.core_type<sc_vector_subcore>, window_params = [{transform_indices = #map}, {transform_indices = #map}, {transform_indices = #map}, {transform_indices = #map}, {transform_indices = #map}]} {
    %mul3A = arith.constant 256 : i32
    %mul3A_0 = arith.muli %arg1, %mul3A : i32
    %mul3A_1 = arith.constant 16384 : i32
    %mul3A_2 = arith.muli %arg1, %mul3A_1 : i32
    "tpu.region"() ({
      %run_scoped3A = tpu.sem_alloc : memref<!tpu.dma_semaphore, #tpu.memory_space<semaphore_mem>>
      %dma_start3A = tpu.memref_slice %arg11[%mul3A_2] : memref<262144xf32, #tpu.memory_space<vmem_shared>> -> memref<16384xf32, #tpu.memory_space<vmem_shared>>
      %dma_start3A_225 = tpu.memref_slice %arg5[%mul3A_2] : memref<262144xf32, #tpu.memory_space<hbm>> -> memref<16384xf32, #tpu.memory_space<hbm>>
      tpu.enqueue_dma source(%dma_start3A_225 : memref<16384xf32, #tpu.memory_space<hbm>>) target(%dma_start3A : memref<16384xf32, #tpu.memory_space<vmem_shared>>) target_semaphore(%run_scoped3A : memref<!tpu.dma_semaphore, #tpu.memory_space<semaphore_mem>>)
      %dma_wait3A = tpu.memref_slice %arg11[%mul3A_2] : memref<262144xf32, #tpu.memory_space<vmem_shared>> -> memref<16384xf32, #tpu.memory_space<vmem_shared>>
      %dma_wait3A_226 = tpu.memref_slice %arg5[%mul3A_2] : memref<262144xf32, #tpu.memory_space<hbm>> -> memref<16384xf32, #tpu.memory_space<hbm>>
      tpu.wait_dma2 semaphore(%run_scoped3A : memref<!tpu.dma_semaphore, #tpu.memory_space<semaphore_mem>>) src(%dma_wait3A_226 : memref<16384xf32, #tpu.memory_space<hbm>>) dst(%dma_wait3A : memref<16384xf32, #tpu.memory_space<vmem_shared>>)
      tpu.yield
    }) : () -> ()
    "tpu.region"() ({
      %run_scoped3A = tpu.sem_alloc : memref<!tpu.dma_semaphore, #tpu.memory_space<semaphore_mem>>
      %dma_start3A = tpu.memref_slice %arg2[%mul3A_0] : memref<4096xi32, #tpu.memory_space<hbm>> -> memref<256xi32, #tpu.memory_space<hbm>>
      %dma_start3A_225 = tpu.memref_slice %arg2[%mul3A_0] : memref<4096xi32, #tpu.memory_space<hbm>> -> memref<256xi32, #tpu.memory_space<hbm>>
      tpu.enqueue_dma source(%dma_start3A_225 : memref<256xi32, #tpu.memory_space<hbm>>) target(%arg7 : memref<256xi32, #tpu.memory_space<vmem>>) target_semaphore(%run_scoped3A : memref<!tpu.dma_semaphore, #tpu.memory_space<semaphore_mem>>)
      %dma_wait3A = tpu.memref_slice %arg2[%mul3A_0] : memref<4096xi32, #tpu.memory_space<hbm>> -> memref<256xi32, #tpu.memory_space<hbm>>
      %dma_wait3A_226 = tpu.memref_slice %arg2[%mul3A_0] : memref<4096xi32, #tpu.memory_space<hbm>> -> memref<256xi32, #tpu.memory_space<hbm>>
      tpu.wait_dma2 semaphore(%run_scoped3A : memref<!tpu.dma_semaphore, #tpu.memory_space<semaphore_mem>>) src(%dma_wait3A_226 : memref<256xi32, #tpu.memory_space<hbm>>) dst(%arg7 : memref<256xi32, #tpu.memory_space<vmem>>)
      tpu.yield
    }) : () -> ()
    "tpu.region"() ({
      %run_scoped3A = tpu.sem_alloc : memref<!tpu.dma_semaphore, #tpu.memory_space<semaphore_mem>>
      %dma_start3A = tpu.memref_slice %arg3[%mul3A_0] : memref<4096xi32, #tpu.memory_space<hbm>> -> memref<256xi32, #tpu.memory_space<hbm>>
      %dma_start3A_225 = tpu.memref_slice %arg3[%mul3A_0] : memref<4096xi32, #tpu.memory_space<hbm>> -> memref<256xi32, #tpu.memory_space<hbm>>
      tpu.enqueue_dma source(%dma_start3A_225 : memref<256xi32, #tpu.memory_space<hbm>>) target(%arg8 : memref<256xi32, #tpu.memory_space<vmem>>) target_semaphore(%run_scoped3A : memref<!tpu.dma_semaphore, #tpu.memory_space<semaphore_mem>>)
      %dma_wait3A = tpu.memref_slice %arg3[%mul3A_0] : memref<4096xi32, #tpu.memory_space<hbm>> -> memref<256xi32, #tpu.memory_space<hbm>>
      %dma_wait3A_226 = tpu.memref_slice %arg3[%mul3A_0] : memref<4096xi32, #tpu.memory_space<hbm>> -> memref<256xi32, #tpu.memory_space<hbm>>
      tpu.wait_dma2 semaphore(%run_scoped3A : memref<!tpu.dma_semaphore, #tpu.memory_space<semaphore_mem>>) src(%dma_wait3A_226 : memref<256xi32, #tpu.memory_space<hbm>>) dst(%arg8 : memref<256xi32, #tpu.memory_space<vmem>>)
      tpu.yield
    }) : () -> ()
    "tpu.region"() ({
      %run_scoped3A = tpu.sem_alloc : memref<!tpu.dma_semaphore, #tpu.memory_space<semaphore_mem>>
      %dma_start3A = tpu.memref_slice %arg4[%mul3A_0] : memref<4096xf32, #tpu.memory_space<hbm>> -> memref<256xf32, #tpu.memory_space<hbm>>
      %dma_start3A_225 = tpu.memref_slice %arg4[%mul3A_0] : memref<4096xf32, #tpu.memory_space<hbm>> -> memref<256xf32, #tpu.memory_space<hbm>>
      tpu.enqueue_dma source(%dma_start3A_225 : memref<256xf32, #tpu.memory_space<hbm>>) target(%arg10 : memref<256xf32, #tpu.memory_space<vmem>>) target_semaphore(%run_scoped3A : memref<!tpu.dma_semaphore, #tpu.memory_space<semaphore_mem>>)
      %dma_wait3A = tpu.memref_slice %arg4[%mul3A_0] : memref<4096xf32, #tpu.memory_space<hbm>> -> memref<256xf32, #tpu.memory_space<hbm>>
      %dma_wait3A_226 = tpu.memref_slice %arg4[%mul3A_0] : memref<4096xf32, #tpu.memory_space<hbm>> -> memref<256xf32, #tpu.memory_space<hbm>>
      tpu.wait_dma2 semaphore(%run_scoped3A : memref<!tpu.dma_semaphore, #tpu.memory_space<semaphore_mem>>) src(%dma_wait3A_226 : memref<256xf32, #tpu.memory_space<hbm>>) dst(%arg10 : memref<256xf32, #tpu.memory_space<vmem>>)
      tpu.yield
    }) : () -> ()
    %get3A = arith.constant 0 : index
    %get3A_3 = tpu.vector_load %arg8[%get3A] {strides = array<i32>} : memref<256xi32, #tpu.memory_space<vmem>>, vector<16xi32>,
    %get3A_4 = vector.shape_cast %get3A_3 : vector<16xi32> to vector<16xi32>
    %mul3A_5 = arith.constant 512 : i32
    %mul3A_6 = vector.broadcast %mul3A_5 : i32 to vector<16xi32>
    %mul3A_7 = arith.muli %get3A_4, %mul3A_6 : vector<16xi32>
    %get3A_8 = arith.constant 0 : index
    %get3A_9 = tpu.vector_load %arg7[%get3A_8] {strides = array<i32>} : memref<256xi32, #tpu.memory_space<vmem>>, vector<16xi32>,
    %get3A_10 = vector.shape_cast %get3A_9 : vector<16xi32> to vector<16xi32>
    %add3A = arith.addi %mul3A_7, %get3A_10 : vector<16xi32>
    %swap3A = arith.constant 0 : index
    %swap3A_11 = tpu.vector_load %arg9[%swap3A] {strides = array<i32>} : memref<256xi32, #tpu.memory_space<vmem>>, vector<16xi32>,
    %swap3A_12 = vector.shape_cast %swap3A_11 : vector<16xi32> to vector<16xi32>
    %swap3A_13 = vector.shape_cast %add3A : vector<16xi32> to vector<16xi32>
    tpu.vector_store %arg9[%swap3A], %swap3A_13 {strides = array<i32>} : memref<256xi32, #tpu.memory_space<vmem>>, vector<16xi32>,
    %get3A_14 = arith.constant 16 : index
    %get3A_15 = tpu.vector_load %arg8[%get3A_14] {strides = array<i32>} : memref<256xi32, #tpu.memory_space<vmem>>, vector<16xi32>,
    %get3A_16 = vector.shape_cast %get3A_15 : vector<16xi32> to vector<16xi32>
    %mul3A_17 = arith.constant 512 : i32
    %mul3A_18 = vector.broadcast %mul3A_17 : i32 to vector<16xi32>
    %mul3A_19 = arith.muli %get3A_16, %mul3A_18 : vector<16xi32>
    %get3A_20 = arith.constant 16 : index
    %get3A_21 = tpu.vector_load %arg7[%get3A_20] {strides = array<i32>} : memref<256xi32, #tpu.memory_space<vmem>>, vector<16xi32>,
    %get3A_22 = vector.shape_cast %get3A_21 : vector<16xi32> to vector<16xi32>
    %add3A_23 = arith.addi %mul3A_19, %get3A_22 : vector<16xi32>
    %swap3A_24 = arith.constant 16 : index
    %swap3A_25 = tpu.vector_load %arg9[%swap3A_24] {strides = array<i32>} : memref<256xi32, #tpu.memory_space<vmem>>, vector<16xi32>,
    %swap3A_26 = vector.shape_cast %swap3A_25 : vector<16xi32> to vector<16xi32>
    %swap3A_27 = vector.shape_cast %add3A_23 : vector<16xi32> to vector<16xi32>
    tpu.vector_store %arg9[%swap3A_24], %swap3A_27 {strides = array<i32>} : memref<256xi32, #tpu.memory_space<vmem>>, vector<16xi32>,
    %get3A_28 = arith.constant 32 : index
    %get3A_29 = tpu.vector_load %arg8[%get3A_28] {strides = array<i32>} : memref<256xi32, #tpu.memory_space<vmem>>, vector<16xi32>,
    %get3A_30 = vector.shape_cast %get3A_29 : vector<16xi32> to vector<16xi32>
    %mul3A_31 = arith.constant 512 : i32
    %mul3A_32 = vector.broadcast %mul3A_31 : i32 to vector<16xi32>
    %mul3A_33 = arith.muli %get3A_30, %mul3A_32 : vector<16xi32>
    %get3A_34 = arith.constant 32 : index
    %get3A_35 = tpu.vector_load %arg7[%get3A_34] {strides = array<i32>} : memref<256xi32, #tpu.memory_space<vmem>>, vector<16xi32>,
    %get3A_36 = vector.shape_cast %get3A_35 : vector<16xi32> to vector<16xi32>
    %add3A_37 = arith.addi %mul3A_33, %get3A_36 : vector<16xi32>
    %swap3A_38 = arith.constant 32 : index
    %swap3A_39 = tpu.vector_load %arg9[%swap3A_38] {strides = array<i32>} : memref<256xi32, #tpu.memory_space<vmem>>, vector<16xi32>,
    %swap3A_40 = vector.shape_cast %swap3A_39 : vector<16xi32> to vector<16xi32>
    %swap3A_41 = vector.shape_cast %add3A_37 : vector<16xi32> to vector<16xi32>
    tpu.vector_store %arg9[%swap3A_38], %swap3A_41 {strides = array<i32>} : memref<256xi32, #tpu.memory_space<vmem>>, vector<16xi32>,
    %get3A_42 = arith.constant 48 : index
    %get3A_43 = tpu.vector_load %arg8[%get3A_42] {strides = array<i32>} : memref<256xi32, #tpu.memory_space<vmem>>, vector<16xi32>,
    %get3A_44 = vector.shape_cast %get3A_43 : vector<16xi32> to vector<16xi32>
    %mul3A_45 = arith.constant 512 : i32
    %mul3A_46 = vector.broadcast %mul3A_45 : i32 to vector<16xi32>
    %mul3A_47 = arith.muli %get3A_44, %mul3A_46 : vector<16xi32>
    %get3A_48 = arith.constant 48 : index
    %get3A_49 = tpu.vector_load %arg7[%get3A_48] {strides = array<i32>} : memref<256xi32, #tpu.memory_space<vmem>>, vector<16xi32>,
    %get3A_50 = vector.shape_cast %get3A_49 : vector<16xi32> to vector<16xi32>
    %add3A_51 = arith.addi %mul3A_47, %get3A_50 : vector<16xi32>
    %swap3A_52 = arith.constant 48 : index
    %swap3A_53 = tpu.vector_load %arg9[%swap3A_52] {strides = array<i32>} : memref<256xi32, #tpu.memory_space<vmem>>, vector<16xi32>,
    %swap3A_54 = vector.shape_cast %swap3A_53 : vector<16xi32> to vector<16xi32>
    %swap3A_55 = vector.shape_cast %add3A_51 : vector<16xi32> to vector<16xi32>
    tpu.vector_store %arg9[%swap3A_52], %swap3A_55 {strides = array<i32>} : memref<256xi32, #tpu.memory_space<vmem>>, vector<16xi32>,
    %get3A_56 = arith.constant 64 : index
    %get3A_57 = tpu.vector_load %arg8[%get3A_56] {strides = array<i32>} : memref<256xi32, #tpu.memory_space<vmem>>, vector<16xi32>,
    %get3A_58 = vector.shape_cast %get3A_57 : vector<16xi32> to vector<16xi32>
    %mul3A_59 = arith.constant 512 : i32
    %mul3A_60 = vector.broadcast %mul3A_59 : i32 to vector<16xi32>
    %mul3A_61 = arith.muli %get3A_58, %mul3A_60 : vector<16xi32>
    %get3A_62 = arith.constant 64 : index
    %get3A_63 = tpu.vector_load %arg7[%get3A_62] {strides = array<i32>} : memref<256xi32, #tpu.memory_space<vmem>>, vector<16xi32>,
    %get3A_64 = vector.shape_cast %get3A_63 : vector<16xi32> to vector<16xi32>
    %add3A_65 = arith.addi %mul3A_61, %get3A_64 : vector<16xi32>
    %swap3A_66 = arith.constant 64 : index
    %swap3A_67 = tpu.vector_load %arg9[%swap3A_66] {strides = array<i32>} : memref<256xi32, #tpu.memory_space<vmem>>, vector<16xi32>,
    %swap3A_68 = vector.shape_cast %swap3A_67 : vector<16xi32> to vector<16xi32>
    %swap3A_69 = vector.shape_cast %add3A_65 : vector<16xi32> to vector<16xi32>
    tpu.vector_store %arg9[%swap3A_66], %swap3A_69 {strides = array<i32>} : memref<256xi32, #tpu.memory_space<vmem>>, vector<16xi32>,
    %get3A_70 = arith.constant 80 : index
    %get3A_71 = tpu.vector_load %arg8[%get3A_70] {strides = array<i32>} : memref<256xi32, #tpu.memory_space<vmem>>, vector<16xi32>,
    %get3A_72 = vector.shape_cast %get3A_71 : vector<16xi32> to vector<16xi32>
    %mul3A_73 = arith.constant 512 : i32
    %mul3A_74 = vector.broadcast %mul3A_73 : i32 to vector<16xi32>
    %mul3A_75 = arith.muli %get3A_72, %mul3A_74 : vector<16xi32>
    %get3A_76 = arith.constant 80 : index
    %get3A_77 = tpu.vector_load %arg7[%get3A_76] {strides = array<i32>} : memref<256xi32, #tpu.memory_space<vmem>>, vector<16xi32>,
    %get3A_78 = vector.shape_cast %get3A_77 : vector<16xi32> to vector<16xi32>
    %add3A_79 = arith.addi %mul3A_75, %get3A_78 : vector<16xi32>
    %swap3A_80 = arith.constant 80 : index
    %swap3A_81 = tpu.vector_load %arg9[%swap3A_80] {strides = array<i32>} : memref<256xi32, #tpu.memory_space<vmem>>, vector<16xi32>,
    %swap3A_82 = vector.shape_cast %swap3A_81 : vector<16xi32> to vector<16xi32>
    %swap3A_83 = vector.shape_cast %add3A_79 : vector<16xi32> to vector<16xi32>
    tpu.vector_store %arg9[%swap3A_80], %swap3A_83 {strides = array<i32>} : memref<256xi32, #tpu.memory_space<vmem>>, vector<16xi32>,
    %get3A_84 = arith.constant 96 : index
    %get3A_85 = tpu.vector_load %arg8[%get3A_84] {strides = array<i32>} : memref<256xi32, #tpu.memory_space<vmem>>, vector<16xi32>,
    %get3A_86 = vector.shape_cast %get3A_85 : vector<16xi32> to vector<16xi32>
    %mul3A_87 = arith.constant 512 : i32
    %mul3A_88 = vector.broadcast %mul3A_87 : i32 to vector<16xi32>
    %mul3A_89 = arith.muli %get3A_86, %mul3A_88 : vector<16xi32>
    %get3A_90 = arith.constant 96 : index
    %get3A_91 = tpu.vector_load %arg7[%get3A_90] {strides = array<i32>} : memref<256xi32, #tpu.memory_space<vmem>>, vector<16xi32>,
    %get3A_92 = vector.shape_cast %get3A_91 : vector<16xi32> to vector<16xi32>
    %add3A_93 = arith.addi %mul3A_89, %get3A_92 : vector<16xi32>
    %swap3A_94 = arith.constant 96 : index
    %swap3A_95 = tpu.vector_load %arg9[%swap3A_94] {strides = array<i32>} : memref<256xi32, #tpu.memory_space<vmem>>, vector<16xi32>,
    %swap3A_96 = vector.shape_cast %swap3A_95 : vector<16xi32> to vector<16xi32>
    %swap3A_97 = vector.shape_cast %add3A_93 : vector<16xi32> to vector<16xi32>
    tpu.vector_store %arg9[%swap3A_94], %swap3A_97 {strides = array<i32>} : memref<256xi32, #tpu.memory_space<vmem>>, vector<16xi32>,
    %get3A_98 = arith.constant 112 : index
    %get3A_99 = tpu.vector_load %arg8[%get3A_98] {strides = array<i32>} : memref<256xi32, #tpu.memory_space<vmem>>, vector<16xi32>,
    %get3A_100 = vector.shape_cast %get3A_99 : vector<16xi32> to vector<16xi32>
    %mul3A_101 = arith.constant 512 : i32
    %mul3A_102 = vector.broadcast %mul3A_101 : i32 to vector<16xi32>
    %mul3A_103 = arith.muli %get3A_100, %mul3A_102 : vector<16xi32>
    %get3A_104 = arith.constant 112 : index
    %get3A_105 = tpu.vector_load %arg7[%get3A_104] {strides = array<i32>} : memref<256xi32, #tpu.memory_space<vmem>>, vector<16xi32>,
    %get3A_106 = vector.shape_cast %get3A_105 : vector<16xi32> to vector<16xi32>
    %add3A_107 = arith.addi %mul3A_103, %get3A_106 : vector<16xi32>
    %swap3A_108 = arith.constant 112 : index
    %swap3A_109 = tpu.vector_load %arg9[%swap3A_108] {strides = array<i32>} : memref<256xi32, #tpu.memory_space<vmem>>, vector<16xi32>,
    %swap3A_110 = vector.shape_cast %swap3A_109 : vector<16xi32> to vector<16xi32>
    %swap3A_111 = vector.shape_cast %add3A_107 : vector<16xi32> to vector<16xi32>
    tpu.vector_store %arg9[%swap3A_108], %swap3A_111 {strides = array<i32>} : memref<256xi32, #tpu.memory_space<vmem>>, vector<16xi32>,
    %get3A_112 = arith.constant 128 : index
    %get3A_113 = tpu.vector_load %arg8[%get3A_112] {strides = array<i32>} : memref<256xi32, #tpu.memory_space<vmem>>, vector<16xi32>,
    %get3A_114 = vector.shape_cast %get3A_113 : vector<16xi32> to vector<16xi32>
    %mul3A_115 = arith.constant 512 : i32
    %mul3A_116 = vector.broadcast %mul3A_115 : i32 to vector<16xi32>
    %mul3A_117 = arith.muli %get3A_114, %mul3A_116 : vector<16xi32>
    %get3A_118 = arith.constant 128 : index
    %get3A_119 = tpu.vector_load %arg7[%get3A_118] {strides = array<i32>} : memref<256xi32, #tpu.memory_space<vmem>>, vector<16xi32>,
    %get3A_120 = vector.shape_cast %get3A_119 : vector<16xi32> to vector<16xi32>
    %add3A_121 = arith.addi %mul3A_117, %get3A_120 : vector<16xi32>
    %swap3A_122 = arith.constant 128 : index
    %swap3A_123 = tpu.vector_load %arg9[%swap3A_122] {strides = array<i32>} : memref<256xi32, #tpu.memory_space<vmem>>, vector<16xi32>,
    %swap3A_124 = vector.shape_cast %swap3A_123 : vector<16xi32> to vector<16xi32>
    %swap3A_125 = vector.shape_cast %add3A_121 : vector<16xi32> to vector<16xi32>
    tpu.vector_store %arg9[%swap3A_122], %swap3A_125 {strides = array<i32>} : memref<256xi32, #tpu.memory_space<vmem>>, vector<16xi32>,
    %get3A_126 = arith.constant 144 : index
    %get3A_127 = tpu.vector_load %arg8[%get3A_126] {strides = array<i32>} : memref<256xi32, #tpu.memory_space<vmem>>, vector<16xi32>,
    %get3A_128 = vector.shape_cast %get3A_127 : vector<16xi32> to vector<16xi32>
    %mul3A_129 = arith.constant 512 : i32
    %mul3A_130 = vector.broadcast %mul3A_129 : i32 to vector<16xi32>
    %mul3A_131 = arith.muli %get3A_128, %mul3A_130 : vector<16xi32>
    %get3A_132 = arith.constant 144 : index
    %get3A_133 = tpu.vector_load %arg7[%get3A_132] {strides = array<i32>} : memref<256xi32, #tpu.memory_space<vmem>>, vector<16xi32>,
    %get3A_134 = vector.shape_cast %get3A_133 : vector<16xi32> to vector<16xi32>
    %add3A_135 = arith.addi %mul3A_131, %get3A_134 : vector<16xi32>
    %swap3A_136 = arith.constant 144 : index
    %swap3A_137 = tpu.vector_load %arg9[%swap3A_136] {strides = array<i32>} : memref<256xi32, #tpu.memory_space<vmem>>, vector<16xi32>,
    %swap3A_138 = vector.shape_cast %swap3A_137 : vector<16xi32> to vector<16xi32>
    %swap3A_139 = vector.shape_cast %add3A_135 : vector<16xi32> to vector<16xi32>
    tpu.vector_store %arg9[%swap3A_136], %swap3A_139 {strides = array<i32>} : memref<256xi32, #tpu.memory_space<vmem>>, vector<16xi32>,
    %get3A_140 = arith.constant 160 : index
    %get3A_141 = tpu.vector_load %arg8[%get3A_140] {strides = array<i32>} : memref<256xi32, #tpu.memory_space<vmem>>, vector<16xi32>,
    %get3A_142 = vector.shape_cast %get3A_141 : vector<16xi32> to vector<16xi32>
    %mul3A_143 = arith.constant 512 : i32
    %mul3A_144 = vector.broadcast %mul3A_143 : i32 to vector<16xi32>
    %mul3A_145 = arith.muli %get3A_142, %mul3A_144 : vector<16xi32>
    %get3A_146 = arith.constant 160 : index
    %get3A_147 = tpu.vector_load %arg7[%get3A_146] {strides = array<i32>} : memref<256xi32, #tpu.memory_space<vmem>>, vector<16xi32>,
    %get3A_148 = vector.shape_cast %get3A_147 : vector<16xi32> to vector<16xi32>
    %add3A_149 = arith.addi %mul3A_145, %get3A_148 : vector<16xi32>
    %swap3A_150 = arith.constant 160 : index
    %swap3A_151 = tpu.vector_load %arg9[%swap3A_150] {strides = array<i32>} : memref<256xi32, #tpu.memory_space<vmem>>, vector<16xi32>,
    %swap3A_152 = vector.shape_cast %swap3A_151 : vector<16xi32> to vector<16xi32>
    %swap3A_153 = vector.shape_cast %add3A_149 : vector<16xi32> to vector<16xi32>
    tpu.vector_store %arg9[%swap3A_150], %swap3A_153 {strides = array<i32>} : memref<256xi32, #tpu.memory_space<vmem>>, vector<16xi32>,
    %get3A_154 = arith.constant 176 : index
    %get3A_155 = tpu.vector_load %arg8[%get3A_154] {strides = array<i32>} : memref<256xi32, #tpu.memory_space<vmem>>, vector<16xi32>,
    %get3A_156 = vector.shape_cast %get3A_155 : vector<16xi32> to vector<16xi32>
    %mul3A_157 = arith.constant 512 : i32
    %mul3A_158 = vector.broadcast %mul3A_157 : i32 to vector<16xi32>
    %mul3A_159 = arith.muli %get3A_156, %mul3A_158 : vector<16xi32>
    %get3A_160 = arith.constant 176 : index
    %get3A_161 = tpu.vector_load %arg7[%get3A_160] {strides = array<i32>} : memref<256xi32, #tpu.memory_space<vmem>>, vector<16xi32>,
    %get3A_162 = vector.shape_cast %get3A_161 : vector<16xi32> to vector<16xi32>
    %add3A_163 = arith.addi %mul3A_159, %get3A_162 : vector<16xi32>
    %swap3A_164 = arith.constant 176 : index
    %swap3A_165 = tpu.vector_load %arg9[%swap3A_164] {strides = array<i32>} : memref<256xi32, #tpu.memory_space<vmem>>, vector<16xi32>,
    %swap3A_166 = vector.shape_cast %swap3A_165 : vector<16xi32> to vector<16xi32>
    %swap3A_167 = vector.shape_cast %add3A_163 : vector<16xi32> to vector<16xi32>
    tpu.vector_store %arg9[%swap3A_164], %swap3A_167 {strides = array<i32>} : memref<256xi32, #tpu.memory_space<vmem>>, vector<16xi32>,
    %get3A_168 = arith.constant 192 : index
    %get3A_169 = tpu.vector_load %arg8[%get3A_168] {strides = array<i32>} : memref<256xi32, #tpu.memory_space<vmem>>, vector<16xi32>,
    %get3A_170 = vector.shape_cast %get3A_169 : vector<16xi32> to vector<16xi32>
    %mul3A_171 = arith.constant 512 : i32
    %mul3A_172 = vector.broadcast %mul3A_171 : i32 to vector<16xi32>
    %mul3A_173 = arith.muli %get3A_170, %mul3A_172 : vector<16xi32>
    %get3A_174 = arith.constant 192 : index
    %get3A_175 = tpu.vector_load %arg7[%get3A_174] {strides = array<i32>} : memref<256xi32, #tpu.memory_space<vmem>>, vector<16xi32>,
    %get3A_176 = vector.shape_cast %get3A_175 : vector<16xi32> to vector<16xi32>
    %add3A_177 = arith.addi %mul3A_173, %get3A_176 : vector<16xi32>
    %swap3A_178 = arith.constant 192 : index
    %swap3A_179 = tpu.vector_load %arg9[%swap3A_178] {strides = array<i32>} : memref<256xi32, #tpu.memory_space<vmem>>, vector<16xi32>,
    %swap3A_180 = vector.shape_cast %swap3A_179 : vector<16xi32> to vector<16xi32>
    %swap3A_181 = vector.shape_cast %add3A_177 : vector<16xi32> to vector<16xi32>
    tpu.vector_store %arg9[%swap3A_178], %swap3A_181 {strides = array<i32>} : memref<256xi32, #tpu.memory_space<vmem>>, vector<16xi32>,
    %get3A_182 = arith.constant 208 : index
    %get3A_183 = tpu.vector_load %arg8[%get3A_182] {strides = array<i32>} : memref<256xi32, #tpu.memory_space<vmem>>, vector<16xi32>,
    %get3A_184 = vector.shape_cast %get3A_183 : vector<16xi32> to vector<16xi32>
    %mul3A_185 = arith.constant 512 : i32
    %mul3A_186 = vector.broadcast %mul3A_185 : i32 to vector<16xi32>
    %mul3A_187 = arith.muli %get3A_184, %mul3A_186 : vector<16xi32>
    %get3A_188 = arith.constant 208 : index
    %get3A_189 = tpu.vector_load %arg7[%get3A_188] {strides = array<i32>} : memref<256xi32, #tpu.memory_space<vmem>>, vector<16xi32>,
    %get3A_190 = vector.shape_cast %get3A_189 : vector<16xi32> to vector<16xi32>
    %add3A_191 = arith.addi %mul3A_187, %get3A_190 : vector<16xi32>
    %swap3A_192 = arith.constant 208 : index
    %swap3A_193 = tpu.vector_load %arg9[%swap3A_192] {strides = array<i32>} : memref<256xi32, #tpu.memory_space<vmem>>, vector<16xi32>,
    %swap3A_194 = vector.shape_cast %swap3A_193 : vector<16xi32> to vector<16xi32>
    %swap3A_195 = vector.shape_cast %add3A_191 : vector<16xi32> to vector<16xi32>
    tpu.vector_store %arg9[%swap3A_192], %swap3A_195 {strides = array<i32>} : memref<256xi32, #tpu.memory_space<vmem>>, vector<16xi32>,
    %get3A_196 = arith.constant 224 : index
    %get3A_197 = tpu.vector_load %arg8[%get3A_196] {strides = array<i32>} : memref<256xi32, #tpu.memory_space<vmem>>, vector<16xi32>,
    %get3A_198 = vector.shape_cast %get3A_197 : vector<16xi32> to vector<16xi32>
    %mul3A_199 = arith.constant 512 : i32
    %mul3A_200 = vector.broadcast %mul3A_199 : i32 to vector<16xi32>
    %mul3A_201 = arith.muli %get3A_198, %mul3A_200 : vector<16xi32>
    %get3A_202 = arith.constant 224 : index
    %get3A_203 = tpu.vector_load %arg7[%get3A_202] {strides = array<i32>} : memref<256xi32, #tpu.memory_space<vmem>>, vector<16xi32>,
    %get3A_204 = vector.shape_cast %get3A_203 : vector<16xi32> to vector<16xi32>
    %add3A_205 = arith.addi %mul3A_201, %get3A_204 : vector<16xi32>
    %swap3A_206 = arith.constant 224 : index
    %swap3A_207 = tpu.vector_load %arg9[%swap3A_206] {strides = array<i32>} : memref<256xi32, #tpu.memory_space<vmem>>, vector<16xi32>,
    %swap3A_208 = vector.shape_cast %swap3A_207 : vector<16xi32> to vector<16xi32>
    %swap3A_209 = vector.shape_cast %add3A_205 : vector<16xi32> to vector<16xi32>
    tpu.vector_store %arg9[%swap3A_206], %swap3A_209 {strides = array<i32>} : memref<256xi32, #tpu.memory_space<vmem>>, vector<16xi32>,
    %get3A_210 = arith.constant 240 : index
    %get3A_211 = tpu.vector_load %arg8[%get3A_210] {strides = array<i32>} : memref<256xi32, #tpu.memory_space<vmem>>, vector<16xi32>,
    %get3A_212 = vector.shape_cast %get3A_211 : vector<16xi32> to vector<16xi32>
    %mul3A_213 = arith.constant 512 : i32
    %mul3A_214 = vector.broadcast %mul3A_213 : i32 to vector<16xi32>
    %mul3A_215 = arith.muli %get3A_212, %mul3A_214 : vector<16xi32>
    %get3A_216 = arith.constant 240 : index
    %get3A_217 = tpu.vector_load %arg7[%get3A_216] {strides = array<i32>} : memref<256xi32, #tpu.memory_space<vmem>>, vector<16xi32>,
    %get3A_218 = vector.shape_cast %get3A_217 : vector<16xi32> to vector<16xi32>
    %add3A_219 = arith.addi %mul3A_215, %get3A_218 : vector<16xi32>
    %swap3A_220 = arith.constant 240 : index
    %swap3A_221 = tpu.vector_load %arg9[%swap3A_220] {strides = array<i32>} : memref<256xi32, #tpu.memory_space<vmem>>, vector<16xi32>,
    %swap3A_222 = vector.shape_cast %swap3A_221 : vector<16xi32> to vector<16xi32>
    %swap3A_223 = vector.shape_cast %add3A_219 : vector<16xi32> to vector<16xi32>
    tpu.vector_store %arg9[%swap3A_220], %swap3A_223 {strides = array<i32>} : memref<256xi32, #tpu.memory_space<vmem>>, vector<16xi32>,
    %barrier3A = arith.constant 0 : index
    tpu.barrier barrier_id(%barrier3A)
    "tpu.region"() ({
      %run_scoped3A = tpu.sem_alloc : memref<!tpu.dma_semaphore, #tpu.memory_space<semaphore_mem>>
      %dma_start3A = arith.constant 0 : i32
      %dma_start3A_225 = tpu.memref_slice %arg11[%dma_start3A] : memref<262144xf32, #tpu.memory_space<vmem_shared>> -> memref<262144xf32, #tpu.memory_space<vmem_shared>>
      tpu.enqueue_indirect_dma source(%arg10 : memref<256xf32, #tpu.memory_space<vmem>>) target(%dma_start3A_225 : memref<262144xf32, #tpu.memory_space<vmem_shared>>) offsets(%arg9 : memref<256xi32, #tpu.memory_space<vmem>>) semaphore(%run_scoped3A : memref<!tpu.dma_semaphore, #tpu.memory_space<semaphore_mem>>) {add = true}
      %dma_wait3A = arith.constant 0 : i32
      %dma_wait3A_226 = tpu.memref_slice %arg11[%dma_wait3A] : memref<262144xf32, #tpu.memory_space<vmem_shared>> -> memref<262144xf32, #tpu.memory_space<vmem_shared>>
      tpu.wait_indirect_dma semaphore(%run_scoped3A : memref<!tpu.dma_semaphore, #tpu.memory_space<semaphore_mem>>) src(%arg10 : memref<256xf32, #tpu.memory_space<vmem>>) dst(%dma_wait3A_226 : memref<262144xf32, #tpu.memory_space<vmem_shared>>)
      tpu.yield
    }) : () -> ()
    %barrier3A_224 = arith.constant 0 : index
    tpu.barrier barrier_id(%barrier3A_224)
    "tpu.region"() ({
      %run_scoped3A = tpu.sem_alloc : memref<!tpu.dma_semaphore, #tpu.memory_space<semaphore_mem>>
      %dma_start3A = tpu.memref_slice %arg6[%mul3A_2] : memref<262144xf32, #tpu.memory_space<hbm>> -> memref<16384xf32, #tpu.memory_space<hbm>>
      %dma_start3A_225 = tpu.memref_slice %arg11[%mul3A_2] : memref<262144xf32, #tpu.memory_space<vmem_shared>> -> memref<16384xf32, #tpu.memory_space<vmem_shared>>
      tpu.enqueue_dma source(%dma_start3A_225 : memref<16384xf32, #tpu.memory_space<vmem_shared>>) target(%dma_start3A : memref<16384xf32, #tpu.memory_space<hbm>>) target_semaphore(%run_scoped3A : memref<!tpu.dma_semaphore, #tpu.memory_space<semaphore_mem>>)
      %dma_wait3A = tpu.memref_slice %arg6[%mul3A_2] : memref<262144xf32, #tpu.memory_space<hbm>> -> memref<16384xf32, #tpu.memory_space<hbm>>
      %dma_wait3A_226 = tpu.memref_slice %arg11[%mul3A_2] : memref<262144xf32, #tpu.memory_space<vmem_shared>> -> memref<16384xf32, #tpu.memory_space<vmem_shared>>
      tpu.wait_dma2 semaphore(%run_scoped3A : memref<!tpu.dma_semaphore, #tpu.memory_space<semaphore_mem>>) src(%dma_wait3A_226 : memref<16384xf32, #tpu.memory_space<vmem_shared>>) dst(%dma_wait3A : memref<16384xf32, #tpu.memory_space<hbm>>)
      tpu.yield
    }) : () -> ()
    return
  }
}

module attributes {stable_mosaic.version = 14 : i64} {
  func.func @_layers_kernel(%arg0: i32, %arg1: memref<512x512xbf16, #tpu.memory_space<vmem>>, %arg2: memref<512x512xbf16, #tpu.memory_space<vmem>>, %arg3: memref<512x8192xbf16, #tpu.memory_space<vmem>>, %arg4: memref<128x128xbf16, #tpu.memory_space<vmem>>, %arg5: memref<8x128xf32, #tpu.memory_space<vmem>>, %arg6: memref<128x128xbf16, #tpu.memory_space<vmem>>, %arg7: memref<8x128xf32, #tpu.memory_space<vmem>>, %arg8: memref<128x128xbf16, #tpu.memory_space<vmem>>, %arg9: memref<8x128xf32, #tpu.memory_space<vmem>>, %arg10: memref<128x128xbf16, #tpu.memory_space<vmem>>, %arg11: memref<512x16xf32, #tpu.memory_space<vmem>>, %arg12: memref<512x8192xbf16, #tpu.memory_space<vmem>>, %arg13: memref<512x8192xbf16, #tpu.memory_space<vmem>>) attributes {dimension_semantics = [#tpu.dimension_semantics<arbitrary>], iteration_bounds = array<i64: 2>, scalar_prefetch = 0 : i64, scratch_operands = 2 : i64, tpu.core_type = #tpu.core_type<tc>, window_params = [{transform_indices = @transform_0, window_bounds = array<i64: 512, 512>}, {transform_indices = @transform_1, window_bounds = array<i64: 512, 512>}, {pipeline_mode = #tpu.pipeline_mode<synchronous>, transform_indices = @transform_2, window_bounds = array<i64: 512, 8192>}, {pipeline_mode = #tpu.pipeline_mode<synchronous>, transform_indices = @transform_3, window_bounds = array<i64: 128, 128>}, {pipeline_mode = #tpu.pipeline_mode<synchronous>, transform_indices = @transform_4, window_bounds = array<i64: 8, 128>}, {pipeline_mode = #tpu.pipeline_mode<synchronous>, transform_indices = @transform_5, window_bounds = array<i64: 128, 128>}, {pipeline_mode = #tpu.pipeline_mode<synchronous>, transform_indices = @transform_6, window_bounds = array<i64: 8, 128>}, {pipeline_mode = #tpu.pipeline_mode<synchronous>, transform_indices = @transform_7, window_bounds = array<i64: 128, 128>}, {pipeline_mode = #tpu.pipeline_mode<synchronous>, transform_indices = @transform_8, window_bounds = array<i64: 8, 128>}, {pipeline_mode = #tpu.pipeline_mode<synchronous>, transform_indices = @transform_9, window_bounds = array<i64: 128, 128>}, {transform_indices = @transform_10, window_bounds = array<i64: 512, 16>}]} {
    %jit3A = arith.constant 1 : i32
    %eq3A = arith.constant 0 : i32
    %eq3A_0 = arith.cmpi eq, %jit3A, %eq3A : i32
    %jit3A_1 = arith.constant 1 : i32
    %select_n3A = arith.select %eq3A_0, %jit3A_1, %jit3A : i32
    %rem3A = arith.remsi %arg0, %select_n3A : i32
    %ne3A = arith.constant 0 : i32
    %ne3A_2 = arith.cmpi ne, %rem3A, %ne3A : i32
    %lt3A = arith.constant 0 : i32
    %lt3A_3 = arith.cmpi slt, %rem3A, %lt3A : i32
    %lt3A_4 = arith.constant 0 : i32
    %lt3A_5 = arith.cmpi slt, %select_n3A, %lt3A_4 : i32
    %ne3A_6 = arith.xori %lt3A_3, %lt3A_5 : i1
    %and3A = arith.andi %ne3A_6, %ne3A_2 : i1
    %add3A = arith.addi %rem3A, %select_n3A : i32
    %select_n3A_7 = arith.select %and3A, %add3A, %rem3A : i32
    %mul3A = arith.constant 512 : i32
    %mul3A_8 = arith.muli %select_n3A_7, %mul3A : i32
    %lt3A_9 = arith.constant 1 : i32
    %lt3A_10 = arith.cmpi slt, %arg0, %lt3A_9 : i32
    %convert_element_type3A = arith.extui %lt3A_10 : i1 to i32
    %cond3A = arith.constant 0 : i32
    %cond3A_11 = arith.cmpi ne, %convert_element_type3A, %cond3A : i32
    scf.if %cond3A_11 {
      %get3A = arith.constant 0 : index
      %get3A_16 = arith.constant 0 : index
      %get3A_17 = vector.load %arg4[%get3A, %get3A_16] : memref<128x128xbf16, #tpu.memory_space<vmem>>, vector<128x128xbf16>
      %get3A_18 = arith.constant 0 : index
      %get3A_19 = arith.constant 0 : index
      %get3A_20 = vector.load %arg6[%get3A_18, %get3A_19] : memref<128x128xbf16, #tpu.memory_space<vmem>>, vector<128x128xbf16>
      %get3A_21 = arith.constant 0 : index
      %get3A_22 = arith.constant 0 : index
      %get3A_23 = vector.load %arg5[%get3A_21, %get3A_22] : memref<8x128xf32, #tpu.memory_space<vmem>>, vector<1x128xf32>
      %get3A_24 = arith.constant 0 : index
      %get3A_25 = arith.constant 0 : index
      %get3A_26 = vector.load %arg7[%get3A_24, %get3A_25] : memref<8x128xf32, #tpu.memory_space<vmem>>, vector<1x128xf32>
      %get3A_27 = arith.constant 0 : index
      %get3A_28 = arith.constant 0 : index
      %get3A_29 = vector.load %arg1[%get3A_27, %get3A_28] : memref<512x512xbf16, #tpu.memory_space<vmem>>, vector<512x512xbf16>
      %get3A_30 = arith.constant 0 : index
      %get3A_31 = arith.constant 0 : index
      %get3A_32 = vector.load %arg3[%get3A_30, %get3A_31] : memref<512x8192xbf16, #tpu.memory_space<vmem>>, vector<512x8192xbf16>
      %dot_general3A = arith.constant dense<0.000000e+00> : vector<512x8192xf32>
      %dot_general3A_33 = tpu.matmul %get3A_29, %get3A_32, %dot_general3A {dimension_numbers = #tpu.dot_dimension_numbers<[1], [0], [0], [1], [0, 0, 1, 1], [], []>, transpose_lhs_hint = false} : vector<512x512xbf16>, vector<512x8192xbf16>, vector<512x8192xf32> -> vector<512x8192xf32>
      %convert_element_type3A_34 = arith.truncf %dot_general3A_33 : vector<512x8192xf32> to vector<512x8192xbf16>
      %swap3A = arith.constant 0 : index
      %swap3A_35 = arith.constant 0 : index
      %swap3A_36 = vector.load %arg13[%swap3A, %swap3A_35] : memref<512x8192xbf16, #tpu.memory_space<vmem>>, vector<512x8192xbf16>
      tpu.vector_store %arg13[%swap3A, %swap3A_35], %convert_element_type3A_34 {strides = array<i32>} : memref<512x8192xbf16, #tpu.memory_space<vmem>>, vector<512x8192xbf16>,
      %get3A_37 = arith.constant 0 : index
      %get3A_38 = arith.constant 0 : index
      %get3A_39 = vector.load %arg13[%get3A_37, %get3A_38] : memref<512x8192xbf16, #tpu.memory_space<vmem>>, vector<512x128xbf16>
      %dot_general3A_40 = arith.constant dense<0.000000e+00> : vector<512x128xf32>
      %dot_general3A_41 = tpu.matmul %get3A_39, %get3A_17, %dot_general3A_40 {dimension_numbers = #tpu.dot_dimension_numbers<[1], [0], [0], [1], [0, 0, 1, 1], [], []>, transpose_lhs_hint = false} : vector<512x128xbf16>, vector<128x128xbf16>, vector<512x128xf32> -> vector<512x128xf32>
      %add3A_42 = vector.broadcast %get3A_23 : vector<1x128xf32> to vector<512x128xf32>
      %add3A_43 = arith.addf %dot_general3A_41, %add3A_42 : vector<512x128xf32>
      %max3A = arith.constant 0.000000e+00 : f32
      %max3A_44 = vector.broadcast %max3A : f32 to vector<512x128xf32>
      %max3A_45 = arith.maximumf %add3A_43, %max3A_44 : vector<512x128xf32>
      %convert_element_type3A_46 = arith.truncf %max3A_45 : vector<512x128xf32> to vector<512x128xbf16>
      %dot_general3A_47 = arith.constant dense<0.000000e+00> : vector<512x128xf32>
      %dot_general3A_48 = tpu.matmul %convert_element_type3A_46, %get3A_20, %dot_general3A_47 {dimension_numbers = #tpu.dot_dimension_numbers<[1], [0], [0], [1], [0, 0, 1, 1], [], []>, transpose_lhs_hint = false} : vector<512x128xbf16>, vector<128x128xbf16>, vector<512x128xf32> -> vector<512x128xf32>
      %add3A_49 = vector.broadcast %get3A_26 : vector<1x128xf32> to vector<512x128xf32>
      %add3A_50 = arith.addf %dot_general3A_48, %add3A_49 : vector<512x128xf32>
      %convert_element_type3A_51 = arith.truncf %add3A_50 : vector<512x128xf32> to vector<512x128xbf16>
      %swap3A_52 = arith.index_cast %mul3A_8 : i32 to index
      %swap3A_53 = arith.constant 0 : index
      %swap3A_54 = vector.load %arg12[%swap3A_52, %swap3A_53] : memref<512x8192xbf16, #tpu.memory_space<vmem>>, vector<512x128xbf16>
      tpu.vector_store %arg12[%swap3A_52, %swap3A_53], %convert_element_type3A_51 {strides = array<i32>} : memref<512x8192xbf16, #tpu.memory_space<vmem>>, vector<512x128xbf16>,
      %get3A_55 = arith.constant 0 : index
      %get3A_56 = arith.constant 128 : index
      %get3A_57 = vector.load %arg13[%get3A_55, %get3A_56] : memref<512x8192xbf16, #tpu.memory_space<vmem>>, vector<512x128xbf16>
      %dot_general3A_58 = arith.constant dense<0.000000e+00> : vector<512x128xf32>
      %dot_general3A_59 = tpu.matmul %get3A_57, %get3A_17, %dot_general3A_58 {dimension_numbers = #tpu.dot_dimension_numbers<[1], [0], [0], [1], [0, 0, 1, 1], [], []>, transpose_lhs_hint = false} : vector<512x128xbf16>, vector<128x128xbf16>, vector<512x128xf32> -> vector<512x128xf32>
      %add3A_60 = vector.broadcast %get3A_23 : vector<1x128xf32> to vector<512x128xf32>
      %add3A_61 = arith.addf %dot_general3A_59, %add3A_60 : vector<512x128xf32>
      %max3A_62 = arith.constant 0.000000e+00 : f32
      %max3A_63 = vector.broadcast %max3A_62 : f32 to vector<512x128xf32>
      %max3A_64 = arith.maximumf %add3A_61, %max3A_63 : vector<512x128xf32>
      %convert_element_type3A_65 = arith.truncf %max3A_64 : vector<512x128xf32> to vector<512x128xbf16>
      %dot_general3A_66 = arith.constant dense<0.000000e+00> : vector<512x128xf32>
      %dot_general3A_67 = tpu.matmul %convert_element_type3A_65, %get3A_20, %dot_general3A_66 {dimension_numbers = #tpu.dot_dimension_numbers<[1], [0], [0], [1], [0, 0, 1, 1], [], []>, transpose_lhs_hint = false} : vector<512x128xbf16>, vector<128x128xbf16>, vector<512x128xf32> -> vector<512x128xf32>
      %add3A_68 = vector.broadcast %get3A_26 : vector<1x128xf32> to vector<512x128xf32>
      %add3A_69 = arith.addf %dot_general3A_67, %add3A_68 : vector<512x128xf32>
      %convert_element_type3A_70 = arith.truncf %add3A_69 : vector<512x128xf32> to vector<512x128xbf16>
      %swap3A_71 = arith.index_cast %mul3A_8 : i32 to index
      %swap3A_72 = arith.constant 128 : index
      %swap3A_73 = vector.load %arg12[%swap3A_71, %swap3A_72] : memref<512x8192xbf16, #tpu.memory_space<vmem>>, vector<512x128xbf16>
      tpu.vector_store %arg12[%swap3A_71, %swap3A_72], %convert_element_type3A_70 {strides = array<i32>} : memref<512x8192xbf16, #tpu.memory_space<vmem>>, vector<512x128xbf16>,
      %get3A_74 = arith.constant 0 : index
      %get3A_75 = arith.constant 256 : index
      %get3A_76 = vector.load %arg13[%get3A_74, %get3A_75] : memref<512x8192xbf16, #tpu.memory_space<vmem>>, vector<512x128xbf16>
      %dot_general3A_77 = arith.constant dense<0.000000e+00> : vector<512x128xf32>
      %dot_general3A_78 = tpu.matmul %get3A_76, %get3A_17, %dot_general3A_77 {dimension_numbers = #tpu.dot_dimension_numbers<[1], [0], [0], [1], [0, 0, 1, 1], [], []>, transpose_lhs_hint = false} : vector<512x128xbf16>, vector<128x128xbf16>, vector<512x128xf32> -> vector<512x128xf32>
      %add3A_79 = vector.broadcast %get3A_23 : vector<1x128xf32> to vector<512x128xf32>
      %add3A_80 = arith.addf %dot_general3A_78, %add3A_79 : vector<512x128xf32>
      %max3A_81 = arith.constant 0.000000e+00 : f32
      %max3A_82 = vector.broadcast %max3A_81 : f32 to vector<512x128xf32>
      %max3A_83 = arith.maximumf %add3A_80, %max3A_82 : vector<512x128xf32>
      %convert_element_type3A_84 = arith.truncf %max3A_83 : vector<512x128xf32> to vector<512x128xbf16>
      %dot_general3A_85 = arith.constant dense<0.000000e+00> : vector<512x128xf32>
      %dot_general3A_86 = tpu.matmul %convert_element_type3A_84, %get3A_20, %dot_general3A_85 {dimension_numbers = #tpu.dot_dimension_numbers<[1], [0], [0], [1], [0, 0, 1, 1], [], []>, transpose_lhs_hint = false} : vector<512x128xbf16>, vector<128x128xbf16>, vector<512x128xf32> -> vector<512x128xf32>
      %add3A_87 = vector.broadcast %get3A_26 : vector<1x128xf32> to vector<512x128xf32>
      %add3A_88 = arith.addf %dot_general3A_86, %add3A_87 : vector<512x128xf32>
      %convert_element_type3A_89 = arith.truncf %add3A_88 : vector<512x128xf32> to vector<512x128xbf16>
      %swap3A_90 = arith.index_cast %mul3A_8 : i32 to index
      %swap3A_91 = arith.constant 256 : index
      %swap3A_92 = vector.load %arg12[%swap3A_90, %swap3A_91] : memref<512x8192xbf16, #tpu.memory_space<vmem>>, vector<512x128xbf16>
      tpu.vector_store %arg12[%swap3A_90, %swap3A_91], %convert_element_type3A_89 {strides = array<i32>} : memref<512x8192xbf16, #tpu.memory_space<vmem>>, vector<512x128xbf16>,
      %get3A_93 = arith.constant 0 : index
      %get3A_94 = arith.constant 384 : index
      %get3A_95 = vector.load %arg13[%get3A_93, %get3A_94] : memref<512x8192xbf16, #tpu.memory_space<vmem>>, vector<512x128xbf16>
      %dot_general3A_96 = arith.constant dense<0.000000e+00> : vector<512x128xf32>
      %dot_general3A_97 = tpu.matmul %get3A_95, %get3A_17, %dot_general3A_96 {dimension_numbers = #tpu.dot_dimension_numbers<[1], [0], [0], [1], [0, 0, 1, 1], [], []>, transpose_lhs_hint = false} : vector<512x128xbf16>, vector<128x128xbf16>, vector<512x128xf32> -> vector<512x128xf32>
      %add3A_98 = vector.broadcast %get3A_23 : vector<1x128xf32> to vector<512x128xf32>
      %add3A_99 = arith.addf %dot_general3A_97, %add3A_98 : vector<512x128xf32>
      %max3A_100 = arith.constant 0.000000e+00 : f32
      %max3A_101 = vector.broadcast %max3A_100 : f32 to vector<512x128xf32>
      %max3A_102 = arith.maximumf %add3A_99, %max3A_101 : vector<512x128xf32>
      %convert_element_type3A_103 = arith.truncf %max3A_102 : vector<512x128xf32> to vector<512x128xbf16>
      %dot_general3A_104 = arith.constant dense<0.000000e+00> : vector<512x128xf32>
      %dot_general3A_105 = tpu.matmul %convert_element_type3A_103, %get3A_20, %dot_general3A_104 {dimension_numbers = #tpu.dot_dimension_numbers<[1], [0], [0], [1], [0, 0, 1, 1], [], []>, transpose_lhs_hint = false} : vector<512x128xbf16>, vector<128x128xbf16>, vector<512x128xf32> -> vector<512x128xf32>
      %add3A_106 = vector.broadcast %get3A_26 : vector<1x128xf32> to vector<512x128xf32>
      %add3A_107 = arith.addf %dot_general3A_105, %add3A_106 : vector<512x128xf32>
      %convert_element_type3A_108 = arith.truncf %add3A_107 : vector<512x128xf32> to vector<512x128xbf16>
      %swap3A_109 = arith.index_cast %mul3A_8 : i32 to index
      %swap3A_110 = arith.constant 384 : index
      %swap3A_111 = vector.load %arg12[%swap3A_109, %swap3A_110] : memref<512x8192xbf16, #tpu.memory_space<vmem>>, vector<512x128xbf16>
      tpu.vector_store %arg12[%swap3A_109, %swap3A_110], %convert_element_type3A_108 {strides = array<i32>} : memref<512x8192xbf16, #tpu.memory_space<vmem>>, vector<512x128xbf16>,
      %get3A_112 = arith.constant 0 : index
      %get3A_113 = arith.constant 512 : index
      %get3A_114 = vector.load %arg13[%get3A_112, %get3A_113] : memref<512x8192xbf16, #tpu.memory_space<vmem>>, vector<512x128xbf16>
      %dot_general3A_115 = arith.constant dense<0.000000e+00> : vector<512x128xf32>
      %dot_general3A_116 = tpu.matmul %get3A_114, %get3A_17, %dot_general3A_115 {dimension_numbers = #tpu.dot_dimension_numbers<[1], [0], [0], [1], [0, 0, 1, 1], [], []>, transpose_lhs_hint = false} : vector<512x128xbf16>, vector<128x128xbf16>, vector<512x128xf32> -> vector<512x128xf32>
      %add3A_117 = vector.broadcast %get3A_23 : vector<1x128xf32> to vector<512x128xf32>
      %add3A_118 = arith.addf %dot_general3A_116, %add3A_117 : vector<512x128xf32>
      %max3A_119 = arith.constant 0.000000e+00 : f32
      %max3A_120 = vector.broadcast %max3A_119 : f32 to vector<512x128xf32>
      %max3A_121 = arith.maximumf %add3A_118, %max3A_120 : vector<512x128xf32>
      %convert_element_type3A_122 = arith.truncf %max3A_121 : vector<512x128xf32> to vector<512x128xbf16>
      %dot_general3A_123 = arith.constant dense<0.000000e+00> : vector<512x128xf32>
      %dot_general3A_124 = tpu.matmul %convert_element_type3A_122, %get3A_20, %dot_general3A_123 {dimension_numbers = #tpu.dot_dimension_numbers<[1], [0], [0], [1], [0, 0, 1, 1], [], []>, transpose_lhs_hint = false} : vector<512x128xbf16>, vector<128x128xbf16>, vector<512x128xf32> -> vector<512x128xf32>
      %add3A_125 = vector.broadcast %get3A_26 : vector<1x128xf32> to vector<512x128xf32>
      %add3A_126 = arith.addf %dot_general3A_124, %add3A_125 : vector<512x128xf32>
      %convert_element_type3A_127 = arith.truncf %add3A_126 : vector<512x128xf32> to vector<512x128xbf16>
      %swap3A_128 = arith.index_cast %mul3A_8 : i32 to index
      %swap3A_129 = arith.constant 512 : index
      %swap3A_130 = vector.load %arg12[%swap3A_128, %swap3A_129] : memref<512x8192xbf16, #tpu.memory_space<vmem>>, vector<512x128xbf16>
      tpu.vector_store %arg12[%swap3A_128, %swap3A_129], %convert_element_type3A_127 {strides = array<i32>} : memref<512x8192xbf16, #tpu.memory_space<vmem>>, vector<512x128xbf16>,
      %get3A_131 = arith.constant 0 : index
      %get3A_132 = arith.constant 640 : index
      %get3A_133 = vector.load %arg13[%get3A_131, %get3A_132] : memref<512x8192xbf16, #tpu.memory_space<vmem>>, vector<512x128xbf16>
      %dot_general3A_134 = arith.constant dense<0.000000e+00> : vector<512x128xf32>
      %dot_general3A_135 = tpu.matmul %get3A_133, %get3A_17, %dot_general3A_134 {dimension_numbers = #tpu.dot_dimension_numbers<[1], [0], [0], [1], [0, 0, 1, 1], [], []>, transpose_lhs_hint = false} : vector<512x128xbf16>, vector<128x128xbf16>, vector<512x128xf32> -> vector<512x128xf32>
      %add3A_136 = vector.broadcast %get3A_23 : vector<1x128xf32> to vector<512x128xf32>
      %add3A_137 = arith.addf %dot_general3A_135, %add3A_136 : vector<512x128xf32>
      %max3A_138 = arith.constant 0.000000e+00 : f32
      %max3A_139 = vector.broadcast %max3A_138 : f32 to vector<512x128xf32>
      %max3A_140 = arith.maximumf %add3A_137, %max3A_139 : vector<512x128xf32>
      %convert_element_type3A_141 = arith.truncf %max3A_140 : vector<512x128xf32> to vector<512x128xbf16>
      %dot_general3A_142 = arith.constant dense<0.000000e+00> : vector<512x128xf32>
      %dot_general3A_143 = tpu.matmul %convert_element_type3A_141, %get3A_20, %dot_general3A_142 {dimension_numbers = #tpu.dot_dimension_numbers<[1], [0], [0], [1], [0, 0, 1, 1], [], []>, transpose_lhs_hint = false} : vector<512x128xbf16>, vector<128x128xbf16>, vector<512x128xf32> -> vector<512x128xf32>
      %add3A_144 = vector.broadcast %get3A_26 : vector<1x128xf32> to vector<512x128xf32>
      %add3A_145 = arith.addf %dot_general3A_143, %add3A_144 : vector<512x128xf32>
      %convert_element_type3A_146 = arith.truncf %add3A_145 : vector<512x128xf32> to vector<512x128xbf16>
      %swap3A_147 = arith.index_cast %mul3A_8 : i32 to index
      %swap3A_148 = arith.constant 640 : index
      %swap3A_149 = vector.load %arg12[%swap3A_147, %swap3A_148] : memref<512x8192xbf16, #tpu.memory_space<vmem>>, vector<512x128xbf16>
      tpu.vector_store %arg12[%swap3A_147, %swap3A_148], %convert_element_type3A_146 {strides = array<i32>} : memref<512x8192xbf16, #tpu.memory_space<vmem>>, vector<512x128xbf16>,
      %get3A_150 = arith.constant 0 : index
      %get3A_151 = arith.constant 768 : index
      %get3A_152 = vector.load %arg13[%get3A_150, %get3A_151] : memref<512x8192xbf16, #tpu.memory_space<vmem>>, vector<512x128xbf16>
      %dot_general3A_153 = arith.constant dense<0.000000e+00> : vector<512x128xf32>
      %dot_general3A_154 = tpu.matmul %get3A_152, %get3A_17, %dot_general3A_153 {dimension_numbers = #tpu.dot_dimension_numbers<[1], [0], [0], [1], [0, 0, 1, 1], [], []>, transpose_lhs_hint = false} : vector<512x128xbf16>, vector<128x128xbf16>, vector<512x128xf32> -> vector<512x128xf32>
      %add3A_155 = vector.broadcast %get3A_23 : vector<1x128xf32> to vector<512x128xf32>
      %add3A_156 = arith.addf %dot_general3A_154, %add3A_155 : vector<512x128xf32>
      %max3A_157 = arith.constant 0.000000e+00 : f32
      %max3A_158 = vector.broadcast %max3A_157 : f32 to vector<512x128xf32>
      %max3A_159 = arith.maximumf %add3A_156, %max3A_158 : vector<512x128xf32>
      %convert_element_type3A_160 = arith.truncf %max3A_159 : vector<512x128xf32> to vector<512x128xbf16>
      %dot_general3A_161 = arith.constant dense<0.000000e+00> : vector<512x128xf32>
      %dot_general3A_162 = tpu.matmul %convert_element_type3A_160, %get3A_20, %dot_general3A_161 {dimension_numbers = #tpu.dot_dimension_numbers<[1], [0], [0], [1], [0, 0, 1, 1], [], []>, transpose_lhs_hint = false} : vector<512x128xbf16>, vector<128x128xbf16>, vector<512x128xf32> -> vector<512x128xf32>
      %add3A_163 = vector.broadcast %get3A_26 : vector<1x128xf32> to vector<512x128xf32>
      %add3A_164 = arith.addf %dot_general3A_162, %add3A_163 : vector<512x128xf32>
      %convert_element_type3A_165 = arith.truncf %add3A_164 : vector<512x128xf32> to vector<512x128xbf16>
      %swap3A_166 = arith.index_cast %mul3A_8 : i32 to index
      %swap3A_167 = arith.constant 768 : index
      %swap3A_168 = vector.load %arg12[%swap3A_166, %swap3A_167] : memref<512x8192xbf16, #tpu.memory_space<vmem>>, vector<512x128xbf16>
      tpu.vector_store %arg12[%swap3A_166, %swap3A_167], %convert_element_type3A_165 {strides = array<i32>} : memref<512x8192xbf16, #tpu.memory_space<vmem>>, vector<512x128xbf16>,
      %get3A_169 = arith.constant 0 : index
      %get3A_170 = arith.constant 896 : index
      %get3A_171 = vector.load %arg13[%get3A_169, %get3A_170] : memref<512x8192xbf16, #tpu.memory_space<vmem>>, vector<512x128xbf16>
      %dot_general3A_172 = arith.constant dense<0.000000e+00> : vector<512x128xf32>
      %dot_general3A_173 = tpu.matmul %get3A_171, %get3A_17, %dot_general3A_172 {dimension_numbers = #tpu.dot_dimension_numbers<[1], [0], [0], [1], [0, 0, 1, 1], [], []>, transpose_lhs_hint = false} : vector<512x128xbf16>, vector<128x128xbf16>, vector<512x128xf32> -> vector<512x128xf32>
      %add3A_174 = vector.broadcast %get3A_23 : vector<1x128xf32> to vector<512x128xf32>
      %add3A_175 = arith.addf %dot_general3A_173, %add3A_174 : vector<512x128xf32>
      %max3A_176 = arith.constant 0.000000e+00 : f32
      %max3A_177 = vector.broadcast %max3A_176 : f32 to vector<512x128xf32>
      %max3A_178 = arith.maximumf %add3A_175, %max3A_177 : vector<512x128xf32>
      %convert_element_type3A_179 = arith.truncf %max3A_178 : vector<512x128xf32> to vector<512x128xbf16>
      %dot_general3A_180 = arith.constant dense<0.000000e+00> : vector<512x128xf32>
      %dot_general3A_181 = tpu.matmul %convert_element_type3A_179, %get3A_20, %dot_general3A_180 {dimension_numbers = #tpu.dot_dimension_numbers<[1], [0], [0], [1], [0, 0, 1, 1], [], []>, transpose_lhs_hint = false} : vector<512x128xbf16>, vector<128x128xbf16>, vector<512x128xf32> -> vector<512x128xf32>
      %add3A_182 = vector.broadcast %get3A_26 : vector<1x128xf32> to vector<512x128xf32>
      %add3A_183 = arith.addf %dot_general3A_181, %add3A_182 : vector<512x128xf32>
      %convert_element_type3A_184 = arith.truncf %add3A_183 : vector<512x128xf32> to vector<512x128xbf16>
      %swap3A_185 = arith.index_cast %mul3A_8 : i32 to index
      %swap3A_186 = arith.constant 896 : index
      %swap3A_187 = vector.load %arg12[%swap3A_185, %swap3A_186] : memref<512x8192xbf16, #tpu.memory_space<vmem>>, vector<512x128xbf16>
      tpu.vector_store %arg12[%swap3A_185, %swap3A_186], %convert_element_type3A_184 {strides = array<i32>} : memref<512x8192xbf16, #tpu.memory_space<vmem>>, vector<512x128xbf16>,
      %get3A_188 = arith.constant 0 : index
      %get3A_189 = arith.constant 1024 : index
      %get3A_190 = vector.load %arg13[%get3A_188, %get3A_189] : memref<512x8192xbf16, #tpu.memory_space<vmem>>, vector<512x128xbf16>
      %dot_general3A_191 = arith.constant dense<0.000000e+00> : vector<512x128xf32>
      %dot_general3A_192 = tpu.matmul %get3A_190, %get3A_17, %dot_general3A_191 {dimension_numbers = #tpu.dot_dimension_numbers<[1], [0], [0], [1], [0, 0, 1, 1], [], []>, transpose_lhs_hint = false} : vector<512x128xbf16>, vector<128x128xbf16>, vector<512x128xf32> -> vector<512x128xf32>
      %add3A_193 = vector.broadcast %get3A_23 : vector<1x128xf32> to vector<512x128xf32>
      %add3A_194 = arith.addf %dot_general3A_192, %add3A_193 : vector<512x128xf32>
      %max3A_195 = arith.constant 0.000000e+00 : f32
      %max3A_196 = vector.broadcast %max3A_195 : f32 to vector<512x128xf32>
      %max3A_197 = arith.maximumf %add3A_194, %max3A_196 : vector<512x128xf32>
      %convert_element_type3A_198 = arith.truncf %max3A_197 : vector<512x128xf32> to vector<512x128xbf16>
      %dot_general3A_199 = arith.constant dense<0.000000e+00> : vector<512x128xf32>
      %dot_general3A_200 = tpu.matmul %convert_element_type3A_198, %get3A_20, %dot_general3A_199 {dimension_numbers = #tpu.dot_dimension_numbers<[1], [0], [0], [1], [0, 0, 1, 1], [], []>, transpose_lhs_hint = false} : vector<512x128xbf16>, vector<128x128xbf16>, vector<512x128xf32> -> vector<512x128xf32>
      %add3A_201 = vector.broadcast %get3A_26 : vector<1x128xf32> to vector<512x128xf32>
      %add3A_202 = arith.addf %dot_general3A_200, %add3A_201 : vector<512x128xf32>
      %convert_element_type3A_203 = arith.truncf %add3A_202 : vector<512x128xf32> to vector<512x128xbf16>
      %swap3A_204 = arith.index_cast %mul3A_8 : i32 to index
      %swap3A_205 = arith.constant 1024 : index
      %swap3A_206 = vector.load %arg12[%swap3A_204, %swap3A_205] : memref<512x8192xbf16, #tpu.memory_space<vmem>>, vector<512x128xbf16>
      tpu.vector_store %arg12[%swap3A_204, %swap3A_205], %convert_element_type3A_203 {strides = array<i32>} : memref<512x8192xbf16, #tpu.memory_space<vmem>>, vector<512x128xbf16>,
      %get3A_207 = arith.constant 0 : index
      %get3A_208 = arith.constant 1152 : index
      %get3A_209 = vector.load %arg13[%get3A_207, %get3A_208] : memref<512x8192xbf16, #tpu.memory_space<vmem>>, vector<512x128xbf16>
      %dot_general3A_210 = arith.constant dense<0.000000e+00> : vector<512x128xf32>
      %dot_general3A_211 = tpu.matmul %get3A_209, %get3A_17, %dot_general3A_210 {dimension_numbers = #tpu.dot_dimension_numbers<[1], [0], [0], [1], [0, 0, 1, 1], [], []>, transpose_lhs_hint = false} : vector<512x128xbf16>, vector<128x128xbf16>, vector<512x128xf32> -> vector<512x128xf32>
      %add3A_212 = vector.broadcast %get3A_23 : vector<1x128xf32> to vector<512x128xf32>
      %add3A_213 = arith.addf %dot_general3A_211, %add3A_212 : vector<512x128xf32>
      %max3A_214 = arith.constant 0.000000e+00 : f32
      %max3A_215 = vector.broadcast %max3A_214 : f32 to vector<512x128xf32>
      %max3A_216 = arith.maximumf %add3A_213, %max3A_215 : vector<512x128xf32>
      %convert_element_type3A_217 = arith.truncf %max3A_216 : vector<512x128xf32> to vector<512x128xbf16>
      %dot_general3A_218 = arith.constant dense<0.000000e+00> : vector<512x128xf32>
      %dot_general3A_219 = tpu.matmul %convert_element_type3A_217, %get3A_20, %dot_general3A_218 {dimension_numbers = #tpu.dot_dimension_numbers<[1], [0], [0], [1], [0, 0, 1, 1], [], []>, transpose_lhs_hint = false} : vector<512x128xbf16>, vector<128x128xbf16>, vector<512x128xf32> -> vector<512x128xf32>
      %add3A_220 = vector.broadcast %get3A_26 : vector<1x128xf32> to vector<512x128xf32>
      %add3A_221 = arith.addf %dot_general3A_219, %add3A_220 : vector<512x128xf32>
      %convert_element_type3A_222 = arith.truncf %add3A_221 : vector<512x128xf32> to vector<512x128xbf16>
      %swap3A_223 = arith.index_cast %mul3A_8 : i32 to index
      %swap3A_224 = arith.constant 1152 : index
      %swap3A_225 = vector.load %arg12[%swap3A_223, %swap3A_224] : memref<512x8192xbf16, #tpu.memory_space<vmem>>, vector<512x128xbf16>
      tpu.vector_store %arg12[%swap3A_223, %swap3A_224], %convert_element_type3A_222 {strides = array<i32>} : memref<512x8192xbf16, #tpu.memory_space<vmem>>, vector<512x128xbf16>,
      %get3A_226 = arith.constant 0 : index
      %get3A_227 = arith.constant 1280 : index
      %get3A_228 = vector.load %arg13[%get3A_226, %get3A_227] : memref<512x8192xbf16, #tpu.memory_space<vmem>>, vector<512x128xbf16>
      %dot_general3A_229 = arith.constant dense<0.000000e+00> : vector<512x128xf32>
      %dot_general3A_230 = tpu.matmul %get3A_228, %get3A_17, %dot_general3A_229 {dimension_numbers = #tpu.dot_dimension_numbers<[1], [0], [0], [1], [0, 0, 1, 1], [], []>, transpose_lhs_hint = false} : vector<512x128xbf16>, vector<128x128xbf16>, vector<512x128xf32> -> vector<512x128xf32>
      %add3A_231 = vector.broadcast %get3A_23 : vector<1x128xf32> to vector<512x128xf32>
      %add3A_232 = arith.addf %dot_general3A_230, %add3A_231 : vector<512x128xf32>
      %max3A_233 = arith.constant 0.000000e+00 : f32
      %max3A_234 = vector.broadcast %max3A_233 : f32 to vector<512x128xf32>
      %max3A_235 = arith.maximumf %add3A_232, %max3A_234 : vector<512x128xf32>
      %convert_element_type3A_236 = arith.truncf %max3A_235 : vector<512x128xf32> to vector<512x128xbf16>
      %dot_general3A_237 = arith.constant dense<0.000000e+00> : vector<512x128xf32>
      %dot_general3A_238 = tpu.matmul %convert_element_type3A_236, %get3A_20, %dot_general3A_237 {dimension_numbers = #tpu.dot_dimension_numbers<[1], [0], [0], [1], [0, 0, 1, 1], [], []>, transpose_lhs_hint = false} : vector<512x128xbf16>, vector<128x128xbf16>, vector<512x128xf32> -> vector<512x128xf32>
      %add3A_239 = vector.broadcast %get3A_26 : vector<1x128xf32> to vector<512x128xf32>
      %add3A_240 = arith.addf %dot_general3A_238, %add3A_239 : vector<512x128xf32>
      %convert_element_type3A_241 = arith.truncf %add3A_240 : vector<512x128xf32> to vector<512x128xbf16>
      %swap3A_242 = arith.index_cast %mul3A_8 : i32 to index
      %swap3A_243 = arith.constant 1280 : index
      %swap3A_244 = vector.load %arg12[%swap3A_242, %swap3A_243] : memref<512x8192xbf16, #tpu.memory_space<vmem>>, vector<512x128xbf16>
      tpu.vector_store %arg12[%swap3A_242, %swap3A_243], %convert_element_type3A_241 {strides = array<i32>} : memref<512x8192xbf16, #tpu.memory_space<vmem>>, vector<512x128xbf16>,
      %get3A_245 = arith.constant 0 : index
      %get3A_246 = arith.constant 1408 : index
      %get3A_247 = vector.load %arg13[%get3A_245, %get3A_246] : memref<512x8192xbf16, #tpu.memory_space<vmem>>, vector<512x128xbf16>
      %dot_general3A_248 = arith.constant dense<0.000000e+00> : vector<512x128xf32>
      %dot_general3A_249 = tpu.matmul %get3A_247, %get3A_17, %dot_general3A_248 {dimension_numbers = #tpu.dot_dimension_numbers<[1], [0], [0], [1], [0, 0, 1, 1], [], []>, transpose_lhs_hint = false} : vector<512x128xbf16>, vector<128x128xbf16>, vector<512x128xf32> -> vector<512x128xf32>
      %add3A_250 = vector.broadcast %get3A_23 : vector<1x128xf32> to vector<512x128xf32>
      %add3A_251 = arith.addf %dot_general3A_249, %add3A_250 : vector<512x128xf32>
      %max3A_252 = arith.constant 0.000000e+00 : f32
      %max3A_253 = vector.broadcast %max3A_252 : f32 to vector<512x128xf32>
      %max3A_254 = arith.maximumf %add3A_251, %max3A_253 : vector<512x128xf32>
      %convert_element_type3A_255 = arith.truncf %max3A_254 : vector<512x128xf32> to vector<512x128xbf16>
      %dot_general3A_256 = arith.constant dense<0.000000e+00> : vector<512x128xf32>
      %dot_general3A_257 = tpu.matmul %convert_element_type3A_255, %get3A_20, %dot_general3A_256 {dimension_numbers = #tpu.dot_dimension_numbers<[1], [0], [0], [1], [0, 0, 1, 1], [], []>, transpose_lhs_hint = false} : vector<512x128xbf16>, vector<128x128xbf16>, vector<512x128xf32> -> vector<512x128xf32>
      %add3A_258 = vector.broadcast %get3A_26 : vector<1x128xf32> to vector<512x128xf32>
      %add3A_259 = arith.addf %dot_general3A_257, %add3A_258 : vector<512x128xf32>
      %convert_element_type3A_260 = arith.truncf %add3A_259 : vector<512x128xf32> to vector<512x128xbf16>
      %swap3A_261 = arith.index_cast %mul3A_8 : i32 to index
      %swap3A_262 = arith.constant 1408 : index
      %swap3A_263 = vector.load %arg12[%swap3A_261, %swap3A_262] : memref<512x8192xbf16, #tpu.memory_space<vmem>>, vector<512x128xbf16>
      tpu.vector_store %arg12[%swap3A_261, %swap3A_262], %convert_element_type3A_260 {strides = array<i32>} : memref<512x8192xbf16, #tpu.memory_space<vmem>>, vector<512x128xbf16>,
      %get3A_264 = arith.constant 0 : index
      %get3A_265 = arith.constant 1536 : index
      %get3A_266 = vector.load %arg13[%get3A_264, %get3A_265] : memref<512x8192xbf16, #tpu.memory_space<vmem>>, vector<512x128xbf16>
      %dot_general3A_267 = arith.constant dense<0.000000e+00> : vector<512x128xf32>
      %dot_general3A_268 = tpu.matmul %get3A_266, %get3A_17, %dot_general3A_267 {dimension_numbers = #tpu.dot_dimension_numbers<[1], [0], [0], [1], [0, 0, 1, 1], [], []>, transpose_lhs_hint = false} : vector<512x128xbf16>, vector<128x128xbf16>, vector<512x128xf32> -> vector<512x128xf32>
      %add3A_269 = vector.broadcast %get3A_23 : vector<1x128xf32> to vector<512x128xf32>
      %add3A_270 = arith.addf %dot_general3A_268, %add3A_269 : vector<512x128xf32>
      %max3A_271 = arith.constant 0.000000e+00 : f32
      %max3A_272 = vector.broadcast %max3A_271 : f32 to vector<512x128xf32>
      %max3A_273 = arith.maximumf %add3A_270, %max3A_272 : vector<512x128xf32>
      %convert_element_type3A_274 = arith.truncf %max3A_273 : vector<512x128xf32> to vector<512x128xbf16>
      %dot_general3A_275 = arith.constant dense<0.000000e+00> : vector<512x128xf32>
      %dot_general3A_276 = tpu.matmul %convert_element_type3A_274, %get3A_20, %dot_general3A_275 {dimension_numbers = #tpu.dot_dimension_numbers<[1], [0], [0], [1], [0, 0, 1, 1], [], []>, transpose_lhs_hint = false} : vector<512x128xbf16>, vector<128x128xbf16>, vector<512x128xf32> -> vector<512x128xf32>
      %add3A_277 = vector.broadcast %get3A_26 : vector<1x128xf32> to vector<512x128xf32>
      %add3A_278 = arith.addf %dot_general3A_276, %add3A_277 : vector<512x128xf32>
      %convert_element_type3A_279 = arith.truncf %add3A_278 : vector<512x128xf32> to vector<512x128xbf16>
      %swap3A_280 = arith.index_cast %mul3A_8 : i32 to index
      %swap3A_281 = arith.constant 1536 : index
      %swap3A_282 = vector.load %arg12[%swap3A_280, %swap3A_281] : memref<512x8192xbf16, #tpu.memory_space<vmem>>, vector<512x128xbf16>
      tpu.vector_store %arg12[%swap3A_280, %swap3A_281], %convert_element_type3A_279 {strides = array<i32>} : memref<512x8192xbf16, #tpu.memory_space<vmem>>, vector<512x128xbf16>,
      %get3A_283 = arith.constant 0 : index
      %get3A_284 = arith.constant 1664 : index
      %get3A_285 = vector.load %arg13[%get3A_283, %get3A_284] : memref<512x8192xbf16, #tpu.memory_space<vmem>>, vector<512x128xbf16>
      %dot_general3A_286 = arith.constant dense<0.000000e+00> : vector<512x128xf32>
      %dot_general3A_287 = tpu.matmul %get3A_285, %get3A_17, %dot_general3A_286 {dimension_numbers = #tpu.dot_dimension_numbers<[1], [0], [0], [1], [0, 0, 1, 1], [], []>, transpose_lhs_hint = false} : vector<512x128xbf16>, vector<128x128xbf16>, vector<512x128xf32> -> vector<512x128xf32>
      %add3A_288 = vector.broadcast %get3A_23 : vector<1x128xf32> to vector<512x128xf32>
      %add3A_289 = arith.addf %dot_general3A_287, %add3A_288 : vector<512x128xf32>
      %max3A_290 = arith.constant 0.000000e+00 : f32
      %max3A_291 = vector.broadcast %max3A_290 : f32 to vector<512x128xf32>
      %max3A_292 = arith.maximumf %add3A_289, %max3A_291 : vector<512x128xf32>
      %convert_element_type3A_293 = arith.truncf %max3A_292 : vector<512x128xf32> to vector<512x128xbf16>
      %dot_general3A_294 = arith.constant dense<0.000000e+00> : vector<512x128xf32>
      %dot_general3A_295 = tpu.matmul %convert_element_type3A_293, %get3A_20, %dot_general3A_294 {dimension_numbers = #tpu.dot_dimension_numbers<[1], [0], [0], [1], [0, 0, 1, 1], [], []>, transpose_lhs_hint = false} : vector<512x128xbf16>, vector<128x128xbf16>, vector<512x128xf32> -> vector<512x128xf32>
      %add3A_296 = vector.broadcast %get3A_26 : vector<1x128xf32> to vector<512x128xf32>
      %add3A_297 = arith.addf %dot_general3A_295, %add3A_296 : vector<512x128xf32>
      %convert_element_type3A_298 = arith.truncf %add3A_297 : vector<512x128xf32> to vector<512x128xbf16>
      %swap3A_299 = arith.index_cast %mul3A_8 : i32 to index
      %swap3A_300 = arith.constant 1664 : index
      %swap3A_301 = vector.load %arg12[%swap3A_299, %swap3A_300] : memref<512x8192xbf16, #tpu.memory_space<vmem>>, vector<512x128xbf16>
      tpu.vector_store %arg12[%swap3A_299, %swap3A_300], %convert_element_type3A_298 {strides = array<i32>} : memref<512x8192xbf16, #tpu.memory_space<vmem>>, vector<512x128xbf16>,
      %get3A_302 = arith.constant 0 : index
      %get3A_303 = arith.constant 1792 : index
      %get3A_304 = vector.load %arg13[%get3A_302, %get3A_303] : memref<512x8192xbf16, #tpu.memory_space<vmem>>, vector<512x128xbf16>
      %dot_general3A_305 = arith.constant dense<0.000000e+00> : vector<512x128xf32>
      %dot_general3A_306 = tpu.matmul %get3A_304, %get3A_17, %dot_general3A_305 {dimension_numbers = #tpu.dot_dimension_numbers<[1], [0], [0], [1], [0, 0, 1, 1], [], []>, transpose_lhs_hint = false} : vector<512x128xbf16>, vector<128x128xbf16>, vector<512x128xf32> -> vector<512x128xf32>
      %add3A_307 = vector.broadcast %get3A_23 : vector<1x128xf32> to vector<512x128xf32>
      %add3A_308 = arith.addf %dot_general3A_306, %add3A_307 : vector<512x128xf32>
      %max3A_309 = arith.constant 0.000000e+00 : f32
      %max3A_310 = vector.broadcast %max3A_309 : f32 to vector<512x128xf32>
      %max3A_311 = arith.maximumf %add3A_308, %max3A_310 : vector<512x128xf32>
      %convert_element_type3A_312 = arith.truncf %max3A_311 : vector<512x128xf32> to vector<512x128xbf16>
      %dot_general3A_313 = arith.constant dense<0.000000e+00> : vector<512x128xf32>
      %dot_general3A_314 = tpu.matmul %convert_element_type3A_312, %get3A_20, %dot_general3A_313 {dimension_numbers = #tpu.dot_dimension_numbers<[1], [0], [0], [1], [0, 0, 1, 1], [], []>, transpose_lhs_hint = false} : vector<512x128xbf16>, vector<128x128xbf16>, vector<512x128xf32> -> vector<512x128xf32>
      %add3A_315 = vector.broadcast %get3A_26 : vector<1x128xf32> to vector<512x128xf32>
      %add3A_316 = arith.addf %dot_general3A_314, %add3A_315 : vector<512x128xf32>
      %convert_element_type3A_317 = arith.truncf %add3A_316 : vector<512x128xf32> to vector<512x128xbf16>
      %swap3A_318 = arith.index_cast %mul3A_8 : i32 to index
      %swap3A_319 = arith.constant 1792 : index
      %swap3A_320 = vector.load %arg12[%swap3A_318, %swap3A_319] : memref<512x8192xbf16, #tpu.memory_space<vmem>>, vector<512x128xbf16>
      tpu.vector_store %arg12[%swap3A_318, %swap3A_319], %convert_element_type3A_317 {strides = array<i32>} : memref<512x8192xbf16, #tpu.memory_space<vmem>>, vector<512x128xbf16>,
      %get3A_321 = arith.constant 0 : index
      %get3A_322 = arith.constant 1920 : index
      %get3A_323 = vector.load %arg13[%get3A_321, %get3A_322] : memref<512x8192xbf16, #tpu.memory_space<vmem>>, vector<512x128xbf16>
      %dot_general3A_324 = arith.constant dense<0.000000e+00> : vector<512x128xf32>
      %dot_general3A_325 = tpu.matmul %get3A_323, %get3A_17, %dot_general3A_324 {dimension_numbers = #tpu.dot_dimension_numbers<[1], [0], [0], [1], [0, 0, 1, 1], [], []>, transpose_lhs_hint = false} : vector<512x128xbf16>, vector<128x128xbf16>, vector<512x128xf32> -> vector<512x128xf32>
      %add3A_326 = vector.broadcast %get3A_23 : vector<1x128xf32> to vector<512x128xf32>
      %add3A_327 = arith.addf %dot_general3A_325, %add3A_326 : vector<512x128xf32>
      %max3A_328 = arith.constant 0.000000e+00 : f32
      %max3A_329 = vector.broadcast %max3A_328 : f32 to vector<512x128xf32>
      %max3A_330 = arith.maximumf %add3A_327, %max3A_329 : vector<512x128xf32>
      %convert_element_type3A_331 = arith.truncf %max3A_330 : vector<512x128xf32> to vector<512x128xbf16>
      %dot_general3A_332 = arith.constant dense<0.000000e+00> : vector<512x128xf32>
      %dot_general3A_333 = tpu.matmul %convert_element_type3A_331, %get3A_20, %dot_general3A_332 {dimension_numbers = #tpu.dot_dimension_numbers<[1], [0], [0], [1], [0, 0, 1, 1], [], []>, transpose_lhs_hint = false} : vector<512x128xbf16>, vector<128x128xbf16>, vector<512x128xf32> -> vector<512x128xf32>
      %add3A_334 = vector.broadcast %get3A_26 : vector<1x128xf32> to vector<512x128xf32>
      %add3A_335 = arith.addf %dot_general3A_333, %add3A_334 : vector<512x128xf32>
      %convert_element_type3A_336 = arith.truncf %add3A_335 : vector<512x128xf32> to vector<512x128xbf16>
      %swap3A_337 = arith.index_cast %mul3A_8 : i32 to index
      %swap3A_338 = arith.constant 1920 : index
      %swap3A_339 = vector.load %arg12[%swap3A_337, %swap3A_338] : memref<512x8192xbf16, #tpu.memory_space<vmem>>, vector<512x128xbf16>
      tpu.vector_store %arg12[%swap3A_337, %swap3A_338], %convert_element_type3A_336 {strides = array<i32>} : memref<512x8192xbf16, #tpu.memory_space<vmem>>, vector<512x128xbf16>,
      %get3A_340 = arith.constant 0 : index
      %get3A_341 = arith.constant 2048 : index
      %get3A_342 = vector.load %arg13[%get3A_340, %get3A_341] : memref<512x8192xbf16, #tpu.memory_space<vmem>>, vector<512x128xbf16>
      %dot_general3A_343 = arith.constant dense<0.000000e+00> : vector<512x128xf32>
      %dot_general3A_344 = tpu.matmul %get3A_342, %get3A_17, %dot_general3A_343 {dimension_numbers = #tpu.dot_dimension_numbers<[1], [0], [0], [1], [0, 0, 1, 1], [], []>, transpose_lhs_hint = false} : vector<512x128xbf16>, vector<128x128xbf16>, vector<512x128xf32> -> vector<512x128xf32>
      %add3A_345 = vector.broadcast %get3A_23 : vector<1x128xf32> to vector<512x128xf32>
      %add3A_346 = arith.addf %dot_general3A_344, %add3A_345 : vector<512x128xf32>
      %max3A_347 = arith.constant 0.000000e+00 : f32
      %max3A_348 = vector.broadcast %max3A_347 : f32 to vector<512x128xf32>
      %max3A_349 = arith.maximumf %add3A_346, %max3A_348 : vector<512x128xf32>
      %convert_element_type3A_350 = arith.truncf %max3A_349 : vector<512x128xf32> to vector<512x128xbf16>
      %dot_general3A_351 = arith.constant dense<0.000000e+00> : vector<512x128xf32>
      %dot_general3A_352 = tpu.matmul %convert_element_type3A_350, %get3A_20, %dot_general3A_351 {dimension_numbers = #tpu.dot_dimension_numbers<[1], [0], [0], [1], [0, 0, 1, 1], [], []>, transpose_lhs_hint = false} : vector<512x128xbf16>, vector<128x128xbf16>, vector<512x128xf32> -> vector<512x128xf32>
      %add3A_353 = vector.broadcast %get3A_26 : vector<1x128xf32> to vector<512x128xf32>
      %add3A_354 = arith.addf %dot_general3A_352, %add3A_353 : vector<512x128xf32>
      %convert_element_type3A_355 = arith.truncf %add3A_354 : vector<512x128xf32> to vector<512x128xbf16>
      %swap3A_356 = arith.index_cast %mul3A_8 : i32 to index
      %swap3A_357 = arith.constant 2048 : index
      %swap3A_358 = vector.load %arg12[%swap3A_356, %swap3A_357] : memref<512x8192xbf16, #tpu.memory_space<vmem>>, vector<512x128xbf16>
      tpu.vector_store %arg12[%swap3A_356, %swap3A_357], %convert_element_type3A_355 {strides = array<i32>} : memref<512x8192xbf16, #tpu.memory_space<vmem>>, vector<512x128xbf16>,
      %get3A_359 = arith.constant 0 : index
      %get3A_360 = arith.constant 2176 : index
      %get3A_361 = vector.load %arg13[%get3A_359, %get3A_360] : memref<512x8192xbf16, #tpu.memory_space<vmem>>, vector<512x128xbf16>
      %dot_general3A_362 = arith.constant dense<0.000000e+00> : vector<512x128xf32>
      %dot_general3A_363 = tpu.matmul %get3A_361, %get3A_17, %dot_general3A_362 {dimension_numbers = #tpu.dot_dimension_numbers<[1], [0], [0], [1], [0, 0, 1, 1], [], []>, transpose_lhs_hint = false} : vector<512x128xbf16>, vector<128x128xbf16>, vector<512x128xf32> -> vector<512x128xf32>
      %add3A_364 = vector.broadcast %get3A_23 : vector<1x128xf32> to vector<512x128xf32>
      %add3A_365 = arith.addf %dot_general3A_363, %add3A_364 : vector<512x128xf32>
      %max3A_366 = arith.constant 0.000000e+00 : f32
      %max3A_367 = vector.broadcast %max3A_366 : f32 to vector<512x128xf32>
      %max3A_368 = arith.maximumf %add3A_365, %max3A_367 : vector<512x128xf32>
      %convert_element_type3A_369 = arith.truncf %max3A_368 : vector<512x128xf32> to vector<512x128xbf16>
      %dot_general3A_370 = arith.constant dense<0.000000e+00> : vector<512x128xf32>
      %dot_general3A_371 = tpu.matmul %convert_element_type3A_369, %get3A_20, %dot_general3A_370 {dimension_numbers = #tpu.dot_dimension_numbers<[1], [0], [0], [1], [0, 0, 1, 1], [], []>, transpose_lhs_hint = false} : vector<512x128xbf16>, vector<128x128xbf16>, vector<512x128xf32> -> vector<512x128xf32>
      %add3A_372 = vector.broadcast %get3A_26 : vector<1x128xf32> to vector<512x128xf32>
      %add3A_373 = arith.addf %dot_general3A_371, %add3A_372 : vector<512x128xf32>
      %convert_element_type3A_374 = arith.truncf %add3A_373 : vector<512x128xf32> to vector<512x128xbf16>
      %swap3A_375 = arith.index_cast %mul3A_8 : i32 to index
      %swap3A_376 = arith.constant 2176 : index
      %swap3A_377 = vector.load %arg12[%swap3A_375, %swap3A_376] : memref<512x8192xbf16, #tpu.memory_space<vmem>>, vector<512x128xbf16>
      tpu.vector_store %arg12[%swap3A_375, %swap3A_376], %convert_element_type3A_374 {strides = array<i32>} : memref<512x8192xbf16, #tpu.memory_space<vmem>>, vector<512x128xbf16>,
      %get3A_378 = arith.constant 0 : index
      %get3A_379 = arith.constant 2304 : index
      %get3A_380 = vector.load %arg13[%get3A_378, %get3A_379] : memref<512x8192xbf16, #tpu.memory_space<vmem>>, vector<512x128xbf16>
      %dot_general3A_381 = arith.constant dense<0.000000e+00> : vector<512x128xf32>
      %dot_general3A_382 = tpu.matmul %get3A_380, %get3A_17, %dot_general3A_381 {dimension_numbers = #tpu.dot_dimension_numbers<[1], [0], [0], [1], [0, 0, 1, 1], [], []>, transpose_lhs_hint = false} : vector<512x128xbf16>, vector<128x128xbf16>, vector<512x128xf32> -> vector<512x128xf32>
      %add3A_383 = vector.broadcast %get3A_23 : vector<1x128xf32> to vector<512x128xf32>
      %add3A_384 = arith.addf %dot_general3A_382, %add3A_383 : vector<512x128xf32>
      %max3A_385 = arith.constant 0.000000e+00 : f32
      %max3A_386 = vector.broadcast %max3A_385 : f32 to vector<512x128xf32>
      %max3A_387 = arith.maximumf %add3A_384, %max3A_386 : vector<512x128xf32>
      %convert_element_type3A_388 = arith.truncf %max3A_387 : vector<512x128xf32> to vector<512x128xbf16>
      %dot_general3A_389 = arith.constant dense<0.000000e+00> : vector<512x128xf32>
      %dot_general3A_390 = tpu.matmul %convert_element_type3A_388, %get3A_20, %dot_general3A_389 {dimension_numbers = #tpu.dot_dimension_numbers<[1], [0], [0], [1], [0, 0, 1, 1], [], []>, transpose_lhs_hint = false} : vector<512x128xbf16>, vector<128x128xbf16>, vector<512x128xf32> -> vector<512x128xf32>
      %add3A_391 = vector.broadcast %get3A_26 : vector<1x128xf32> to vector<512x128xf32>
      %add3A_392 = arith.addf %dot_general3A_390, %add3A_391 : vector<512x128xf32>
      %convert_element_type3A_393 = arith.truncf %add3A_392 : vector<512x128xf32> to vector<512x128xbf16>
      %swap3A_394 = arith.index_cast %mul3A_8 : i32 to index
      %swap3A_395 = arith.constant 2304 : index
      %swap3A_396 = vector.load %arg12[%swap3A_394, %swap3A_395] : memref<512x8192xbf16, #tpu.memory_space<vmem>>, vector<512x128xbf16>
      tpu.vector_store %arg12[%swap3A_394, %swap3A_395], %convert_element_type3A_393 {strides = array<i32>} : memref<512x8192xbf16, #tpu.memory_space<vmem>>, vector<512x128xbf16>,
      %get3A_397 = arith.constant 0 : index
      %get3A_398 = arith.constant 2432 : index
      %get3A_399 = vector.load %arg13[%get3A_397, %get3A_398] : memref<512x8192xbf16, #tpu.memory_space<vmem>>, vector<512x128xbf16>
      %dot_general3A_400 = arith.constant dense<0.000000e+00> : vector<512x128xf32>
      %dot_general3A_401 = tpu.matmul %get3A_399, %get3A_17, %dot_general3A_400 {dimension_numbers = #tpu.dot_dimension_numbers<[1], [0], [0], [1], [0, 0, 1, 1], [], []>, transpose_lhs_hint = false} : vector<512x128xbf16>, vector<128x128xbf16>, vector<512x128xf32> -> vector<512x128xf32>
      %add3A_402 = vector.broadcast %get3A_23 : vector<1x128xf32> to vector<512x128xf32>
      %add3A_403 = arith.addf %dot_general3A_401, %add3A_402 : vector<512x128xf32>
      %max3A_404 = arith.constant 0.000000e+00 : f32
      %max3A_405 = vector.broadcast %max3A_404 : f32 to vector<512x128xf32>
      %max3A_406 = arith.maximumf %add3A_403, %max3A_405 : vector<512x128xf32>
      %convert_element_type3A_407 = arith.truncf %max3A_406 : vector<512x128xf32> to vector<512x128xbf16>
      %dot_general3A_408 = arith.constant dense<0.000000e+00> : vector<512x128xf32>
      %dot_general3A_409 = tpu.matmul %convert_element_type3A_407, %get3A_20, %dot_general3A_408 {dimension_numbers = #tpu.dot_dimension_numbers<[1], [0], [0], [1], [0, 0, 1, 1], [], []>, transpose_lhs_hint = false} : vector<512x128xbf16>, vector<128x128xbf16>, vector<512x128xf32> -> vector<512x128xf32>
      %add3A_410 = vector.broadcast %get3A_26 : vector<1x128xf32> to vector<512x128xf32>
      %add3A_411 = arith.addf %dot_general3A_409, %add3A_410 : vector<512x128xf32>
      %convert_element_type3A_412 = arith.truncf %add3A_411 : vector<512x128xf32> to vector<512x128xbf16>
      %swap3A_413 = arith.index_cast %mul3A_8 : i32 to index
      %swap3A_414 = arith.constant 2432 : index
      %swap3A_415 = vector.load %arg12[%swap3A_413, %swap3A_414] : memref<512x8192xbf16, #tpu.memory_space<vmem>>, vector<512x128xbf16>
      tpu.vector_store %arg12[%swap3A_413, %swap3A_414], %convert_element_type3A_412 {strides = array<i32>} : memref<512x8192xbf16, #tpu.memory_space<vmem>>, vector<512x128xbf16>,
      %get3A_416 = arith.constant 0 : index
      %get3A_417 = arith.constant 2560 : index
      %get3A_418 = vector.load %arg13[%get3A_416, %get3A_417] : memref<512x8192xbf16, #tpu.memory_space<vmem>>, vector<512x128xbf16>
      %dot_general3A_419 = arith.constant dense<0.000000e+00> : vector<512x128xf32>
      %dot_general3A_420 = tpu.matmul %get3A_418, %get3A_17, %dot_general3A_419 {dimension_numbers = #tpu.dot_dimension_numbers<[1], [0], [0], [1], [0, 0, 1, 1], [], []>, transpose_lhs_hint = false} : vector<512x128xbf16>, vector<128x128xbf16>, vector<512x128xf32> -> vector<512x128xf32>
      %add3A_421 = vector.broadcast %get3A_23 : vector<1x128xf32> to vector<512x128xf32>
      %add3A_422 = arith.addf %dot_general3A_420, %add3A_421 : vector<512x128xf32>
      %max3A_423 = arith.constant 0.000000e+00 : f32
      %max3A_424 = vector.broadcast %max3A_423 : f32 to vector<512x128xf32>
      %max3A_425 = arith.maximumf %add3A_422, %max3A_424 : vector<512x128xf32>
      %convert_element_type3A_426 = arith.truncf %max3A_425 : vector<512x128xf32> to vector<512x128xbf16>
      %dot_general3A_427 = arith.constant dense<0.000000e+00> : vector<512x128xf32>
      %dot_general3A_428 = tpu.matmul %convert_element_type3A_426, %get3A_20, %dot_general3A_427 {dimension_numbers = #tpu.dot_dimension_numbers<[1], [0], [0], [1], [0, 0, 1, 1], [], []>, transpose_lhs_hint = false} : vector<512x128xbf16>, vector<128x128xbf16>, vector<512x128xf32> -> vector<512x128xf32>
      %add3A_429 = vector.broadcast %get3A_26 : vector<1x128xf32> to vector<512x128xf32>
      %add3A_430 = arith.addf %dot_general3A_428, %add3A_429 : vector<512x128xf32>
      %convert_element_type3A_431 = arith.truncf %add3A_430 : vector<512x128xf32> to vector<512x128xbf16>
      %swap3A_432 = arith.index_cast %mul3A_8 : i32 to index
      %swap3A_433 = arith.constant 2560 : index
      %swap3A_434 = vector.load %arg12[%swap3A_432, %swap3A_433] : memref<512x8192xbf16, #tpu.memory_space<vmem>>, vector<512x128xbf16>
      tpu.vector_store %arg12[%swap3A_432, %swap3A_433], %convert_element_type3A_431 {strides = array<i32>} : memref<512x8192xbf16, #tpu.memory_space<vmem>>, vector<512x128xbf16>,
      %get3A_435 = arith.constant 0 : index
      %get3A_436 = arith.constant 2688 : index
      %get3A_437 = vector.load %arg13[%get3A_435, %get3A_436] : memref<512x8192xbf16, #tpu.memory_space<vmem>>, vector<512x128xbf16>
      %dot_general3A_438 = arith.constant dense<0.000000e+00> : vector<512x128xf32>
      %dot_general3A_439 = tpu.matmul %get3A_437, %get3A_17, %dot_general3A_438 {dimension_numbers = #tpu.dot_dimension_numbers<[1], [0], [0], [1], [0, 0, 1, 1], [], []>, transpose_lhs_hint = false} : vector<512x128xbf16>, vector<128x128xbf16>, vector<512x128xf32> -> vector<512x128xf32>
      %add3A_440 = vector.broadcast %get3A_23 : vector<1x128xf32> to vector<512x128xf32>
      %add3A_441 = arith.addf %dot_general3A_439, %add3A_440 : vector<512x128xf32>
      %max3A_442 = arith.constant 0.000000e+00 : f32
      %max3A_443 = vector.broadcast %max3A_442 : f32 to vector<512x128xf32>
      %max3A_444 = arith.maximumf %add3A_441, %max3A_443 : vector<512x128xf32>
      %convert_element_type3A_445 = arith.truncf %max3A_444 : vector<512x128xf32> to vector<512x128xbf16>
      %dot_general3A_446 = arith.constant dense<0.000000e+00> : vector<512x128xf32>
      %dot_general3A_447 = tpu.matmul %convert_element_type3A_445, %get3A_20, %dot_general3A_446 {dimension_numbers = #tpu.dot_dimension_numbers<[1], [0], [0], [1], [0, 0, 1, 1], [], []>, transpose_lhs_hint = false} : vector<512x128xbf16>, vector<128x128xbf16>, vector<512x128xf32> -> vector<512x128xf32>
      %add3A_448 = vector.broadcast %get3A_26 : vector<1x128xf32> to vector<512x128xf32>
      %add3A_449 = arith.addf %dot_general3A_447, %add3A_448 : vector<512x128xf32>
      %convert_element_type3A_450 = arith.truncf %add3A_449 : vector<512x128xf32> to vector<512x128xbf16>
      %swap3A_451 = arith.index_cast %mul3A_8 : i32 to index
      %swap3A_452 = arith.constant 2688 : index
      %swap3A_453 = vector.load %arg12[%swap3A_451, %swap3A_452] : memref<512x8192xbf16, #tpu.memory_space<vmem>>, vector<512x128xbf16>
      tpu.vector_store %arg12[%swap3A_451, %swap3A_452], %convert_element_type3A_450 {strides = array<i32>} : memref<512x8192xbf16, #tpu.memory_space<vmem>>, vector<512x128xbf16>,
      %get3A_454 = arith.constant 0 : index
      %get3A_455 = arith.constant 2816 : index
      %get3A_456 = vector.load %arg13[%get3A_454, %get3A_455] : memref<512x8192xbf16, #tpu.memory_space<vmem>>, vector<512x128xbf16>
      %dot_general3A_457 = arith.constant dense<0.000000e+00> : vector<512x128xf32>
      %dot_general3A_458 = tpu.matmul %get3A_456, %get3A_17, %dot_general3A_457 {dimension_numbers = #tpu.dot_dimension_numbers<[1], [0], [0], [1], [0, 0, 1, 1], [], []>, transpose_lhs_hint = false} : vector<512x128xbf16>, vector<128x128xbf16>, vector<512x128xf32> -> vector<512x128xf32>
      %add3A_459 = vector.broadcast %get3A_23 : vector<1x128xf32> to vector<512x128xf32>
      %add3A_460 = arith.addf %dot_general3A_458, %add3A_459 : vector<512x128xf32>
      %max3A_461 = arith.constant 0.000000e+00 : f32
      %max3A_462 = vector.broadcast %max3A_461 : f32 to vector<512x128xf32>
      %max3A_463 = arith.maximumf %add3A_460, %max3A_462 : vector<512x128xf32>
      %convert_element_type3A_464 = arith.truncf %max3A_463 : vector<512x128xf32> to vector<512x128xbf16>
      %dot_general3A_465 = arith.constant dense<0.000000e+00> : vector<512x128xf32>
      %dot_general3A_466 = tpu.matmul %convert_element_type3A_464, %get3A_20, %dot_general3A_465 {dimension_numbers = #tpu.dot_dimension_numbers<[1], [0], [0], [1], [0, 0, 1, 1], [], []>, transpose_lhs_hint = false} : vector<512x128xbf16>, vector<128x128xbf16>, vector<512x128xf32> -> vector<512x128xf32>
      %add3A_467 = vector.broadcast %get3A_26 : vector<1x128xf32> to vector<512x128xf32>
      %add3A_468 = arith.addf %dot_general3A_466, %add3A_467 : vector<512x128xf32>
      %convert_element_type3A_469 = arith.truncf %add3A_468 : vector<512x128xf32> to vector<512x128xbf16>
      %swap3A_470 = arith.index_cast %mul3A_8 : i32 to index
      %swap3A_471 = arith.constant 2816 : index
      %swap3A_472 = vector.load %arg12[%swap3A_470, %swap3A_471] : memref<512x8192xbf16, #tpu.memory_space<vmem>>, vector<512x128xbf16>
      tpu.vector_store %arg12[%swap3A_470, %swap3A_471], %convert_element_type3A_469 {strides = array<i32>} : memref<512x8192xbf16, #tpu.memory_space<vmem>>, vector<512x128xbf16>,
      %get3A_473 = arith.constant 0 : index
      %get3A_474 = arith.constant 2944 : index
      %get3A_475 = vector.load %arg13[%get3A_473, %get3A_474] : memref<512x8192xbf16, #tpu.memory_space<vmem>>, vector<512x128xbf16>
      %dot_general3A_476 = arith.constant dense<0.000000e+00> : vector<512x128xf32>
      %dot_general3A_477 = tpu.matmul %get3A_475, %get3A_17, %dot_general3A_476 {dimension_numbers = #tpu.dot_dimension_numbers<[1], [0], [0], [1], [0, 0, 1, 1], [], []>, transpose_lhs_hint = false} : vector<512x128xbf16>, vector<128x128xbf16>, vector<512x128xf32> -> vector<512x128xf32>
      %add3A_478 = vector.broadcast %get3A_23 : vector<1x128xf32> to vector<512x128xf32>
      %add3A_479 = arith.addf %dot_general3A_477, %add3A_478 : vector<512x128xf32>
      %max3A_480 = arith.constant 0.000000e+00 : f32
      %max3A_481 = vector.broadcast %max3A_480 : f32 to vector<512x128xf32>
      %max3A_482 = arith.maximumf %add3A_479, %max3A_481 : vector<512x128xf32>
      %convert_element_type3A_483 = arith.truncf %max3A_482 : vector<512x128xf32> to vector<512x128xbf16>
      %dot_general3A_484 = arith.constant dense<0.000000e+00> : vector<512x128xf32>
      %dot_general3A_485 = tpu.matmul %convert_element_type3A_483, %get3A_20, %dot_general3A_484 {dimension_numbers = #tpu.dot_dimension_numbers<[1], [0], [0], [1], [0, 0, 1, 1], [], []>, transpose_lhs_hint = false} : vector<512x128xbf16>, vector<128x128xbf16>, vector<512x128xf32> -> vector<512x128xf32>
      %add3A_486 = vector.broadcast %get3A_26 : vector<1x128xf32> to vector<512x128xf32>
      %add3A_487 = arith.addf %dot_general3A_485, %add3A_486 : vector<512x128xf32>
      %convert_element_type3A_488 = arith.truncf %add3A_487 : vector<512x128xf32> to vector<512x128xbf16>
      %swap3A_489 = arith.index_cast %mul3A_8 : i32 to index
      %swap3A_490 = arith.constant 2944 : index
      %swap3A_491 = vector.load %arg12[%swap3A_489, %swap3A_490] : memref<512x8192xbf16, #tpu.memory_space<vmem>>, vector<512x128xbf16>
      tpu.vector_store %arg12[%swap3A_489, %swap3A_490], %convert_element_type3A_488 {strides = array<i32>} : memref<512x8192xbf16, #tpu.memory_space<vmem>>, vector<512x128xbf16>,
      %get3A_492 = arith.constant 0 : index
      %get3A_493 = arith.constant 3072 : index
      %get3A_494 = vector.load %arg13[%get3A_492, %get3A_493] : memref<512x8192xbf16, #tpu.memory_space<vmem>>, vector<512x128xbf16>
      %dot_general3A_495 = arith.constant dense<0.000000e+00> : vector<512x128xf32>
      %dot_general3A_496 = tpu.matmul %get3A_494, %get3A_17, %dot_general3A_495 {dimension_numbers = #tpu.dot_dimension_numbers<[1], [0], [0], [1], [0, 0, 1, 1], [], []>, transpose_lhs_hint = false} : vector<512x128xbf16>, vector<128x128xbf16>, vector<512x128xf32> -> vector<512x128xf32>
      %add3A_497 = vector.broadcast %get3A_23 : vector<1x128xf32> to vector<512x128xf32>
      %add3A_498 = arith.addf %dot_general3A_496, %add3A_497 : vector<512x128xf32>
      %max3A_499 = arith.constant 0.000000e+00 : f32
      %max3A_500 = vector.broadcast %max3A_499 : f32 to vector<512x128xf32>
      %max3A_501 = arith.maximumf %add3A_498, %max3A_500 : vector<512x128xf32>
      %convert_element_type3A_502 = arith.truncf %max3A_501 : vector<512x128xf32> to vector<512x128xbf16>
      %dot_general3A_503 = arith.constant dense<0.000000e+00> : vector<512x128xf32>
      %dot_general3A_504 = tpu.matmul %convert_element_type3A_502, %get3A_20, %dot_general3A_503 {dimension_numbers = #tpu.dot_dimension_numbers<[1], [0], [0], [1], [0, 0, 1, 1], [], []>, transpose_lhs_hint = false} : vector<512x128xbf16>, vector<128x128xbf16>, vector<512x128xf32> -> vector<512x128xf32>
      %add3A_505 = vector.broadcast %get3A_26 : vector<1x128xf32> to vector<512x128xf32>
      %add3A_506 = arith.addf %dot_general3A_504, %add3A_505 : vector<512x128xf32>
      %convert_element_type3A_507 = arith.truncf %add3A_506 : vector<512x128xf32> to vector<512x128xbf16>
      %swap3A_508 = arith.index_cast %mul3A_8 : i32 to index
      %swap3A_509 = arith.constant 3072 : index
      %swap3A_510 = vector.load %arg12[%swap3A_508, %swap3A_509] : memref<512x8192xbf16, #tpu.memory_space<vmem>>, vector<512x128xbf16>
      tpu.vector_store %arg12[%swap3A_508, %swap3A_509], %convert_element_type3A_507 {strides = array<i32>} : memref<512x8192xbf16, #tpu.memory_space<vmem>>, vector<512x128xbf16>,
      %get3A_511 = arith.constant 0 : index
      %get3A_512 = arith.constant 3200 : index
      %get3A_513 = vector.load %arg13[%get3A_511, %get3A_512] : memref<512x8192xbf16, #tpu.memory_space<vmem>>, vector<512x128xbf16>
      %dot_general3A_514 = arith.constant dense<0.000000e+00> : vector<512x128xf32>
      %dot_general3A_515 = tpu.matmul %get3A_513, %get3A_17, %dot_general3A_514 {dimension_numbers = #tpu.dot_dimension_numbers<[1], [0], [0], [1], [0, 0, 1, 1], [], []>, transpose_lhs_hint = false} : vector<512x128xbf16>, vector<128x128xbf16>, vector<512x128xf32> -> vector<512x128xf32>
      %add3A_516 = vector.broadcast %get3A_23 : vector<1x128xf32> to vector<512x128xf32>
      %add3A_517 = arith.addf %dot_general3A_515, %add3A_516 : vector<512x128xf32>
      %max3A_518 = arith.constant 0.000000e+00 : f32
      %max3A_519 = vector.broadcast %max3A_518 : f32 to vector<512x128xf32>
      %max3A_520 = arith.maximumf %add3A_517, %max3A_519 : vector<512x128xf32>
      %convert_element_type3A_521 = arith.truncf %max3A_520 : vector<512x128xf32> to vector<512x128xbf16>
      %dot_general3A_522 = arith.constant dense<0.000000e+00> : vector<512x128xf32>
      %dot_general3A_523 = tpu.matmul %convert_element_type3A_521, %get3A_20, %dot_general3A_522 {dimension_numbers = #tpu.dot_dimension_numbers<[1], [0], [0], [1], [0, 0, 1, 1], [], []>, transpose_lhs_hint = false} : vector<512x128xbf16>, vector<128x128xbf16>, vector<512x128xf32> -> vector<512x128xf32>
      %add3A_524 = vector.broadcast %get3A_26 : vector<1x128xf32> to vector<512x128xf32>
      %add3A_525 = arith.addf %dot_general3A_523, %add3A_524 : vector<512x128xf32>
      %convert_element_type3A_526 = arith.truncf %add3A_525 : vector<512x128xf32> to vector<512x128xbf16>
      %swap3A_527 = arith.index_cast %mul3A_8 : i32 to index
      %swap3A_528 = arith.constant 3200 : index
      %swap3A_529 = vector.load %arg12[%swap3A_527, %swap3A_528] : memref<512x8192xbf16, #tpu.memory_space<vmem>>, vector<512x128xbf16>
      tpu.vector_store %arg12[%swap3A_527, %swap3A_528], %convert_element_type3A_526 {strides = array<i32>} : memref<512x8192xbf16, #tpu.memory_space<vmem>>, vector<512x128xbf16>,
      %get3A_530 = arith.constant 0 : index
      %get3A_531 = arith.constant 3328 : index
      %get3A_532 = vector.load %arg13[%get3A_530, %get3A_531] : memref<512x8192xbf16, #tpu.memory_space<vmem>>, vector<512x128xbf16>
      %dot_general3A_533 = arith.constant dense<0.000000e+00> : vector<512x128xf32>
      %dot_general3A_534 = tpu.matmul %get3A_532, %get3A_17, %dot_general3A_533 {dimension_numbers = #tpu.dot_dimension_numbers<[1], [0], [0], [1], [0, 0, 1, 1], [], []>, transpose_lhs_hint = false} : vector<512x128xbf16>, vector<128x128xbf16>, vector<512x128xf32> -> vector<512x128xf32>
      %add3A_535 = vector.broadcast %get3A_23 : vector<1x128xf32> to vector<512x128xf32>
      %add3A_536 = arith.addf %dot_general3A_534, %add3A_535 : vector<512x128xf32>
      %max3A_537 = arith.constant 0.000000e+00 : f32
      %max3A_538 = vector.broadcast %max3A_537 : f32 to vector<512x128xf32>
      %max3A_539 = arith.maximumf %add3A_536, %max3A_538 : vector<512x128xf32>
      %convert_element_type3A_540 = arith.truncf %max3A_539 : vector<512x128xf32> to vector<512x128xbf16>
      %dot_general3A_541 = arith.constant dense<0.000000e+00> : vector<512x128xf32>
      %dot_general3A_542 = tpu.matmul %convert_element_type3A_540, %get3A_20, %dot_general3A_541 {dimension_numbers = #tpu.dot_dimension_numbers<[1], [0], [0], [1], [0, 0, 1, 1], [], []>, transpose_lhs_hint = false} : vector<512x128xbf16>, vector<128x128xbf16>, vector<512x128xf32> -> vector<512x128xf32>
      %add3A_543 = vector.broadcast %get3A_26 : vector<1x128xf32> to vector<512x128xf32>
      %add3A_544 = arith.addf %dot_general3A_542, %add3A_543 : vector<512x128xf32>
      %convert_element_type3A_545 = arith.truncf %add3A_544 : vector<512x128xf32> to vector<512x128xbf16>
      %swap3A_546 = arith.index_cast %mul3A_8 : i32 to index
      %swap3A_547 = arith.constant 3328 : index
      %swap3A_548 = vector.load %arg12[%swap3A_546, %swap3A_547] : memref<512x8192xbf16, #tpu.memory_space<vmem>>, vector<512x128xbf16>
      tpu.vector_store %arg12[%swap3A_546, %swap3A_547], %convert_element_type3A_545 {strides = array<i32>} : memref<512x8192xbf16, #tpu.memory_space<vmem>>, vector<512x128xbf16>,
      %get3A_549 = arith.constant 0 : index
      %get3A_550 = arith.constant 3456 : index
      %get3A_551 = vector.load %arg13[%get3A_549, %get3A_550] : memref<512x8192xbf16, #tpu.memory_space<vmem>>, vector<512x128xbf16>
      %dot_general3A_552 = arith.constant dense<0.000000e+00> : vector<512x128xf32>
      %dot_general3A_553 = tpu.matmul %get3A_551, %get3A_17, %dot_general3A_552 {dimension_numbers = #tpu.dot_dimension_numbers<[1], [0], [0], [1], [0, 0, 1, 1], [], []>, transpose_lhs_hint = false} : vector<512x128xbf16>, vector<128x128xbf16>, vector<512x128xf32> -> vector<512x128xf32>
      %add3A_554 = vector.broadcast %get3A_23 : vector<1x128xf32> to vector<512x128xf32>
      %add3A_555 = arith.addf %dot_general3A_553, %add3A_554 : vector<512x128xf32>
      %max3A_556 = arith.constant 0.000000e+00 : f32
      %max3A_557 = vector.broadcast %max3A_556 : f32 to vector<512x128xf32>
      %max3A_558 = arith.maximumf %add3A_555, %max3A_557 : vector<512x128xf32>
      %convert_element_type3A_559 = arith.truncf %max3A_558 : vector<512x128xf32> to vector<512x128xbf16>
      %dot_general3A_560 = arith.constant dense<0.000000e+00> : vector<512x128xf32>
      %dot_general3A_561 = tpu.matmul %convert_element_type3A_559, %get3A_20, %dot_general3A_560 {dimension_numbers = #tpu.dot_dimension_numbers<[1], [0], [0], [1], [0, 0, 1, 1], [], []>, transpose_lhs_hint = false} : vector<512x128xbf16>, vector<128x128xbf16>, vector<512x128xf32> -> vector<512x128xf32>
      %add3A_562 = vector.broadcast %get3A_26 : vector<1x128xf32> to vector<512x128xf32>
      %add3A_563 = arith.addf %dot_general3A_561, %add3A_562 : vector<512x128xf32>
      %convert_element_type3A_564 = arith.truncf %add3A_563 : vector<512x128xf32> to vector<512x128xbf16>
      %swap3A_565 = arith.index_cast %mul3A_8 : i32 to index
      %swap3A_566 = arith.constant 3456 : index
      %swap3A_567 = vector.load %arg12[%swap3A_565, %swap3A_566] : memref<512x8192xbf16, #tpu.memory_space<vmem>>, vector<512x128xbf16>
      tpu.vector_store %arg12[%swap3A_565, %swap3A_566], %convert_element_type3A_564 {strides = array<i32>} : memref<512x8192xbf16, #tpu.memory_space<vmem>>, vector<512x128xbf16>,
      %get3A_568 = arith.constant 0 : index
      %get3A_569 = arith.constant 3584 : index
      %get3A_570 = vector.load %arg13[%get3A_568, %get3A_569] : memref<512x8192xbf16, #tpu.memory_space<vmem>>, vector<512x128xbf16>
      %dot_general3A_571 = arith.constant dense<0.000000e+00> : vector<512x128xf32>
      %dot_general3A_572 = tpu.matmul %get3A_570, %get3A_17, %dot_general3A_571 {dimension_numbers = #tpu.dot_dimension_numbers<[1], [0], [0], [1], [0, 0, 1, 1], [], []>, transpose_lhs_hint = false} : vector<512x128xbf16>, vector<128x128xbf16>, vector<512x128xf32> -> vector<512x128xf32>
      %add3A_573 = vector.broadcast %get3A_23 : vector<1x128xf32> to vector<512x128xf32>
      %add3A_574 = arith.addf %dot_general3A_572, %add3A_573 : vector<512x128xf32>
      %max3A_575 = arith.constant 0.000000e+00 : f32
      %max3A_576 = vector.broadcast %max3A_575 : f32 to vector<512x128xf32>
      %max3A_577 = arith.maximumf %add3A_574, %max3A_576 : vector<512x128xf32>
      %convert_element_type3A_578 = arith.truncf %max3A_577 : vector<512x128xf32> to vector<512x128xbf16>
      %dot_general3A_579 = arith.constant dense<0.000000e+00> : vector<512x128xf32>
      %dot_general3A_580 = tpu.matmul %convert_element_type3A_578, %get3A_20, %dot_general3A_579 {dimension_numbers = #tpu.dot_dimension_numbers<[1], [0], [0], [1], [0, 0, 1, 1], [], []>, transpose_lhs_hint = false} : vector<512x128xbf16>, vector<128x128xbf16>, vector<512x128xf32> -> vector<512x128xf32>
      %add3A_581 = vector.broadcast %get3A_26 : vector<1x128xf32> to vector<512x128xf32>
      %add3A_582 = arith.addf %dot_general3A_580, %add3A_581 : vector<512x128xf32>
      %convert_element_type3A_583 = arith.truncf %add3A_582 : vector<512x128xf32> to vector<512x128xbf16>
      %swap3A_584 = arith.index_cast %mul3A_8 : i32 to index
      %swap3A_585 = arith.constant 3584 : index
      %swap3A_586 = vector.load %arg12[%swap3A_584, %swap3A_585] : memref<512x8192xbf16, #tpu.memory_space<vmem>>, vector<512x128xbf16>
      tpu.vector_store %arg12[%swap3A_584, %swap3A_585], %convert_element_type3A_583 {strides = array<i32>} : memref<512x8192xbf16, #tpu.memory_space<vmem>>, vector<512x128xbf16>,
      %get3A_587 = arith.constant 0 : index
      %get3A_588 = arith.constant 3712 : index
      %get3A_589 = vector.load %arg13[%get3A_587, %get3A_588] : memref<512x8192xbf16, #tpu.memory_space<vmem>>, vector<512x128xbf16>
      %dot_general3A_590 = arith.constant dense<0.000000e+00> : vector<512x128xf32>
      %dot_general3A_591 = tpu.matmul %get3A_589, %get3A_17, %dot_general3A_590 {dimension_numbers = #tpu.dot_dimension_numbers<[1], [0], [0], [1], [0, 0, 1, 1], [], []>, transpose_lhs_hint = false} : vector<512x128xbf16>, vector<128x128xbf16>, vector<512x128xf32> -> vector<512x128xf32>
      %add3A_592 = vector.broadcast %get3A_23 : vector<1x128xf32> to vector<512x128xf32>
      %add3A_593 = arith.addf %dot_general3A_591, %add3A_592 : vector<512x128xf32>
      %max3A_594 = arith.constant 0.000000e+00 : f32
      %max3A_595 = vector.broadcast %max3A_594 : f32 to vector<512x128xf32>
      %max3A_596 = arith.maximumf %add3A_593, %max3A_595 : vector<512x128xf32>
      %convert_element_type3A_597 = arith.truncf %max3A_596 : vector<512x128xf32> to vector<512x128xbf16>
      %dot_general3A_598 = arith.constant dense<0.000000e+00> : vector<512x128xf32>
      %dot_general3A_599 = tpu.matmul %convert_element_type3A_597, %get3A_20, %dot_general3A_598 {dimension_numbers = #tpu.dot_dimension_numbers<[1], [0], [0], [1], [0, 0, 1, 1], [], []>, transpose_lhs_hint = false} : vector<512x128xbf16>, vector<128x128xbf16>, vector<512x128xf32> -> vector<512x128xf32>
      %add3A_600 = vector.broadcast %get3A_26 : vector<1x128xf32> to vector<512x128xf32>
      %add3A_601 = arith.addf %dot_general3A_599, %add3A_600 : vector<512x128xf32>
      %convert_element_type3A_602 = arith.truncf %add3A_601 : vector<512x128xf32> to vector<512x128xbf16>
      %swap3A_603 = arith.index_cast %mul3A_8 : i32 to index
      %swap3A_604 = arith.constant 3712 : index
      %swap3A_605 = vector.load %arg12[%swap3A_603, %swap3A_604] : memref<512x8192xbf16, #tpu.memory_space<vmem>>, vector<512x128xbf16>
      tpu.vector_store %arg12[%swap3A_603, %swap3A_604], %convert_element_type3A_602 {strides = array<i32>} : memref<512x8192xbf16, #tpu.memory_space<vmem>>, vector<512x128xbf16>,
      %get3A_606 = arith.constant 0 : index
      %get3A_607 = arith.constant 3840 : index
      %get3A_608 = vector.load %arg13[%get3A_606, %get3A_607] : memref<512x8192xbf16, #tpu.memory_space<vmem>>, vector<512x128xbf16>
      %dot_general3A_609 = arith.constant dense<0.000000e+00> : vector<512x128xf32>
      %dot_general3A_610 = tpu.matmul %get3A_608, %get3A_17, %dot_general3A_609 {dimension_numbers = #tpu.dot_dimension_numbers<[1], [0], [0], [1], [0, 0, 1, 1], [], []>, transpose_lhs_hint = false} : vector<512x128xbf16>, vector<128x128xbf16>, vector<512x128xf32> -> vector<512x128xf32>
      %add3A_611 = vector.broadcast %get3A_23 : vector<1x128xf32> to vector<512x128xf32>
      %add3A_612 = arith.addf %dot_general3A_610, %add3A_611 : vector<512x128xf32>
      %max3A_613 = arith.constant 0.000000e+00 : f32
      %max3A_614 = vector.broadcast %max3A_613 : f32 to vector<512x128xf32>
      %max3A_615 = arith.maximumf %add3A_612, %max3A_614 : vector<512x128xf32>
      %convert_element_type3A_616 = arith.truncf %max3A_615 : vector<512x128xf32> to vector<512x128xbf16>
      %dot_general3A_617 = arith.constant dense<0.000000e+00> : vector<512x128xf32>
      %dot_general3A_618 = tpu.matmul %convert_element_type3A_616, %get3A_20, %dot_general3A_617 {dimension_numbers = #tpu.dot_dimension_numbers<[1], [0], [0], [1], [0, 0, 1, 1], [], []>, transpose_lhs_hint = false} : vector<512x128xbf16>, vector<128x128xbf16>, vector<512x128xf32> -> vector<512x128xf32>
      %add3A_619 = vector.broadcast %get3A_26 : vector<1x128xf32> to vector<512x128xf32>
      %add3A_620 = arith.addf %dot_general3A_618, %add3A_619 : vector<512x128xf32>
      %convert_element_type3A_621 = arith.truncf %add3A_620 : vector<512x128xf32> to vector<512x128xbf16>
      %swap3A_622 = arith.index_cast %mul3A_8 : i32 to index
      %swap3A_623 = arith.constant 3840 : index
      %swap3A_624 = vector.load %arg12[%swap3A_622, %swap3A_623] : memref<512x8192xbf16, #tpu.memory_space<vmem>>, vector<512x128xbf16>
      tpu.vector_store %arg12[%swap3A_622, %swap3A_623], %convert_element_type3A_621 {strides = array<i32>} : memref<512x8192xbf16, #tpu.memory_space<vmem>>, vector<512x128xbf16>,
      %get3A_625 = arith.constant 0 : index
      %get3A_626 = arith.constant 3968 : index
      %get3A_627 = vector.load %arg13[%get3A_625, %get3A_626] : memref<512x8192xbf16, #tpu.memory_space<vmem>>, vector<512x128xbf16>
      %dot_general3A_628 = arith.constant dense<0.000000e+00> : vector<512x128xf32>
      %dot_general3A_629 = tpu.matmul %get3A_627, %get3A_17, %dot_general3A_628 {dimension_numbers = #tpu.dot_dimension_numbers<[1], [0], [0], [1], [0, 0, 1, 1], [], []>, transpose_lhs_hint = false} : vector<512x128xbf16>, vector<128x128xbf16>, vector<512x128xf32> -> vector<512x128xf32>
      %add3A_630 = vector.broadcast %get3A_23 : vector<1x128xf32> to vector<512x128xf32>
      %add3A_631 = arith.addf %dot_general3A_629, %add3A_630 : vector<512x128xf32>
      %max3A_632 = arith.constant 0.000000e+00 : f32
      %max3A_633 = vector.broadcast %max3A_632 : f32 to vector<512x128xf32>
      %max3A_634 = arith.maximumf %add3A_631, %max3A_633 : vector<512x128xf32>
      %convert_element_type3A_635 = arith.truncf %max3A_634 : vector<512x128xf32> to vector<512x128xbf16>
      %dot_general3A_636 = arith.constant dense<0.000000e+00> : vector<512x128xf32>
      %dot_general3A_637 = tpu.matmul %convert_element_type3A_635, %get3A_20, %dot_general3A_636 {dimension_numbers = #tpu.dot_dimension_numbers<[1], [0], [0], [1], [0, 0, 1, 1], [], []>, transpose_lhs_hint = false} : vector<512x128xbf16>, vector<128x128xbf16>, vector<512x128xf32> -> vector<512x128xf32>
      %add3A_638 = vector.broadcast %get3A_26 : vector<1x128xf32> to vector<512x128xf32>
      %add3A_639 = arith.addf %dot_general3A_637, %add3A_638 : vector<512x128xf32>
      %convert_element_type3A_640 = arith.truncf %add3A_639 : vector<512x128xf32> to vector<512x128xbf16>
      %swap3A_641 = arith.index_cast %mul3A_8 : i32 to index
      %swap3A_642 = arith.constant 3968 : index
      %swap3A_643 = vector.load %arg12[%swap3A_641, %swap3A_642] : memref<512x8192xbf16, #tpu.memory_space<vmem>>, vector<512x128xbf16>
      tpu.vector_store %arg12[%swap3A_641, %swap3A_642], %convert_element_type3A_640 {strides = array<i32>} : memref<512x8192xbf16, #tpu.memory_space<vmem>>, vector<512x128xbf16>,
      %get3A_644 = arith.constant 0 : index
      %get3A_645 = arith.constant 4096 : index
      %get3A_646 = vector.load %arg13[%get3A_644, %get3A_645] : memref<512x8192xbf16, #tpu.memory_space<vmem>>, vector<512x128xbf16>
      %dot_general3A_647 = arith.constant dense<0.000000e+00> : vector<512x128xf32>
      %dot_general3A_648 = tpu.matmul %get3A_646, %get3A_17, %dot_general3A_647 {dimension_numbers = #tpu.dot_dimension_numbers<[1], [0], [0], [1], [0, 0, 1, 1], [], []>, transpose_lhs_hint = false} : vector<512x128xbf16>, vector<128x128xbf16>, vector<512x128xf32> -> vector<512x128xf32>
      %add3A_649 = vector.broadcast %get3A_23 : vector<1x128xf32> to vector<512x128xf32>
      %add3A_650 = arith.addf %dot_general3A_648, %add3A_649 : vector<512x128xf32>
      %max3A_651 = arith.constant 0.000000e+00 : f32
      %max3A_652 = vector.broadcast %max3A_651 : f32 to vector<512x128xf32>
      %max3A_653 = arith.maximumf %add3A_650, %max3A_652 : vector<512x128xf32>
      %convert_element_type3A_654 = arith.truncf %max3A_653 : vector<512x128xf32> to vector<512x128xbf16>
      %dot_general3A_655 = arith.constant dense<0.000000e+00> : vector<512x128xf32>
      %dot_general3A_656 = tpu.matmul %convert_element_type3A_654, %get3A_20, %dot_general3A_655 {dimension_numbers = #tpu.dot_dimension_numbers<[1], [0], [0], [1], [0, 0, 1, 1], [], []>, transpose_lhs_hint = false} : vector<512x128xbf16>, vector<128x128xbf16>, vector<512x128xf32> -> vector<512x128xf32>
      %add3A_657 = vector.broadcast %get3A_26 : vector<1x128xf32> to vector<512x128xf32>
      %add3A_658 = arith.addf %dot_general3A_656, %add3A_657 : vector<512x128xf32>
      %convert_element_type3A_659 = arith.truncf %add3A_658 : vector<512x128xf32> to vector<512x128xbf16>
      %swap3A_660 = arith.index_cast %mul3A_8 : i32 to index
      %swap3A_661 = arith.constant 4096 : index
      %swap3A_662 = vector.load %arg12[%swap3A_660, %swap3A_661] : memref<512x8192xbf16, #tpu.memory_space<vmem>>, vector<512x128xbf16>
      tpu.vector_store %arg12[%swap3A_660, %swap3A_661], %convert_element_type3A_659 {strides = array<i32>} : memref<512x8192xbf16, #tpu.memory_space<vmem>>, vector<512x128xbf16>,
      %get3A_663 = arith.constant 0 : index
      %get3A_664 = arith.constant 4224 : index
      %get3A_665 = vector.load %arg13[%get3A_663, %get3A_664] : memref<512x8192xbf16, #tpu.memory_space<vmem>>, vector<512x128xbf16>
      %dot_general3A_666 = arith.constant dense<0.000000e+00> : vector<512x128xf32>
      %dot_general3A_667 = tpu.matmul %get3A_665, %get3A_17, %dot_general3A_666 {dimension_numbers = #tpu.dot_dimension_numbers<[1], [0], [0], [1], [0, 0, 1, 1], [], []>, transpose_lhs_hint = false} : vector<512x128xbf16>, vector<128x128xbf16>, vector<512x128xf32> -> vector<512x128xf32>
      %add3A_668 = vector.broadcast %get3A_23 : vector<1x128xf32> to vector<512x128xf32>
      %add3A_669 = arith.addf %dot_general3A_667, %add3A_668 : vector<512x128xf32>
      %max3A_670 = arith.constant 0.000000e+00 : f32
      %max3A_671 = vector.broadcast %max3A_670 : f32 to vector<512x128xf32>
      %max3A_672 = arith.maximumf %add3A_669, %max3A_671 : vector<512x128xf32>
      %convert_element_type3A_673 = arith.truncf %max3A_672 : vector<512x128xf32> to vector<512x128xbf16>
      %dot_general3A_674 = arith.constant dense<0.000000e+00> : vector<512x128xf32>
      %dot_general3A_675 = tpu.matmul %convert_element_type3A_673, %get3A_20, %dot_general3A_674 {dimension_numbers = #tpu.dot_dimension_numbers<[1], [0], [0], [1], [0, 0, 1, 1], [], []>, transpose_lhs_hint = false} : vector<512x128xbf16>, vector<128x128xbf16>, vector<512x128xf32> -> vector<512x128xf32>
      %add3A_676 = vector.broadcast %get3A_26 : vector<1x128xf32> to vector<512x128xf32>
      %add3A_677 = arith.addf %dot_general3A_675, %add3A_676 : vector<512x128xf32>
      %convert_element_type3A_678 = arith.truncf %add3A_677 : vector<512x128xf32> to vector<512x128xbf16>
      %swap3A_679 = arith.index_cast %mul3A_8 : i32 to index
      %swap3A_680 = arith.constant 4224 : index
      %swap3A_681 = vector.load %arg12[%swap3A_679, %swap3A_680] : memref<512x8192xbf16, #tpu.memory_space<vmem>>, vector<512x128xbf16>
      tpu.vector_store %arg12[%swap3A_679, %swap3A_680], %convert_element_type3A_678 {strides = array<i32>} : memref<512x8192xbf16, #tpu.memory_space<vmem>>, vector<512x128xbf16>,
      %get3A_682 = arith.constant 0 : index
      %get3A_683 = arith.constant 4352 : index
      %get3A_684 = vector.load %arg13[%get3A_682, %get3A_683] : memref<512x8192xbf16, #tpu.memory_space<vmem>>, vector<512x128xbf16>
      %dot_general3A_685 = arith.constant dense<0.000000e+00> : vector<512x128xf32>
      %dot_general3A_686 = tpu.matmul %get3A_684, %get3A_17, %dot_general3A_685 {dimension_numbers = #tpu.dot_dimension_numbers<[1], [0], [0], [1], [0, 0, 1, 1], [], []>, transpose_lhs_hint = false} : vector<512x128xbf16>, vector<128x128xbf16>, vector<512x128xf32> -> vector<512x128xf32>
      %add3A_687 = vector.broadcast %get3A_23 : vector<1x128xf32> to vector<512x128xf32>
      %add3A_688 = arith.addf %dot_general3A_686, %add3A_687 : vector<512x128xf32>
      %max3A_689 = arith.constant 0.000000e+00 : f32
      %max3A_690 = vector.broadcast %max3A_689 : f32 to vector<512x128xf32>
      %max3A_691 = arith.maximumf %add3A_688, %max3A_690 : vector<512x128xf32>
      %convert_element_type3A_692 = arith.truncf %max3A_691 : vector<512x128xf32> to vector<512x128xbf16>
      %dot_general3A_693 = arith.constant dense<0.000000e+00> : vector<512x128xf32>
      %dot_general3A_694 = tpu.matmul %convert_element_type3A_692, %get3A_20, %dot_general3A_693 {dimension_numbers = #tpu.dot_dimension_numbers<[1], [0], [0], [1], [0, 0, 1, 1], [], []>, transpose_lhs_hint = false} : vector<512x128xbf16>, vector<128x128xbf16>, vector<512x128xf32> -> vector<512x128xf32>
      %add3A_695 = vector.broadcast %get3A_26 : vector<1x128xf32> to vector<512x128xf32>
      %add3A_696 = arith.addf %dot_general3A_694, %add3A_695 : vector<512x128xf32>
      %convert_element_type3A_697 = arith.truncf %add3A_696 : vector<512x128xf32> to vector<512x128xbf16>
      %swap3A_698 = arith.index_cast %mul3A_8 : i32 to index
      %swap3A_699 = arith.constant 4352 : index
      %swap3A_700 = vector.load %arg12[%swap3A_698, %swap3A_699] : memref<512x8192xbf16, #tpu.memory_space<vmem>>, vector<512x128xbf16>
      tpu.vector_store %arg12[%swap3A_698, %swap3A_699], %convert_element_type3A_697 {strides = array<i32>} : memref<512x8192xbf16, #tpu.memory_space<vmem>>, vector<512x128xbf16>,
      %get3A_701 = arith.constant 0 : index
      %get3A_702 = arith.constant 4480 : index
      %get3A_703 = vector.load %arg13[%get3A_701, %get3A_702] : memref<512x8192xbf16, #tpu.memory_space<vmem>>, vector<512x128xbf16>
      %dot_general3A_704 = arith.constant dense<0.000000e+00> : vector<512x128xf32>
      %dot_general3A_705 = tpu.matmul %get3A_703, %get3A_17, %dot_general3A_704 {dimension_numbers = #tpu.dot_dimension_numbers<[1], [0], [0], [1], [0, 0, 1, 1], [], []>, transpose_lhs_hint = false} : vector<512x128xbf16>, vector<128x128xbf16>, vector<512x128xf32> -> vector<512x128xf32>
      %add3A_706 = vector.broadcast %get3A_23 : vector<1x128xf32> to vector<512x128xf32>
      %add3A_707 = arith.addf %dot_general3A_705, %add3A_706 : vector<512x128xf32>
      %max3A_708 = arith.constant 0.000000e+00 : f32
      %max3A_709 = vector.broadcast %max3A_708 : f32 to vector<512x128xf32>
      %max3A_710 = arith.maximumf %add3A_707, %max3A_709 : vector<512x128xf32>
      %convert_element_type3A_711 = arith.truncf %max3A_710 : vector<512x128xf32> to vector<512x128xbf16>
      %dot_general3A_712 = arith.constant dense<0.000000e+00> : vector<512x128xf32>
      %dot_general3A_713 = tpu.matmul %convert_element_type3A_711, %get3A_20, %dot_general3A_712 {dimension_numbers = #tpu.dot_dimension_numbers<[1], [0], [0], [1], [0, 0, 1, 1], [], []>, transpose_lhs_hint = false} : vector<512x128xbf16>, vector<128x128xbf16>, vector<512x128xf32> -> vector<512x128xf32>
      %add3A_714 = vector.broadcast %get3A_26 : vector<1x128xf32> to vector<512x128xf32>
      %add3A_715 = arith.addf %dot_general3A_713, %add3A_714 : vector<512x128xf32>
      %convert_element_type3A_716 = arith.truncf %add3A_715 : vector<512x128xf32> to vector<512x128xbf16>
      %swap3A_717 = arith.index_cast %mul3A_8 : i32 to index
      %swap3A_718 = arith.constant 4480 : index
      %swap3A_719 = vector.load %arg12[%swap3A_717, %swap3A_718] : memref<512x8192xbf16, #tpu.memory_space<vmem>>, vector<512x128xbf16>
      tpu.vector_store %arg12[%swap3A_717, %swap3A_718], %convert_element_type3A_716 {strides = array<i32>} : memref<512x8192xbf16, #tpu.memory_space<vmem>>, vector<512x128xbf16>,
      %get3A_720 = arith.constant 0 : index
      %get3A_721 = arith.constant 4608 : index
      %get3A_722 = vector.load %arg13[%get3A_720, %get3A_721] : memref<512x8192xbf16, #tpu.memory_space<vmem>>, vector<512x128xbf16>
      %dot_general3A_723 = arith.constant dense<0.000000e+00> : vector<512x128xf32>
      %dot_general3A_724 = tpu.matmul %get3A_722, %get3A_17, %dot_general3A_723 {dimension_numbers = #tpu.dot_dimension_numbers<[1], [0], [0], [1], [0, 0, 1, 1], [], []>, transpose_lhs_hint = false} : vector<512x128xbf16>, vector<128x128xbf16>, vector<512x128xf32> -> vector<512x128xf32>
      %add3A_725 = vector.broadcast %get3A_23 : vector<1x128xf32> to vector<512x128xf32>
      %add3A_726 = arith.addf %dot_general3A_724, %add3A_725 : vector<512x128xf32>
      %max3A_727 = arith.constant 0.000000e+00 : f32
      %max3A_728 = vector.broadcast %max3A_727 : f32 to vector<512x128xf32>
      %max3A_729 = arith.maximumf %add3A_726, %max3A_728 : vector<512x128xf32>
      %convert_element_type3A_730 = arith.truncf %max3A_729 : vector<512x128xf32> to vector<512x128xbf16>
      %dot_general3A_731 = arith.constant dense<0.000000e+00> : vector<512x128xf32>
      %dot_general3A_732 = tpu.matmul %convert_element_type3A_730, %get3A_20, %dot_general3A_731 {dimension_numbers = #tpu.dot_dimension_numbers<[1], [0], [0], [1], [0, 0, 1, 1], [], []>, transpose_lhs_hint = false} : vector<512x128xbf16>, vector<128x128xbf16>, vector<512x128xf32> -> vector<512x128xf32>
      %add3A_733 = vector.broadcast %get3A_26 : vector<1x128xf32> to vector<512x128xf32>
      %add3A_734 = arith.addf %dot_general3A_732, %add3A_733 : vector<512x128xf32>
      %convert_element_type3A_735 = arith.truncf %add3A_734 : vector<512x128xf32> to vector<512x128xbf16>
      %swap3A_736 = arith.index_cast %mul3A_8 : i32 to index
      %swap3A_737 = arith.constant 4608 : index
      %swap3A_738 = vector.load %arg12[%swap3A_736, %swap3A_737] : memref<512x8192xbf16, #tpu.memory_space<vmem>>, vector<512x128xbf16>
      tpu.vector_store %arg12[%swap3A_736, %swap3A_737], %convert_element_type3A_735 {strides = array<i32>} : memref<512x8192xbf16, #tpu.memory_space<vmem>>, vector<512x128xbf16>,
      %get3A_739 = arith.constant 0 : index
      %get3A_740 = arith.constant 4736 : index
      %get3A_741 = vector.load %arg13[%get3A_739, %get3A_740] : memref<512x8192xbf16, #tpu.memory_space<vmem>>, vector<512x128xbf16>
      %dot_general3A_742 = arith.constant dense<0.000000e+00> : vector<512x128xf32>
      %dot_general3A_743 = tpu.matmul %get3A_741, %get3A_17, %dot_general3A_742 {dimension_numbers = #tpu.dot_dimension_numbers<[1], [0], [0], [1], [0, 0, 1, 1], [], []>, transpose_lhs_hint = false} : vector<512x128xbf16>, vector<128x128xbf16>, vector<512x128xf32> -> vector<512x128xf32>
      %add3A_744 = vector.broadcast %get3A_23 : vector<1x128xf32> to vector<512x128xf32>
      %add3A_745 = arith.addf %dot_general3A_743, %add3A_744 : vector<512x128xf32>
      %max3A_746 = arith.constant 0.000000e+00 : f32
      %max3A_747 = vector.broadcast %max3A_746 : f32 to vector<512x128xf32>
      %max3A_748 = arith.maximumf %add3A_745, %max3A_747 : vector<512x128xf32>
      %convert_element_type3A_749 = arith.truncf %max3A_748 : vector<512x128xf32> to vector<512x128xbf16>
      %dot_general3A_750 = arith.constant dense<0.000000e+00> : vector<512x128xf32>
      %dot_general3A_751 = tpu.matmul %convert_element_type3A_749, %get3A_20, %dot_general3A_750 {dimension_numbers = #tpu.dot_dimension_numbers<[1], [0], [0], [1], [0, 0, 1, 1], [], []>, transpose_lhs_hint = false} : vector<512x128xbf16>, vector<128x128xbf16>, vector<512x128xf32> -> vector<512x128xf32>
      %add3A_752 = vector.broadcast %get3A_26 : vector<1x128xf32> to vector<512x128xf32>
      %add3A_753 = arith.addf %dot_general3A_751, %add3A_752 : vector<512x128xf32>
      %convert_element_type3A_754 = arith.truncf %add3A_753 : vector<512x128xf32> to vector<512x128xbf16>
      %swap3A_755 = arith.index_cast %mul3A_8 : i32 to index
      %swap3A_756 = arith.constant 4736 : index
      %swap3A_757 = vector.load %arg12[%swap3A_755, %swap3A_756] : memref<512x8192xbf16, #tpu.memory_space<vmem>>, vector<512x128xbf16>
      tpu.vector_store %arg12[%swap3A_755, %swap3A_756], %convert_element_type3A_754 {strides = array<i32>} : memref<512x8192xbf16, #tpu.memory_space<vmem>>, vector<512x128xbf16>,
      %get3A_758 = arith.constant 0 : index
      %get3A_759 = arith.constant 4864 : index
      %get3A_760 = vector.load %arg13[%get3A_758, %get3A_759] : memref<512x8192xbf16, #tpu.memory_space<vmem>>, vector<512x128xbf16>
      %dot_general3A_761 = arith.constant dense<0.000000e+00> : vector<512x128xf32>
      %dot_general3A_762 = tpu.matmul %get3A_760, %get3A_17, %dot_general3A_761 {dimension_numbers = #tpu.dot_dimension_numbers<[1], [0], [0], [1], [0, 0, 1, 1], [], []>, transpose_lhs_hint = false} : vector<512x128xbf16>, vector<128x128xbf16>, vector<512x128xf32> -> vector<512x128xf32>
      %add3A_763 = vector.broadcast %get3A_23 : vector<1x128xf32> to vector<512x128xf32>
      %add3A_764 = arith.addf %dot_general3A_762, %add3A_763 : vector<512x128xf32>
      %max3A_765 = arith.constant 0.000000e+00 : f32
      %max3A_766 = vector.broadcast %max3A_765 : f32 to vector<512x128xf32>
      %max3A_767 = arith.maximumf %add3A_764, %max3A_766 : vector<512x128xf32>
      %convert_element_type3A_768 = arith.truncf %max3A_767 : vector<512x128xf32> to vector<512x128xbf16>
      %dot_general3A_769 = arith.constant dense<0.000000e+00> : vector<512x128xf32>
      %dot_general3A_770 = tpu.matmul %convert_element_type3A_768, %get3A_20, %dot_general3A_769 {dimension_numbers = #tpu.dot_dimension_numbers<[1], [0], [0], [1], [0, 0, 1, 1], [], []>, transpose_lhs_hint = false} : vector<512x128xbf16>, vector<128x128xbf16>, vector<512x128xf32> -> vector<512x128xf32>
      %add3A_771 = vector.broadcast %get3A_26 : vector<1x128xf32> to vector<512x128xf32>
      %add3A_772 = arith.addf %dot_general3A_770, %add3A_771 : vector<512x128xf32>
      %convert_element_type3A_773 = arith.truncf %add3A_772 : vector<512x128xf32> to vector<512x128xbf16>
      %swap3A_774 = arith.index_cast %mul3A_8 : i32 to index
      %swap3A_775 = arith.constant 4864 : index
      %swap3A_776 = vector.load %arg12[%swap3A_774, %swap3A_775] : memref<512x8192xbf16, #tpu.memory_space<vmem>>, vector<512x128xbf16>
      tpu.vector_store %arg12[%swap3A_774, %swap3A_775], %convert_element_type3A_773 {strides = array<i32>} : memref<512x8192xbf16, #tpu.memory_space<vmem>>, vector<512x128xbf16>,
      %get3A_777 = arith.constant 0 : index
      %get3A_778 = arith.constant 4992 : index
      %get3A_779 = vector.load %arg13[%get3A_777, %get3A_778] : memref<512x8192xbf16, #tpu.memory_space<vmem>>, vector<512x128xbf16>
      %dot_general3A_780 = arith.constant dense<0.000000e+00> : vector<512x128xf32>
      %dot_general3A_781 = tpu.matmul %get3A_779, %get3A_17, %dot_general3A_780 {dimension_numbers = #tpu.dot_dimension_numbers<[1], [0], [0], [1], [0, 0, 1, 1], [], []>, transpose_lhs_hint = false} : vector<512x128xbf16>, vector<128x128xbf16>, vector<512x128xf32> -> vector<512x128xf32>
      %add3A_782 = vector.broadcast %get3A_23 : vector<1x128xf32> to vector<512x128xf32>
      %add3A_783 = arith.addf %dot_general3A_781, %add3A_782 : vector<512x128xf32>
      %max3A_784 = arith.constant 0.000000e+00 : f32
      %max3A_785 = vector.broadcast %max3A_784 : f32 to vector<512x128xf32>
      %max3A_786 = arith.maximumf %add3A_783, %max3A_785 : vector<512x128xf32>
      %convert_element_type3A_787 = arith.truncf %max3A_786 : vector<512x128xf32> to vector<512x128xbf16>
      %dot_general3A_788 = arith.constant dense<0.000000e+00> : vector<512x128xf32>
      %dot_general3A_789 = tpu.matmul %convert_element_type3A_787, %get3A_20, %dot_general3A_788 {dimension_numbers = #tpu.dot_dimension_numbers<[1], [0], [0], [1], [0, 0, 1, 1], [], []>, transpose_lhs_hint = false} : vector<512x128xbf16>, vector<128x128xbf16>, vector<512x128xf32> -> vector<512x128xf32>
      %add3A_790 = vector.broadcast %get3A_26 : vector<1x128xf32> to vector<512x128xf32>
      %add3A_791 = arith.addf %dot_general3A_789, %add3A_790 : vector<512x128xf32>
      %convert_element_type3A_792 = arith.truncf %add3A_791 : vector<512x128xf32> to vector<512x128xbf16>
      %swap3A_793 = arith.index_cast %mul3A_8 : i32 to index
      %swap3A_794 = arith.constant 4992 : index
      %swap3A_795 = vector.load %arg12[%swap3A_793, %swap3A_794] : memref<512x8192xbf16, #tpu.memory_space<vmem>>, vector<512x128xbf16>
      tpu.vector_store %arg12[%swap3A_793, %swap3A_794], %convert_element_type3A_792 {strides = array<i32>} : memref<512x8192xbf16, #tpu.memory_space<vmem>>, vector<512x128xbf16>,
      %get3A_796 = arith.constant 0 : index
      %get3A_797 = arith.constant 5120 : index
      %get3A_798 = vector.load %arg13[%get3A_796, %get3A_797] : memref<512x8192xbf16, #tpu.memory_space<vmem>>, vector<512x128xbf16>
      %dot_general3A_799 = arith.constant dense<0.000000e+00> : vector<512x128xf32>
      %dot_general3A_800 = tpu.matmul %get3A_798, %get3A_17, %dot_general3A_799 {dimension_numbers = #tpu.dot_dimension_numbers<[1], [0], [0], [1], [0, 0, 1, 1], [], []>, transpose_lhs_hint = false} : vector<512x128xbf16>, vector<128x128xbf16>, vector<512x128xf32> -> vector<512x128xf32>
      %add3A_801 = vector.broadcast %get3A_23 : vector<1x128xf32> to vector<512x128xf32>
      %add3A_802 = arith.addf %dot_general3A_800, %add3A_801 : vector<512x128xf32>
      %max3A_803 = arith.constant 0.000000e+00 : f32
      %max3A_804 = vector.broadcast %max3A_803 : f32 to vector<512x128xf32>
      %max3A_805 = arith.maximumf %add3A_802, %max3A_804 : vector<512x128xf32>
      %convert_element_type3A_806 = arith.truncf %max3A_805 : vector<512x128xf32> to vector<512x128xbf16>
      %dot_general3A_807 = arith.constant dense<0.000000e+00> : vector<512x128xf32>
      %dot_general3A_808 = tpu.matmul %convert_element_type3A_806, %get3A_20, %dot_general3A_807 {dimension_numbers = #tpu.dot_dimension_numbers<[1], [0], [0], [1], [0, 0, 1, 1], [], []>, transpose_lhs_hint = false} : vector<512x128xbf16>, vector<128x128xbf16>, vector<512x128xf32> -> vector<512x128xf32>
      %add3A_809 = vector.broadcast %get3A_26 : vector<1x128xf32> to vector<512x128xf32>
      %add3A_810 = arith.addf %dot_general3A_808, %add3A_809 : vector<512x128xf32>
      %convert_element_type3A_811 = arith.truncf %add3A_810 : vector<512x128xf32> to vector<512x128xbf16>
      %swap3A_812 = arith.index_cast %mul3A_8 : i32 to index
      %swap3A_813 = arith.constant 5120 : index
      %swap3A_814 = vector.load %arg12[%swap3A_812, %swap3A_813] : memref<512x8192xbf16, #tpu.memory_space<vmem>>, vector<512x128xbf16>
      tpu.vector_store %arg12[%swap3A_812, %swap3A_813], %convert_element_type3A_811 {strides = array<i32>} : memref<512x8192xbf16, #tpu.memory_space<vmem>>, vector<512x128xbf16>,
      %get3A_815 = arith.constant 0 : index
      %get3A_816 = arith.constant 5248 : index
      %get3A_817 = vector.load %arg13[%get3A_815, %get3A_816] : memref<512x8192xbf16, #tpu.memory_space<vmem>>, vector<512x128xbf16>
      %dot_general3A_818 = arith.constant dense<0.000000e+00> : vector<512x128xf32>
      %dot_general3A_819 = tpu.matmul %get3A_817, %get3A_17, %dot_general3A_818 {dimension_numbers = #tpu.dot_dimension_numbers<[1], [0], [0], [1], [0, 0, 1, 1], [], []>, transpose_lhs_hint = false} : vector<512x128xbf16>, vector<128x128xbf16>, vector<512x128xf32> -> vector<512x128xf32>
      %add3A_820 = vector.broadcast %get3A_23 : vector<1x128xf32> to vector<512x128xf32>
      %add3A_821 = arith.addf %dot_general3A_819, %add3A_820 : vector<512x128xf32>
      %max3A_822 = arith.constant 0.000000e+00 : f32
      %max3A_823 = vector.broadcast %max3A_822 : f32 to vector<512x128xf32>
      %max3A_824 = arith.maximumf %add3A_821, %max3A_823 : vector<512x128xf32>
      %convert_element_type3A_825 = arith.truncf %max3A_824 : vector<512x128xf32> to vector<512x128xbf16>
      %dot_general3A_826 = arith.constant dense<0.000000e+00> : vector<512x128xf32>
      %dot_general3A_827 = tpu.matmul %convert_element_type3A_825, %get3A_20, %dot_general3A_826 {dimension_numbers = #tpu.dot_dimension_numbers<[1], [0], [0], [1], [0, 0, 1, 1], [], []>, transpose_lhs_hint = false} : vector<512x128xbf16>, vector<128x128xbf16>, vector<512x128xf32> -> vector<512x128xf32>
      %add3A_828 = vector.broadcast %get3A_26 : vector<1x128xf32> to vector<512x128xf32>
      %add3A_829 = arith.addf %dot_general3A_827, %add3A_828 : vector<512x128xf32>
      %convert_element_type3A_830 = arith.truncf %add3A_829 : vector<512x128xf32> to vector<512x128xbf16>
      %swap3A_831 = arith.index_cast %mul3A_8 : i32 to index
      %swap3A_832 = arith.constant 5248 : index
      %swap3A_833 = vector.load %arg12[%swap3A_831, %swap3A_832] : memref<512x8192xbf16, #tpu.memory_space<vmem>>, vector<512x128xbf16>
      tpu.vector_store %arg12[%swap3A_831, %swap3A_832], %convert_element_type3A_830 {strides = array<i32>} : memref<512x8192xbf16, #tpu.memory_space<vmem>>, vector<512x128xbf16>,
      %get3A_834 = arith.constant 0 : index
      %get3A_835 = arith.constant 5376 : index
      %get3A_836 = vector.load %arg13[%get3A_834, %get3A_835] : memref<512x8192xbf16, #tpu.memory_space<vmem>>, vector<512x128xbf16>
      %dot_general3A_837 = arith.constant dense<0.000000e+00> : vector<512x128xf32>
      %dot_general3A_838 = tpu.matmul %get3A_836, %get3A_17, %dot_general3A_837 {dimension_numbers = #tpu.dot_dimension_numbers<[1], [0], [0], [1], [0, 0, 1, 1], [], []>, transpose_lhs_hint = false} : vector<512x128xbf16>, vector<128x128xbf16>, vector<512x128xf32> -> vector<512x128xf32>
      %add3A_839 = vector.broadcast %get3A_23 : vector<1x128xf32> to vector<512x128xf32>
      %add3A_840 = arith.addf %dot_general3A_838, %add3A_839 : vector<512x128xf32>
      %max3A_841 = arith.constant 0.000000e+00 : f32
      %max3A_842 = vector.broadcast %max3A_841 : f32 to vector<512x128xf32>
      %max3A_843 = arith.maximumf %add3A_840, %max3A_842 : vector<512x128xf32>
      %convert_element_type3A_844 = arith.truncf %max3A_843 : vector<512x128xf32> to vector<512x128xbf16>
      %dot_general3A_845 = arith.constant dense<0.000000e+00> : vector<512x128xf32>
      %dot_general3A_846 = tpu.matmul %convert_element_type3A_844, %get3A_20, %dot_general3A_845 {dimension_numbers = #tpu.dot_dimension_numbers<[1], [0], [0], [1], [0, 0, 1, 1], [], []>, transpose_lhs_hint = false} : vector<512x128xbf16>, vector<128x128xbf16>, vector<512x128xf32> -> vector<512x128xf32>
      %add3A_847 = vector.broadcast %get3A_26 : vector<1x128xf32> to vector<512x128xf32>
      %add3A_848 = arith.addf %dot_general3A_846, %add3A_847 : vector<512x128xf32>
      %convert_element_type3A_849 = arith.truncf %add3A_848 : vector<512x128xf32> to vector<512x128xbf16>
      %swap3A_850 = arith.index_cast %mul3A_8 : i32 to index
      %swap3A_851 = arith.constant 5376 : index
      %swap3A_852 = vector.load %arg12[%swap3A_850, %swap3A_851] : memref<512x8192xbf16, #tpu.memory_space<vmem>>, vector<512x128xbf16>
      tpu.vector_store %arg12[%swap3A_850, %swap3A_851], %convert_element_type3A_849 {strides = array<i32>} : memref<512x8192xbf16, #tpu.memory_space<vmem>>, vector<512x128xbf16>,
      %get3A_853 = arith.constant 0 : index
      %get3A_854 = arith.constant 5504 : index
      %get3A_855 = vector.load %arg13[%get3A_853, %get3A_854] : memref<512x8192xbf16, #tpu.memory_space<vmem>>, vector<512x128xbf16>
      %dot_general3A_856 = arith.constant dense<0.000000e+00> : vector<512x128xf32>
      %dot_general3A_857 = tpu.matmul %get3A_855, %get3A_17, %dot_general3A_856 {dimension_numbers = #tpu.dot_dimension_numbers<[1], [0], [0], [1], [0, 0, 1, 1], [], []>, transpose_lhs_hint = false} : vector<512x128xbf16>, vector<128x128xbf16>, vector<512x128xf32> -> vector<512x128xf32>
      %add3A_858 = vector.broadcast %get3A_23 : vector<1x128xf32> to vector<512x128xf32>
      %add3A_859 = arith.addf %dot_general3A_857, %add3A_858 : vector<512x128xf32>
      %max3A_860 = arith.constant 0.000000e+00 : f32
      %max3A_861 = vector.broadcast %max3A_860 : f32 to vector<512x128xf32>
      %max3A_862 = arith.maximumf %add3A_859, %max3A_861 : vector<512x128xf32>
      %convert_element_type3A_863 = arith.truncf %max3A_862 : vector<512x128xf32> to vector<512x128xbf16>
      %dot_general3A_864 = arith.constant dense<0.000000e+00> : vector<512x128xf32>
      %dot_general3A_865 = tpu.matmul %convert_element_type3A_863, %get3A_20, %dot_general3A_864 {dimension_numbers = #tpu.dot_dimension_numbers<[1], [0], [0], [1], [0, 0, 1, 1], [], []>, transpose_lhs_hint = false} : vector<512x128xbf16>, vector<128x128xbf16>, vector<512x128xf32> -> vector<512x128xf32>
      %add3A_866 = vector.broadcast %get3A_26 : vector<1x128xf32> to vector<512x128xf32>
      %add3A_867 = arith.addf %dot_general3A_865, %add3A_866 : vector<512x128xf32>
      %convert_element_type3A_868 = arith.truncf %add3A_867 : vector<512x128xf32> to vector<512x128xbf16>
      %swap3A_869 = arith.index_cast %mul3A_8 : i32 to index
      %swap3A_870 = arith.constant 5504 : index
      %swap3A_871 = vector.load %arg12[%swap3A_869, %swap3A_870] : memref<512x8192xbf16, #tpu.memory_space<vmem>>, vector<512x128xbf16>
      tpu.vector_store %arg12[%swap3A_869, %swap3A_870], %convert_element_type3A_868 {strides = array<i32>} : memref<512x8192xbf16, #tpu.memory_space<vmem>>, vector<512x128xbf16>,
      %get3A_872 = arith.constant 0 : index
      %get3A_873 = arith.constant 5632 : index
      %get3A_874 = vector.load %arg13[%get3A_872, %get3A_873] : memref<512x8192xbf16, #tpu.memory_space<vmem>>, vector<512x128xbf16>
      %dot_general3A_875 = arith.constant dense<0.000000e+00> : vector<512x128xf32>
      %dot_general3A_876 = tpu.matmul %get3A_874, %get3A_17, %dot_general3A_875 {dimension_numbers = #tpu.dot_dimension_numbers<[1], [0], [0], [1], [0, 0, 1, 1], [], []>, transpose_lhs_hint = false} : vector<512x128xbf16>, vector<128x128xbf16>, vector<512x128xf32> -> vector<512x128xf32>
      %add3A_877 = vector.broadcast %get3A_23 : vector<1x128xf32> to vector<512x128xf32>
      %add3A_878 = arith.addf %dot_general3A_876, %add3A_877 : vector<512x128xf32>
      %max3A_879 = arith.constant 0.000000e+00 : f32
      %max3A_880 = vector.broadcast %max3A_879 : f32 to vector<512x128xf32>
      %max3A_881 = arith.maximumf %add3A_878, %max3A_880 : vector<512x128xf32>
      %convert_element_type3A_882 = arith.truncf %max3A_881 : vector<512x128xf32> to vector<512x128xbf16>
      %dot_general3A_883 = arith.constant dense<0.000000e+00> : vector<512x128xf32>
      %dot_general3A_884 = tpu.matmul %convert_element_type3A_882, %get3A_20, %dot_general3A_883 {dimension_numbers = #tpu.dot_dimension_numbers<[1], [0], [0], [1], [0, 0, 1, 1], [], []>, transpose_lhs_hint = false} : vector<512x128xbf16>, vector<128x128xbf16>, vector<512x128xf32> -> vector<512x128xf32>
      %add3A_885 = vector.broadcast %get3A_26 : vector<1x128xf32> to vector<512x128xf32>
      %add3A_886 = arith.addf %dot_general3A_884, %add3A_885 : vector<512x128xf32>
      %convert_element_type3A_887 = arith.truncf %add3A_886 : vector<512x128xf32> to vector<512x128xbf16>
      %swap3A_888 = arith.index_cast %mul3A_8 : i32 to index
      %swap3A_889 = arith.constant 5632 : index
      %swap3A_890 = vector.load %arg12[%swap3A_888, %swap3A_889] : memref<512x8192xbf16, #tpu.memory_space<vmem>>, vector<512x128xbf16>
      tpu.vector_store %arg12[%swap3A_888, %swap3A_889], %convert_element_type3A_887 {strides = array<i32>} : memref<512x8192xbf16, #tpu.memory_space<vmem>>, vector<512x128xbf16>,
      %get3A_891 = arith.constant 0 : index
      %get3A_892 = arith.constant 5760 : index
      %get3A_893 = vector.load %arg13[%get3A_891, %get3A_892] : memref<512x8192xbf16, #tpu.memory_space<vmem>>, vector<512x128xbf16>
      %dot_general3A_894 = arith.constant dense<0.000000e+00> : vector<512x128xf32>
      %dot_general3A_895 = tpu.matmul %get3A_893, %get3A_17, %dot_general3A_894 {dimension_numbers = #tpu.dot_dimension_numbers<[1], [0], [0], [1], [0, 0, 1, 1], [], []>, transpose_lhs_hint = false} : vector<512x128xbf16>, vector<128x128xbf16>, vector<512x128xf32> -> vector<512x128xf32>
      %add3A_896 = vector.broadcast %get3A_23 : vector<1x128xf32> to vector<512x128xf32>
      %add3A_897 = arith.addf %dot_general3A_895, %add3A_896 : vector<512x128xf32>
      %max3A_898 = arith.constant 0.000000e+00 : f32
      %max3A_899 = vector.broadcast %max3A_898 : f32 to vector<512x128xf32>
      %max3A_900 = arith.maximumf %add3A_897, %max3A_899 : vector<512x128xf32>
      %convert_element_type3A_901 = arith.truncf %max3A_900 : vector<512x128xf32> to vector<512x128xbf16>
      %dot_general3A_902 = arith.constant dense<0.000000e+00> : vector<512x128xf32>
      %dot_general3A_903 = tpu.matmul %convert_element_type3A_901, %get3A_20, %dot_general3A_902 {dimension_numbers = #tpu.dot_dimension_numbers<[1], [0], [0], [1], [0, 0, 1, 1], [], []>, transpose_lhs_hint = false} : vector<512x128xbf16>, vector<128x128xbf16>, vector<512x128xf32> -> vector<512x128xf32>
      %add3A_904 = vector.broadcast %get3A_26 : vector<1x128xf32> to vector<512x128xf32>
      %add3A_905 = arith.addf %dot_general3A_903, %add3A_904 : vector<512x128xf32>
      %convert_element_type3A_906 = arith.truncf %add3A_905 : vector<512x128xf32> to vector<512x128xbf16>
      %swap3A_907 = arith.index_cast %mul3A_8 : i32 to index
      %swap3A_908 = arith.constant 5760 : index
      %swap3A_909 = vector.load %arg12[%swap3A_907, %swap3A_908] : memref<512x8192xbf16, #tpu.memory_space<vmem>>, vector<512x128xbf16>
      tpu.vector_store %arg12[%swap3A_907, %swap3A_908], %convert_element_type3A_906 {strides = array<i32>} : memref<512x8192xbf16, #tpu.memory_space<vmem>>, vector<512x128xbf16>,
      %get3A_910 = arith.constant 0 : index
      %get3A_911 = arith.constant 5888 : index
      %get3A_912 = vector.load %arg13[%get3A_910, %get3A_911] : memref<512x8192xbf16, #tpu.memory_space<vmem>>, vector<512x128xbf16>
      %dot_general3A_913 = arith.constant dense<0.000000e+00> : vector<512x128xf32>
      %dot_general3A_914 = tpu.matmul %get3A_912, %get3A_17, %dot_general3A_913 {dimension_numbers = #tpu.dot_dimension_numbers<[1], [0], [0], [1], [0, 0, 1, 1], [], []>, transpose_lhs_hint = false} : vector<512x128xbf16>, vector<128x128xbf16>, vector<512x128xf32> -> vector<512x128xf32>
      %add3A_915 = vector.broadcast %get3A_23 : vector<1x128xf32> to vector<512x128xf32>
      %add3A_916 = arith.addf %dot_general3A_914, %add3A_915 : vector<512x128xf32>
      %max3A_917 = arith.constant 0.000000e+00 : f32
      %max3A_918 = vector.broadcast %max3A_917 : f32 to vector<512x128xf32>
      %max3A_919 = arith.maximumf %add3A_916, %max3A_918 : vector<512x128xf32>
      %convert_element_type3A_920 = arith.truncf %max3A_919 : vector<512x128xf32> to vector<512x128xbf16>
      %dot_general3A_921 = arith.constant dense<0.000000e+00> : vector<512x128xf32>
      %dot_general3A_922 = tpu.matmul %convert_element_type3A_920, %get3A_20, %dot_general3A_921 {dimension_numbers = #tpu.dot_dimension_numbers<[1], [0], [0], [1], [0, 0, 1, 1], [], []>, transpose_lhs_hint = false} : vector<512x128xbf16>, vector<128x128xbf16>, vector<512x128xf32> -> vector<512x128xf32>
      %add3A_923 = vector.broadcast %get3A_26 : vector<1x128xf32> to vector<512x128xf32>
      %add3A_924 = arith.addf %dot_general3A_922, %add3A_923 : vector<512x128xf32>
      %convert_element_type3A_925 = arith.truncf %add3A_924 : vector<512x128xf32> to vector<512x128xbf16>
      %swap3A_926 = arith.index_cast %mul3A_8 : i32 to index
      %swap3A_927 = arith.constant 5888 : index
      %swap3A_928 = vector.load %arg12[%swap3A_926, %swap3A_927] : memref<512x8192xbf16, #tpu.memory_space<vmem>>, vector<512x128xbf16>
      tpu.vector_store %arg12[%swap3A_926, %swap3A_927], %convert_element_type3A_925 {strides = array<i32>} : memref<512x8192xbf16, #tpu.memory_space<vmem>>, vector<512x128xbf16>,
      %get3A_929 = arith.constant 0 : index
      %get3A_930 = arith.constant 6016 : index
      %get3A_931 = vector.load %arg13[%get3A_929, %get3A_930] : memref<512x8192xbf16, #tpu.memory_space<vmem>>, vector<512x128xbf16>
      %dot_general3A_932 = arith.constant dense<0.000000e+00> : vector<512x128xf32>
      %dot_general3A_933 = tpu.matmul %get3A_931, %get3A_17, %dot_general3A_932 {dimension_numbers = #tpu.dot_dimension_numbers<[1], [0], [0], [1], [0, 0, 1, 1], [], []>, transpose_lhs_hint = false} : vector<512x128xbf16>, vector<128x128xbf16>, vector<512x128xf32> -> vector<512x128xf32>
      %add3A_934 = vector.broadcast %get3A_23 : vector<1x128xf32> to vector<512x128xf32>
      %add3A_935 = arith.addf %dot_general3A_933, %add3A_934 : vector<512x128xf32>
      %max3A_936 = arith.constant 0.000000e+00 : f32
      %max3A_937 = vector.broadcast %max3A_936 : f32 to vector<512x128xf32>
      %max3A_938 = arith.maximumf %add3A_935, %max3A_937 : vector<512x128xf32>
      %convert_element_type3A_939 = arith.truncf %max3A_938 : vector<512x128xf32> to vector<512x128xbf16>
      %dot_general3A_940 = arith.constant dense<0.000000e+00> : vector<512x128xf32>
      %dot_general3A_941 = tpu.matmul %convert_element_type3A_939, %get3A_20, %dot_general3A_940 {dimension_numbers = #tpu.dot_dimension_numbers<[1], [0], [0], [1], [0, 0, 1, 1], [], []>, transpose_lhs_hint = false} : vector<512x128xbf16>, vector<128x128xbf16>, vector<512x128xf32> -> vector<512x128xf32>
      %add3A_942 = vector.broadcast %get3A_26 : vector<1x128xf32> to vector<512x128xf32>
      %add3A_943 = arith.addf %dot_general3A_941, %add3A_942 : vector<512x128xf32>
      %convert_element_type3A_944 = arith.truncf %add3A_943 : vector<512x128xf32> to vector<512x128xbf16>
      %swap3A_945 = arith.index_cast %mul3A_8 : i32 to index
      %swap3A_946 = arith.constant 6016 : index
      %swap3A_947 = vector.load %arg12[%swap3A_945, %swap3A_946] : memref<512x8192xbf16, #tpu.memory_space<vmem>>, vector<512x128xbf16>
      tpu.vector_store %arg12[%swap3A_945, %swap3A_946], %convert_element_type3A_944 {strides = array<i32>} : memref<512x8192xbf16, #tpu.memory_space<vmem>>, vector<512x128xbf16>,
      %get3A_948 = arith.constant 0 : index
      %get3A_949 = arith.constant 6144 : index
      %get3A_950 = vector.load %arg13[%get3A_948, %get3A_949] : memref<512x8192xbf16, #tpu.memory_space<vmem>>, vector<512x128xbf16>
      %dot_general3A_951 = arith.constant dense<0.000000e+00> : vector<512x128xf32>
      %dot_general3A_952 = tpu.matmul %get3A_950, %get3A_17, %dot_general3A_951 {dimension_numbers = #tpu.dot_dimension_numbers<[1], [0], [0], [1], [0, 0, 1, 1], [], []>, transpose_lhs_hint = false} : vector<512x128xbf16>, vector<128x128xbf16>, vector<512x128xf32> -> vector<512x128xf32>
      %add3A_953 = vector.broadcast %get3A_23 : vector<1x128xf32> to vector<512x128xf32>
      %add3A_954 = arith.addf %dot_general3A_952, %add3A_953 : vector<512x128xf32>
      %max3A_955 = arith.constant 0.000000e+00 : f32
      %max3A_956 = vector.broadcast %max3A_955 : f32 to vector<512x128xf32>
      %max3A_957 = arith.maximumf %add3A_954, %max3A_956 : vector<512x128xf32>
      %convert_element_type3A_958 = arith.truncf %max3A_957 : vector<512x128xf32> to vector<512x128xbf16>
      %dot_general3A_959 = arith.constant dense<0.000000e+00> : vector<512x128xf32>
      %dot_general3A_960 = tpu.matmul %convert_element_type3A_958, %get3A_20, %dot_general3A_959 {dimension_numbers = #tpu.dot_dimension_numbers<[1], [0], [0], [1], [0, 0, 1, 1], [], []>, transpose_lhs_hint = false} : vector<512x128xbf16>, vector<128x128xbf16>, vector<512x128xf32> -> vector<512x128xf32>
      %add3A_961 = vector.broadcast %get3A_26 : vector<1x128xf32> to vector<512x128xf32>
      %add3A_962 = arith.addf %dot_general3A_960, %add3A_961 : vector<512x128xf32>
      %convert_element_type3A_963 = arith.truncf %add3A_962 : vector<512x128xf32> to vector<512x128xbf16>
      %swap3A_964 = arith.index_cast %mul3A_8 : i32 to index
      %swap3A_965 = arith.constant 6144 : index
      %swap3A_966 = vector.load %arg12[%swap3A_964, %swap3A_965] : memref<512x8192xbf16, #tpu.memory_space<vmem>>, vector<512x128xbf16>
      tpu.vector_store %arg12[%swap3A_964, %swap3A_965], %convert_element_type3A_963 {strides = array<i32>} : memref<512x8192xbf16, #tpu.memory_space<vmem>>, vector<512x128xbf16>,
      %get3A_967 = arith.constant 0 : index
      %get3A_968 = arith.constant 6272 : index
      %get3A_969 = vector.load %arg13[%get3A_967, %get3A_968] : memref<512x8192xbf16, #tpu.memory_space<vmem>>, vector<512x128xbf16>
      %dot_general3A_970 = arith.constant dense<0.000000e+00> : vector<512x128xf32>
      %dot_general3A_971 = tpu.matmul %get3A_969, %get3A_17, %dot_general3A_970 {dimension_numbers = #tpu.dot_dimension_numbers<[1], [0], [0], [1], [0, 0, 1, 1], [], []>, transpose_lhs_hint = false} : vector<512x128xbf16>, vector<128x128xbf16>, vector<512x128xf32> -> vector<512x128xf32>
      %add3A_972 = vector.broadcast %get3A_23 : vector<1x128xf32> to vector<512x128xf32>
      %add3A_973 = arith.addf %dot_general3A_971, %add3A_972 : vector<512x128xf32>
      %max3A_974 = arith.constant 0.000000e+00 : f32
      %max3A_975 = vector.broadcast %max3A_974 : f32 to vector<512x128xf32>
      %max3A_976 = arith.maximumf %add3A_973, %max3A_975 : vector<512x128xf32>
      %convert_element_type3A_977 = arith.truncf %max3A_976 : vector<512x128xf32> to vector<512x128xbf16>
      %dot_general3A_978 = arith.constant dense<0.000000e+00> : vector<512x128xf32>
      %dot_general3A_979 = tpu.matmul %convert_element_type3A_977, %get3A_20, %dot_general3A_978 {dimension_numbers = #tpu.dot_dimension_numbers<[1], [0], [0], [1], [0, 0, 1, 1], [], []>, transpose_lhs_hint = false} : vector<512x128xbf16>, vector<128x128xbf16>, vector<512x128xf32> -> vector<512x128xf32>
      %add3A_980 = vector.broadcast %get3A_26 : vector<1x128xf32> to vector<512x128xf32>
      %add3A_981 = arith.addf %dot_general3A_979, %add3A_980 : vector<512x128xf32>
      %convert_element_type3A_982 = arith.truncf %add3A_981 : vector<512x128xf32> to vector<512x128xbf16>
      %swap3A_983 = arith.index_cast %mul3A_8 : i32 to index
      %swap3A_984 = arith.constant 6272 : index
      %swap3A_985 = vector.load %arg12[%swap3A_983, %swap3A_984] : memref<512x8192xbf16, #tpu.memory_space<vmem>>, vector<512x128xbf16>
      tpu.vector_store %arg12[%swap3A_983, %swap3A_984], %convert_element_type3A_982 {strides = array<i32>} : memref<512x8192xbf16, #tpu.memory_space<vmem>>, vector<512x128xbf16>,
      %get3A_986 = arith.constant 0 : index
      %get3A_987 = arith.constant 6400 : index
      %get3A_988 = vector.load %arg13[%get3A_986, %get3A_987] : memref<512x8192xbf16, #tpu.memory_space<vmem>>, vector<512x128xbf16>
      %dot_general3A_989 = arith.constant dense<0.000000e+00> : vector<512x128xf32>
      %dot_general3A_990 = tpu.matmul %get3A_988, %get3A_17, %dot_general3A_989 {dimension_numbers = #tpu.dot_dimension_numbers<[1], [0], [0], [1], [0, 0, 1, 1], [], []>, transpose_lhs_hint = false} : vector<512x128xbf16>, vector<128x128xbf16>, vector<512x128xf32> -> vector<512x128xf32>
      %add3A_991 = vector.broadcast %get3A_23 : vector<1x128xf32> to vector<512x128xf32>
      %add3A_992 = arith.addf %dot_general3A_990, %add3A_991 : vector<512x128xf32>
      %max3A_993 = arith.constant 0.000000e+00 : f32
      %max3A_994 = vector.broadcast %max3A_993 : f32 to vector<512x128xf32>
      %max3A_995 = arith.maximumf %add3A_992, %max3A_994 : vector<512x128xf32>
      %convert_element_type3A_996 = arith.truncf %max3A_995 : vector<512x128xf32> to vector<512x128xbf16>
      %dot_general3A_997 = arith.constant dense<0.000000e+00> : vector<512x128xf32>
      %dot_general3A_998 = tpu.matmul %convert_element_type3A_996, %get3A_20, %dot_general3A_997 {dimension_numbers = #tpu.dot_dimension_numbers<[1], [0], [0], [1], [0, 0, 1, 1], [], []>, transpose_lhs_hint = false} : vector<512x128xbf16>, vector<128x128xbf16>, vector<512x128xf32> -> vector<512x128xf32>
      %add3A_999 = vector.broadcast %get3A_26 : vector<1x128xf32> to vector<512x128xf32>
      %add3A_1000 = arith.addf %dot_general3A_998, %add3A_999 : vector<512x128xf32>
      %convert_element_type3A_1001 = arith.truncf %add3A_1000 : vector<512x128xf32> to vector<512x128xbf16>
      %swap3A_1002 = arith.index_cast %mul3A_8 : i32 to index
      %swap3A_1003 = arith.constant 6400 : index
      %swap3A_1004 = vector.load %arg12[%swap3A_1002, %swap3A_1003] : memref<512x8192xbf16, #tpu.memory_space<vmem>>, vector<512x128xbf16>
      tpu.vector_store %arg12[%swap3A_1002, %swap3A_1003], %convert_element_type3A_1001 {strides = array<i32>} : memref<512x8192xbf16, #tpu.memory_space<vmem>>, vector<512x128xbf16>,
      %get3A_1005 = arith.constant 0 : index
      %get3A_1006 = arith.constant 6528 : index
      %get3A_1007 = vector.load %arg13[%get3A_1005, %get3A_1006] : memref<512x8192xbf16, #tpu.memory_space<vmem>>, vector<512x128xbf16>
      %dot_general3A_1008 = arith.constant dense<0.000000e+00> : vector<512x128xf32>
      %dot_general3A_1009 = tpu.matmul %get3A_1007, %get3A_17, %dot_general3A_1008 {dimension_numbers = #tpu.dot_dimension_numbers<[1], [0], [0], [1], [0, 0, 1, 1], [], []>, transpose_lhs_hint = false} : vector<512x128xbf16>, vector<128x128xbf16>, vector<512x128xf32> -> vector<512x128xf32>
      %add3A_1010 = vector.broadcast %get3A_23 : vector<1x128xf32> to vector<512x128xf32>
      %add3A_1011 = arith.addf %dot_general3A_1009, %add3A_1010 : vector<512x128xf32>
      %max3A_1012 = arith.constant 0.000000e+00 : f32
      %max3A_1013 = vector.broadcast %max3A_1012 : f32 to vector<512x128xf32>
      %max3A_1014 = arith.maximumf %add3A_1011, %max3A_1013 : vector<512x128xf32>
      %convert_element_type3A_1015 = arith.truncf %max3A_1014 : vector<512x128xf32> to vector<512x128xbf16>
      %dot_general3A_1016 = arith.constant dense<0.000000e+00> : vector<512x128xf32>
      %dot_general3A_1017 = tpu.matmul %convert_element_type3A_1015, %get3A_20, %dot_general3A_1016 {dimension_numbers = #tpu.dot_dimension_numbers<[1], [0], [0], [1], [0, 0, 1, 1], [], []>, transpose_lhs_hint = false} : vector<512x128xbf16>, vector<128x128xbf16>, vector<512x128xf32> -> vector<512x128xf32>
      %add3A_1018 = vector.broadcast %get3A_26 : vector<1x128xf32> to vector<512x128xf32>
      %add3A_1019 = arith.addf %dot_general3A_1017, %add3A_1018 : vector<512x128xf32>
      %convert_element_type3A_1020 = arith.truncf %add3A_1019 : vector<512x128xf32> to vector<512x128xbf16>
      %swap3A_1021 = arith.index_cast %mul3A_8 : i32 to index
      %swap3A_1022 = arith.constant 6528 : index
      %swap3A_1023 = vector.load %arg12[%swap3A_1021, %swap3A_1022] : memref<512x8192xbf16, #tpu.memory_space<vmem>>, vector<512x128xbf16>
      tpu.vector_store %arg12[%swap3A_1021, %swap3A_1022], %convert_element_type3A_1020 {strides = array<i32>} : memref<512x8192xbf16, #tpu.memory_space<vmem>>, vector<512x128xbf16>,
      %get3A_1024 = arith.constant 0 : index
      %get3A_1025 = arith.constant 6656 : index
      %get3A_1026 = vector.load %arg13[%get3A_1024, %get3A_1025] : memref<512x8192xbf16, #tpu.memory_space<vmem>>, vector<512x128xbf16>
      %dot_general3A_1027 = arith.constant dense<0.000000e+00> : vector<512x128xf32>
      %dot_general3A_1028 = tpu.matmul %get3A_1026, %get3A_17, %dot_general3A_1027 {dimension_numbers = #tpu.dot_dimension_numbers<[1], [0], [0], [1], [0, 0, 1, 1], [], []>, transpose_lhs_hint = false} : vector<512x128xbf16>, vector<128x128xbf16>, vector<512x128xf32> -> vector<512x128xf32>
      %add3A_1029 = vector.broadcast %get3A_23 : vector<1x128xf32> to vector<512x128xf32>
      %add3A_1030 = arith.addf %dot_general3A_1028, %add3A_1029 : vector<512x128xf32>
      %max3A_1031 = arith.constant 0.000000e+00 : f32
      %max3A_1032 = vector.broadcast %max3A_1031 : f32 to vector<512x128xf32>
      %max3A_1033 = arith.maximumf %add3A_1030, %max3A_1032 : vector<512x128xf32>
      %convert_element_type3A_1034 = arith.truncf %max3A_1033 : vector<512x128xf32> to vector<512x128xbf16>
      %dot_general3A_1035 = arith.constant dense<0.000000e+00> : vector<512x128xf32>
      %dot_general3A_1036 = tpu.matmul %convert_element_type3A_1034, %get3A_20, %dot_general3A_1035 {dimension_numbers = #tpu.dot_dimension_numbers<[1], [0], [0], [1], [0, 0, 1, 1], [], []>, transpose_lhs_hint = false} : vector<512x128xbf16>, vector<128x128xbf16>, vector<512x128xf32> -> vector<512x128xf32>
      %add3A_1037 = vector.broadcast %get3A_26 : vector<1x128xf32> to vector<512x128xf32>
      %add3A_1038 = arith.addf %dot_general3A_1036, %add3A_1037 : vector<512x128xf32>
      %convert_element_type3A_1039 = arith.truncf %add3A_1038 : vector<512x128xf32> to vector<512x128xbf16>
      %swap3A_1040 = arith.index_cast %mul3A_8 : i32 to index
      %swap3A_1041 = arith.constant 6656 : index
      %swap3A_1042 = vector.load %arg12[%swap3A_1040, %swap3A_1041] : memref<512x8192xbf16, #tpu.memory_space<vmem>>, vector<512x128xbf16>
      tpu.vector_store %arg12[%swap3A_1040, %swap3A_1041], %convert_element_type3A_1039 {strides = array<i32>} : memref<512x8192xbf16, #tpu.memory_space<vmem>>, vector<512x128xbf16>,
      %get3A_1043 = arith.constant 0 : index
      %get3A_1044 = arith.constant 6784 : index
      %get3A_1045 = vector.load %arg13[%get3A_1043, %get3A_1044] : memref<512x8192xbf16, #tpu.memory_space<vmem>>, vector<512x128xbf16>
      %dot_general3A_1046 = arith.constant dense<0.000000e+00> : vector<512x128xf32>
      %dot_general3A_1047 = tpu.matmul %get3A_1045, %get3A_17, %dot_general3A_1046 {dimension_numbers = #tpu.dot_dimension_numbers<[1], [0], [0], [1], [0, 0, 1, 1], [], []>, transpose_lhs_hint = false} : vector<512x128xbf16>, vector<128x128xbf16>, vector<512x128xf32> -> vector<512x128xf32>
      %add3A_1048 = vector.broadcast %get3A_23 : vector<1x128xf32> to vector<512x128xf32>
      %add3A_1049 = arith.addf %dot_general3A_1047, %add3A_1048 : vector<512x128xf32>
      %max3A_1050 = arith.constant 0.000000e+00 : f32
      %max3A_1051 = vector.broadcast %max3A_1050 : f32 to vector<512x128xf32>
      %max3A_1052 = arith.maximumf %add3A_1049, %max3A_1051 : vector<512x128xf32>
      %convert_element_type3A_1053 = arith.truncf %max3A_1052 : vector<512x128xf32> to vector<512x128xbf16>
      %dot_general3A_1054 = arith.constant dense<0.000000e+00> : vector<512x128xf32>
      %dot_general3A_1055 = tpu.matmul %convert_element_type3A_1053, %get3A_20, %dot_general3A_1054 {dimension_numbers = #tpu.dot_dimension_numbers<[1], [0], [0], [1], [0, 0, 1, 1], [], []>, transpose_lhs_hint = false} : vector<512x128xbf16>, vector<128x128xbf16>, vector<512x128xf32> -> vector<512x128xf32>
      %add3A_1056 = vector.broadcast %get3A_26 : vector<1x128xf32> to vector<512x128xf32>
      %add3A_1057 = arith.addf %dot_general3A_1055, %add3A_1056 : vector<512x128xf32>
      %convert_element_type3A_1058 = arith.truncf %add3A_1057 : vector<512x128xf32> to vector<512x128xbf16>
      %swap3A_1059 = arith.index_cast %mul3A_8 : i32 to index
      %swap3A_1060 = arith.constant 6784 : index
      %swap3A_1061 = vector.load %arg12[%swap3A_1059, %swap3A_1060] : memref<512x8192xbf16, #tpu.memory_space<vmem>>, vector<512x128xbf16>
      tpu.vector_store %arg12[%swap3A_1059, %swap3A_1060], %convert_element_type3A_1058 {strides = array<i32>} : memref<512x8192xbf16, #tpu.memory_space<vmem>>, vector<512x128xbf16>,
      %get3A_1062 = arith.constant 0 : index
      %get3A_1063 = arith.constant 6912 : index
      %get3A_1064 = vector.load %arg13[%get3A_1062, %get3A_1063] : memref<512x8192xbf16, #tpu.memory_space<vmem>>, vector<512x128xbf16>
      %dot_general3A_1065 = arith.constant dense<0.000000e+00> : vector<512x128xf32>
      %dot_general3A_1066 = tpu.matmul %get3A_1064, %get3A_17, %dot_general3A_1065 {dimension_numbers = #tpu.dot_dimension_numbers<[1], [0], [0], [1], [0, 0, 1, 1], [], []>, transpose_lhs_hint = false} : vector<512x128xbf16>, vector<128x128xbf16>, vector<512x128xf32> -> vector<512x128xf32>
      %add3A_1067 = vector.broadcast %get3A_23 : vector<1x128xf32> to vector<512x128xf32>
      %add3A_1068 = arith.addf %dot_general3A_1066, %add3A_1067 : vector<512x128xf32>
      %max3A_1069 = arith.constant 0.000000e+00 : f32
      %max3A_1070 = vector.broadcast %max3A_1069 : f32 to vector<512x128xf32>
      %max3A_1071 = arith.maximumf %add3A_1068, %max3A_1070 : vector<512x128xf32>
      %convert_element_type3A_1072 = arith.truncf %max3A_1071 : vector<512x128xf32> to vector<512x128xbf16>
      %dot_general3A_1073 = arith.constant dense<0.000000e+00> : vector<512x128xf32>
      %dot_general3A_1074 = tpu.matmul %convert_element_type3A_1072, %get3A_20, %dot_general3A_1073 {dimension_numbers = #tpu.dot_dimension_numbers<[1], [0], [0], [1], [0, 0, 1, 1], [], []>, transpose_lhs_hint = false} : vector<512x128xbf16>, vector<128x128xbf16>, vector<512x128xf32> -> vector<512x128xf32>
      %add3A_1075 = vector.broadcast %get3A_26 : vector<1x128xf32> to vector<512x128xf32>
      %add3A_1076 = arith.addf %dot_general3A_1074, %add3A_1075 : vector<512x128xf32>
      %convert_element_type3A_1077 = arith.truncf %add3A_1076 : vector<512x128xf32> to vector<512x128xbf16>
      %swap3A_1078 = arith.index_cast %mul3A_8 : i32 to index
      %swap3A_1079 = arith.constant 6912 : index
      %swap3A_1080 = vector.load %arg12[%swap3A_1078, %swap3A_1079] : memref<512x8192xbf16, #tpu.memory_space<vmem>>, vector<512x128xbf16>
      tpu.vector_store %arg12[%swap3A_1078, %swap3A_1079], %convert_element_type3A_1077 {strides = array<i32>} : memref<512x8192xbf16, #tpu.memory_space<vmem>>, vector<512x128xbf16>,
      %get3A_1081 = arith.constant 0 : index
      %get3A_1082 = arith.constant 7040 : index
      %get3A_1083 = vector.load %arg13[%get3A_1081, %get3A_1082] : memref<512x8192xbf16, #tpu.memory_space<vmem>>, vector<512x128xbf16>
      %dot_general3A_1084 = arith.constant dense<0.000000e+00> : vector<512x128xf32>
      %dot_general3A_1085 = tpu.matmul %get3A_1083, %get3A_17, %dot_general3A_1084 {dimension_numbers = #tpu.dot_dimension_numbers<[1], [0], [0], [1], [0, 0, 1, 1], [], []>, transpose_lhs_hint = false} : vector<512x128xbf16>, vector<128x128xbf16>, vector<512x128xf32> -> vector<512x128xf32>
      %add3A_1086 = vector.broadcast %get3A_23 : vector<1x128xf32> to vector<512x128xf32>
      %add3A_1087 = arith.addf %dot_general3A_1085, %add3A_1086 : vector<512x128xf32>
      %max3A_1088 = arith.constant 0.000000e+00 : f32
      %max3A_1089 = vector.broadcast %max3A_1088 : f32 to vector<512x128xf32>
      %max3A_1090 = arith.maximumf %add3A_1087, %max3A_1089 : vector<512x128xf32>
      %convert_element_type3A_1091 = arith.truncf %max3A_1090 : vector<512x128xf32> to vector<512x128xbf16>
      %dot_general3A_1092 = arith.constant dense<0.000000e+00> : vector<512x128xf32>
      %dot_general3A_1093 = tpu.matmul %convert_element_type3A_1091, %get3A_20, %dot_general3A_1092 {dimension_numbers = #tpu.dot_dimension_numbers<[1], [0], [0], [1], [0, 0, 1, 1], [], []>, transpose_lhs_hint = false} : vector<512x128xbf16>, vector<128x128xbf16>, vector<512x128xf32> -> vector<512x128xf32>
      %add3A_1094 = vector.broadcast %get3A_26 : vector<1x128xf32> to vector<512x128xf32>
      %add3A_1095 = arith.addf %dot_general3A_1093, %add3A_1094 : vector<512x128xf32>
      %convert_element_type3A_1096 = arith.truncf %add3A_1095 : vector<512x128xf32> to vector<512x128xbf16>
      %swap3A_1097 = arith.index_cast %mul3A_8 : i32 to index
      %swap3A_1098 = arith.constant 7040 : index
      %swap3A_1099 = vector.load %arg12[%swap3A_1097, %swap3A_1098] : memref<512x8192xbf16, #tpu.memory_space<vmem>>, vector<512x128xbf16>
      tpu.vector_store %arg12[%swap3A_1097, %swap3A_1098], %convert_element_type3A_1096 {strides = array<i32>} : memref<512x8192xbf16, #tpu.memory_space<vmem>>, vector<512x128xbf16>,
      %get3A_1100 = arith.constant 0 : index
      %get3A_1101 = arith.constant 7168 : index
      %get3A_1102 = vector.load %arg13[%get3A_1100, %get3A_1101] : memref<512x8192xbf16, #tpu.memory_space<vmem>>, vector<512x128xbf16>
      %dot_general3A_1103 = arith.constant dense<0.000000e+00> : vector<512x128xf32>
      %dot_general3A_1104 = tpu.matmul %get3A_1102, %get3A_17, %dot_general3A_1103 {dimension_numbers = #tpu.dot_dimension_numbers<[1], [0], [0], [1], [0, 0, 1, 1], [], []>, transpose_lhs_hint = false} : vector<512x128xbf16>, vector<128x128xbf16>, vector<512x128xf32> -> vector<512x128xf32>
      %add3A_1105 = vector.broadcast %get3A_23 : vector<1x128xf32> to vector<512x128xf32>
      %add3A_1106 = arith.addf %dot_general3A_1104, %add3A_1105 : vector<512x128xf32>
      %max3A_1107 = arith.constant 0.000000e+00 : f32
      %max3A_1108 = vector.broadcast %max3A_1107 : f32 to vector<512x128xf32>
      %max3A_1109 = arith.maximumf %add3A_1106, %max3A_1108 : vector<512x128xf32>
      %convert_element_type3A_1110 = arith.truncf %max3A_1109 : vector<512x128xf32> to vector<512x128xbf16>
      %dot_general3A_1111 = arith.constant dense<0.000000e+00> : vector<512x128xf32>
      %dot_general3A_1112 = tpu.matmul %convert_element_type3A_1110, %get3A_20, %dot_general3A_1111 {dimension_numbers = #tpu.dot_dimension_numbers<[1], [0], [0], [1], [0, 0, 1, 1], [], []>, transpose_lhs_hint = false} : vector<512x128xbf16>, vector<128x128xbf16>, vector<512x128xf32> -> vector<512x128xf32>
      %add3A_1113 = vector.broadcast %get3A_26 : vector<1x128xf32> to vector<512x128xf32>
      %add3A_1114 = arith.addf %dot_general3A_1112, %add3A_1113 : vector<512x128xf32>
      %convert_element_type3A_1115 = arith.truncf %add3A_1114 : vector<512x128xf32> to vector<512x128xbf16>
      %swap3A_1116 = arith.index_cast %mul3A_8 : i32 to index
      %swap3A_1117 = arith.constant 7168 : index
      %swap3A_1118 = vector.load %arg12[%swap3A_1116, %swap3A_1117] : memref<512x8192xbf16, #tpu.memory_space<vmem>>, vector<512x128xbf16>
      tpu.vector_store %arg12[%swap3A_1116, %swap3A_1117], %convert_element_type3A_1115 {strides = array<i32>} : memref<512x8192xbf16, #tpu.memory_space<vmem>>, vector<512x128xbf16>,
      %get3A_1119 = arith.constant 0 : index
      %get3A_1120 = arith.constant 7296 : index
      %get3A_1121 = vector.load %arg13[%get3A_1119, %get3A_1120] : memref<512x8192xbf16, #tpu.memory_space<vmem>>, vector<512x128xbf16>
      %dot_general3A_1122 = arith.constant dense<0.000000e+00> : vector<512x128xf32>
      %dot_general3A_1123 = tpu.matmul %get3A_1121, %get3A_17, %dot_general3A_1122 {dimension_numbers = #tpu.dot_dimension_numbers<[1], [0], [0], [1], [0, 0, 1, 1], [], []>, transpose_lhs_hint = false} : vector<512x128xbf16>, vector<128x128xbf16>, vector<512x128xf32> -> vector<512x128xf32>
      %add3A_1124 = vector.broadcast %get3A_23 : vector<1x128xf32> to vector<512x128xf32>
      %add3A_1125 = arith.addf %dot_general3A_1123, %add3A_1124 : vector<512x128xf32>
      %max3A_1126 = arith.constant 0.000000e+00 : f32
      %max3A_1127 = vector.broadcast %max3A_1126 : f32 to vector<512x128xf32>
      %max3A_1128 = arith.maximumf %add3A_1125, %max3A_1127 : vector<512x128xf32>
      %convert_element_type3A_1129 = arith.truncf %max3A_1128 : vector<512x128xf32> to vector<512x128xbf16>
      %dot_general3A_1130 = arith.constant dense<0.000000e+00> : vector<512x128xf32>
      %dot_general3A_1131 = tpu.matmul %convert_element_type3A_1129, %get3A_20, %dot_general3A_1130 {dimension_numbers = #tpu.dot_dimension_numbers<[1], [0], [0], [1], [0, 0, 1, 1], [], []>, transpose_lhs_hint = false} : vector<512x128xbf16>, vector<128x128xbf16>, vector<512x128xf32> -> vector<512x128xf32>
      %add3A_1132 = vector.broadcast %get3A_26 : vector<1x128xf32> to vector<512x128xf32>
      %add3A_1133 = arith.addf %dot_general3A_1131, %add3A_1132 : vector<512x128xf32>
      %convert_element_type3A_1134 = arith.truncf %add3A_1133 : vector<512x128xf32> to vector<512x128xbf16>
      %swap3A_1135 = arith.index_cast %mul3A_8 : i32 to index
      %swap3A_1136 = arith.constant 7296 : index
      %swap3A_1137 = vector.load %arg12[%swap3A_1135, %swap3A_1136] : memref<512x8192xbf16, #tpu.memory_space<vmem>>, vector<512x128xbf16>
      tpu.vector_store %arg12[%swap3A_1135, %swap3A_1136], %convert_element_type3A_1134 {strides = array<i32>} : memref<512x8192xbf16, #tpu.memory_space<vmem>>, vector<512x128xbf16>,
      %get3A_1138 = arith.constant 0 : index
      %get3A_1139 = arith.constant 7424 : index
      %get3A_1140 = vector.load %arg13[%get3A_1138, %get3A_1139] : memref<512x8192xbf16, #tpu.memory_space<vmem>>, vector<512x128xbf16>
      %dot_general3A_1141 = arith.constant dense<0.000000e+00> : vector<512x128xf32>
      %dot_general3A_1142 = tpu.matmul %get3A_1140, %get3A_17, %dot_general3A_1141 {dimension_numbers = #tpu.dot_dimension_numbers<[1], [0], [0], [1], [0, 0, 1, 1], [], []>, transpose_lhs_hint = false} : vector<512x128xbf16>, vector<128x128xbf16>, vector<512x128xf32> -> vector<512x128xf32>
      %add3A_1143 = vector.broadcast %get3A_23 : vector<1x128xf32> to vector<512x128xf32>
      %add3A_1144 = arith.addf %dot_general3A_1142, %add3A_1143 : vector<512x128xf32>
      %max3A_1145 = arith.constant 0.000000e+00 : f32
      %max3A_1146 = vector.broadcast %max3A_1145 : f32 to vector<512x128xf32>
      %max3A_1147 = arith.maximumf %add3A_1144, %max3A_1146 : vector<512x128xf32>
      %convert_element_type3A_1148 = arith.truncf %max3A_1147 : vector<512x128xf32> to vector<512x128xbf16>
      %dot_general3A_1149 = arith.constant dense<0.000000e+00> : vector<512x128xf32>
      %dot_general3A_1150 = tpu.matmul %convert_element_type3A_1148, %get3A_20, %dot_general3A_1149 {dimension_numbers = #tpu.dot_dimension_numbers<[1], [0], [0], [1], [0, 0, 1, 1], [], []>, transpose_lhs_hint = false} : vector<512x128xbf16>, vector<128x128xbf16>, vector<512x128xf32> -> vector<512x128xf32>
      %add3A_1151 = vector.broadcast %get3A_26 : vector<1x128xf32> to vector<512x128xf32>
      %add3A_1152 = arith.addf %dot_general3A_1150, %add3A_1151 : vector<512x128xf32>
      %convert_element_type3A_1153 = arith.truncf %add3A_1152 : vector<512x128xf32> to vector<512x128xbf16>
      %swap3A_1154 = arith.index_cast %mul3A_8 : i32 to index
      %swap3A_1155 = arith.constant 7424 : index
      %swap3A_1156 = vector.load %arg12[%swap3A_1154, %swap3A_1155] : memref<512x8192xbf16, #tpu.memory_space<vmem>>, vector<512x128xbf16>
      tpu.vector_store %arg12[%swap3A_1154, %swap3A_1155], %convert_element_type3A_1153 {strides = array<i32>} : memref<512x8192xbf16, #tpu.memory_space<vmem>>, vector<512x128xbf16>,
      %get3A_1157 = arith.constant 0 : index
      %get3A_1158 = arith.constant 7552 : index
      %get3A_1159 = vector.load %arg13[%get3A_1157, %get3A_1158] : memref<512x8192xbf16, #tpu.memory_space<vmem>>, vector<512x128xbf16>
      %dot_general3A_1160 = arith.constant dense<0.000000e+00> : vector<512x128xf32>
      %dot_general3A_1161 = tpu.matmul %get3A_1159, %get3A_17, %dot_general3A_1160 {dimension_numbers = #tpu.dot_dimension_numbers<[1], [0], [0], [1], [0, 0, 1, 1], [], []>, transpose_lhs_hint = false} : vector<512x128xbf16>, vector<128x128xbf16>, vector<512x128xf32> -> vector<512x128xf32>
      %add3A_1162 = vector.broadcast %get3A_23 : vector<1x128xf32> to vector<512x128xf32>
      %add3A_1163 = arith.addf %dot_general3A_1161, %add3A_1162 : vector<512x128xf32>
      %max3A_1164 = arith.constant 0.000000e+00 : f32
      %max3A_1165 = vector.broadcast %max3A_1164 : f32 to vector<512x128xf32>
      %max3A_1166 = arith.maximumf %add3A_1163, %max3A_1165 : vector<512x128xf32>
      %convert_element_type3A_1167 = arith.truncf %max3A_1166 : vector<512x128xf32> to vector<512x128xbf16>
      %dot_general3A_1168 = arith.constant dense<0.000000e+00> : vector<512x128xf32>
      %dot_general3A_1169 = tpu.matmul %convert_element_type3A_1167, %get3A_20, %dot_general3A_1168 {dimension_numbers = #tpu.dot_dimension_numbers<[1], [0], [0], [1], [0, 0, 1, 1], [], []>, transpose_lhs_hint = false} : vector<512x128xbf16>, vector<128x128xbf16>, vector<512x128xf32> -> vector<512x128xf32>
      %add3A_1170 = vector.broadcast %get3A_26 : vector<1x128xf32> to vector<512x128xf32>
      %add3A_1171 = arith.addf %dot_general3A_1169, %add3A_1170 : vector<512x128xf32>
      %convert_element_type3A_1172 = arith.truncf %add3A_1171 : vector<512x128xf32> to vector<512x128xbf16>
      %swap3A_1173 = arith.index_cast %mul3A_8 : i32 to index
      %swap3A_1174 = arith.constant 7552 : index
      %swap3A_1175 = vector.load %arg12[%swap3A_1173, %swap3A_1174] : memref<512x8192xbf16, #tpu.memory_space<vmem>>, vector<512x128xbf16>
      tpu.vector_store %arg12[%swap3A_1173, %swap3A_1174], %convert_element_type3A_1172 {strides = array<i32>} : memref<512x8192xbf16, #tpu.memory_space<vmem>>, vector<512x128xbf16>,
      %get3A_1176 = arith.constant 0 : index
      %get3A_1177 = arith.constant 7680 : index
      %get3A_1178 = vector.load %arg13[%get3A_1176, %get3A_1177] : memref<512x8192xbf16, #tpu.memory_space<vmem>>, vector<512x128xbf16>
      %dot_general3A_1179 = arith.constant dense<0.000000e+00> : vector<512x128xf32>
      %dot_general3A_1180 = tpu.matmul %get3A_1178, %get3A_17, %dot_general3A_1179 {dimension_numbers = #tpu.dot_dimension_numbers<[1], [0], [0], [1], [0, 0, 1, 1], [], []>, transpose_lhs_hint = false} : vector<512x128xbf16>, vector<128x128xbf16>, vector<512x128xf32> -> vector<512x128xf32>
      %add3A_1181 = vector.broadcast %get3A_23 : vector<1x128xf32> to vector<512x128xf32>
      %add3A_1182 = arith.addf %dot_general3A_1180, %add3A_1181 : vector<512x128xf32>
      %max3A_1183 = arith.constant 0.000000e+00 : f32
      %max3A_1184 = vector.broadcast %max3A_1183 : f32 to vector<512x128xf32>
      %max3A_1185 = arith.maximumf %add3A_1182, %max3A_1184 : vector<512x128xf32>
      %convert_element_type3A_1186 = arith.truncf %max3A_1185 : vector<512x128xf32> to vector<512x128xbf16>
      %dot_general3A_1187 = arith.constant dense<0.000000e+00> : vector<512x128xf32>
      %dot_general3A_1188 = tpu.matmul %convert_element_type3A_1186, %get3A_20, %dot_general3A_1187 {dimension_numbers = #tpu.dot_dimension_numbers<[1], [0], [0], [1], [0, 0, 1, 1], [], []>, transpose_lhs_hint = false} : vector<512x128xbf16>, vector<128x128xbf16>, vector<512x128xf32> -> vector<512x128xf32>
      %add3A_1189 = vector.broadcast %get3A_26 : vector<1x128xf32> to vector<512x128xf32>
      %add3A_1190 = arith.addf %dot_general3A_1188, %add3A_1189 : vector<512x128xf32>
      %convert_element_type3A_1191 = arith.truncf %add3A_1190 : vector<512x128xf32> to vector<512x128xbf16>
      %swap3A_1192 = arith.index_cast %mul3A_8 : i32 to index
      %swap3A_1193 = arith.constant 7680 : index
      %swap3A_1194 = vector.load %arg12[%swap3A_1192, %swap3A_1193] : memref<512x8192xbf16, #tpu.memory_space<vmem>>, vector<512x128xbf16>
      tpu.vector_store %arg12[%swap3A_1192, %swap3A_1193], %convert_element_type3A_1191 {strides = array<i32>} : memref<512x8192xbf16, #tpu.memory_space<vmem>>, vector<512x128xbf16>,
      %get3A_1195 = arith.constant 0 : index
      %get3A_1196 = arith.constant 7808 : index
      %get3A_1197 = vector.load %arg13[%get3A_1195, %get3A_1196] : memref<512x8192xbf16, #tpu.memory_space<vmem>>, vector<512x128xbf16>
      %dot_general3A_1198 = arith.constant dense<0.000000e+00> : vector<512x128xf32>
      %dot_general3A_1199 = tpu.matmul %get3A_1197, %get3A_17, %dot_general3A_1198 {dimension_numbers = #tpu.dot_dimension_numbers<[1], [0], [0], [1], [0, 0, 1, 1], [], []>, transpose_lhs_hint = false} : vector<512x128xbf16>, vector<128x128xbf16>, vector<512x128xf32> -> vector<512x128xf32>
      %add3A_1200 = vector.broadcast %get3A_23 : vector<1x128xf32> to vector<512x128xf32>
      %add3A_1201 = arith.addf %dot_general3A_1199, %add3A_1200 : vector<512x128xf32>
      %max3A_1202 = arith.constant 0.000000e+00 : f32
      %max3A_1203 = vector.broadcast %max3A_1202 : f32 to vector<512x128xf32>
      %max3A_1204 = arith.maximumf %add3A_1201, %max3A_1203 : vector<512x128xf32>
      %convert_element_type3A_1205 = arith.truncf %max3A_1204 : vector<512x128xf32> to vector<512x128xbf16>
      %dot_general3A_1206 = arith.constant dense<0.000000e+00> : vector<512x128xf32>
      %dot_general3A_1207 = tpu.matmul %convert_element_type3A_1205, %get3A_20, %dot_general3A_1206 {dimension_numbers = #tpu.dot_dimension_numbers<[1], [0], [0], [1], [0, 0, 1, 1], [], []>, transpose_lhs_hint = false} : vector<512x128xbf16>, vector<128x128xbf16>, vector<512x128xf32> -> vector<512x128xf32>
      %add3A_1208 = vector.broadcast %get3A_26 : vector<1x128xf32> to vector<512x128xf32>
      %add3A_1209 = arith.addf %dot_general3A_1207, %add3A_1208 : vector<512x128xf32>
      %convert_element_type3A_1210 = arith.truncf %add3A_1209 : vector<512x128xf32> to vector<512x128xbf16>
      %swap3A_1211 = arith.index_cast %mul3A_8 : i32 to index
      %swap3A_1212 = arith.constant 7808 : index
      %swap3A_1213 = vector.load %arg12[%swap3A_1211, %swap3A_1212] : memref<512x8192xbf16, #tpu.memory_space<vmem>>, vector<512x128xbf16>
      tpu.vector_store %arg12[%swap3A_1211, %swap3A_1212], %convert_element_type3A_1210 {strides = array<i32>} : memref<512x8192xbf16, #tpu.memory_space<vmem>>, vector<512x128xbf16>,
      %get3A_1214 = arith.constant 0 : index
      %get3A_1215 = arith.constant 7936 : index
      %get3A_1216 = vector.load %arg13[%get3A_1214, %get3A_1215] : memref<512x8192xbf16, #tpu.memory_space<vmem>>, vector<512x128xbf16>
      %dot_general3A_1217 = arith.constant dense<0.000000e+00> : vector<512x128xf32>
      %dot_general3A_1218 = tpu.matmul %get3A_1216, %get3A_17, %dot_general3A_1217 {dimension_numbers = #tpu.dot_dimension_numbers<[1], [0], [0], [1], [0, 0, 1, 1], [], []>, transpose_lhs_hint = false} : vector<512x128xbf16>, vector<128x128xbf16>, vector<512x128xf32> -> vector<512x128xf32>
      %add3A_1219 = vector.broadcast %get3A_23 : vector<1x128xf32> to vector<512x128xf32>
      %add3A_1220 = arith.addf %dot_general3A_1218, %add3A_1219 : vector<512x128xf32>
      %max3A_1221 = arith.constant 0.000000e+00 : f32
      %max3A_1222 = vector.broadcast %max3A_1221 : f32 to vector<512x128xf32>
      %max3A_1223 = arith.maximumf %add3A_1220, %max3A_1222 : vector<512x128xf32>
      %convert_element_type3A_1224 = arith.truncf %max3A_1223 : vector<512x128xf32> to vector<512x128xbf16>
      %dot_general3A_1225 = arith.constant dense<0.000000e+00> : vector<512x128xf32>
      %dot_general3A_1226 = tpu.matmul %convert_element_type3A_1224, %get3A_20, %dot_general3A_1225 {dimension_numbers = #tpu.dot_dimension_numbers<[1], [0], [0], [1], [0, 0, 1, 1], [], []>, transpose_lhs_hint = false} : vector<512x128xbf16>, vector<128x128xbf16>, vector<512x128xf32> -> vector<512x128xf32>
      %add3A_1227 = vector.broadcast %get3A_26 : vector<1x128xf32> to vector<512x128xf32>
      %add3A_1228 = arith.addf %dot_general3A_1226, %add3A_1227 : vector<512x128xf32>
      %convert_element_type3A_1229 = arith.truncf %add3A_1228 : vector<512x128xf32> to vector<512x128xbf16>
      %swap3A_1230 = arith.index_cast %mul3A_8 : i32 to index
      %swap3A_1231 = arith.constant 7936 : index
      %swap3A_1232 = vector.load %arg12[%swap3A_1230, %swap3A_1231] : memref<512x8192xbf16, #tpu.memory_space<vmem>>, vector<512x128xbf16>
      tpu.vector_store %arg12[%swap3A_1230, %swap3A_1231], %convert_element_type3A_1229 {strides = array<i32>} : memref<512x8192xbf16, #tpu.memory_space<vmem>>, vector<512x128xbf16>,
      %get3A_1233 = arith.constant 0 : index
      %get3A_1234 = arith.constant 8064 : index
      %get3A_1235 = vector.load %arg13[%get3A_1233, %get3A_1234] : memref<512x8192xbf16, #tpu.memory_space<vmem>>, vector<512x128xbf16>
      %dot_general3A_1236 = arith.constant dense<0.000000e+00> : vector<512x128xf32>
      %dot_general3A_1237 = tpu.matmul %get3A_1235, %get3A_17, %dot_general3A_1236 {dimension_numbers = #tpu.dot_dimension_numbers<[1], [0], [0], [1], [0, 0, 1, 1], [], []>, transpose_lhs_hint = false} : vector<512x128xbf16>, vector<128x128xbf16>, vector<512x128xf32> -> vector<512x128xf32>
      %add3A_1238 = vector.broadcast %get3A_23 : vector<1x128xf32> to vector<512x128xf32>
      %add3A_1239 = arith.addf %dot_general3A_1237, %add3A_1238 : vector<512x128xf32>
      %max3A_1240 = arith.constant 0.000000e+00 : f32
      %max3A_1241 = vector.broadcast %max3A_1240 : f32 to vector<512x128xf32>
      %max3A_1242 = arith.maximumf %add3A_1239, %max3A_1241 : vector<512x128xf32>
      %convert_element_type3A_1243 = arith.truncf %max3A_1242 : vector<512x128xf32> to vector<512x128xbf16>
      %dot_general3A_1244 = arith.constant dense<0.000000e+00> : vector<512x128xf32>
      %dot_general3A_1245 = tpu.matmul %convert_element_type3A_1243, %get3A_20, %dot_general3A_1244 {dimension_numbers = #tpu.dot_dimension_numbers<[1], [0], [0], [1], [0, 0, 1, 1], [], []>, transpose_lhs_hint = false} : vector<512x128xbf16>, vector<128x128xbf16>, vector<512x128xf32> -> vector<512x128xf32>
      %add3A_1246 = vector.broadcast %get3A_26 : vector<1x128xf32> to vector<512x128xf32>
      %add3A_1247 = arith.addf %dot_general3A_1245, %add3A_1246 : vector<512x128xf32>
      %convert_element_type3A_1248 = arith.truncf %add3A_1247 : vector<512x128xf32> to vector<512x128xbf16>
      %swap3A_1249 = arith.index_cast %mul3A_8 : i32 to index
      %swap3A_1250 = arith.constant 8064 : index
      %swap3A_1251 = vector.load %arg12[%swap3A_1249, %swap3A_1250] : memref<512x8192xbf16, #tpu.memory_space<vmem>>, vector<512x128xbf16>
      tpu.vector_store %arg12[%swap3A_1249, %swap3A_1250], %convert_element_type3A_1248 {strides = array<i32>} : memref<512x8192xbf16, #tpu.memory_space<vmem>>, vector<512x128xbf16>,
    } else {
    }
    %ge3A = arith.constant 1 : i32
    %ge3A_12 = arith.cmpi sge, %arg0, %ge3A : i32
    %convert_element_type3A_13 = arith.extui %ge3A_12 : i1 to i32
    %cond3A_14 = arith.constant 0 : i32
    %cond3A_15 = arith.cmpi ne, %convert_element_type3A_13, %cond3A_14 : i32
    scf.if %cond3A_15 {
      %get3A = arith.constant 0 : index
      %get3A_16 = arith.constant 0 : index
      %get3A_17 = vector.load %arg8[%get3A, %get3A_16] : memref<128x128xbf16, #tpu.memory_space<vmem>>, vector<128x128xbf16>
      %get3A_18 = arith.constant 0 : index
      %get3A_19 = arith.constant 0 : index
      %get3A_20 = vector.load %arg10[%get3A_18, %get3A_19] : memref<128x128xbf16, #tpu.memory_space<vmem>>, vector<128x128xbf16>
      %get3A_21 = arith.constant 0 : index
      %get3A_22 = arith.constant 0 : index
      %get3A_23 = vector.load %arg9[%get3A_21, %get3A_22] : memref<8x128xf32, #tpu.memory_space<vmem>>, vector<1x128xf32>
      %get3A_24 = arith.constant 0 : index
      %get3A_25 = arith.constant 0 : index
      %get3A_26 = vector.load %arg2[%get3A_24, %get3A_25] : memref<512x512xbf16, #tpu.memory_space<vmem>>, vector<512x512xbf16>
      %get3A_27 = arith.constant 0 : index
      %get3A_28 = arith.constant 0 : index
      %get3A_29 = vector.load %arg12[%get3A_27, %get3A_28] : memref<512x8192xbf16, #tpu.memory_space<vmem>>, vector<512x8192xbf16>
      %dot_general3A = arith.constant dense<0.000000e+00> : vector<512x8192xf32>
      %dot_general3A_30 = tpu.matmul %get3A_26, %get3A_29, %dot_general3A {dimension_numbers = #tpu.dot_dimension_numbers<[1], [0], [0], [1], [0, 0, 1, 1], [], []>, transpose_lhs_hint = false} : vector<512x512xbf16>, vector<512x8192xbf16>, vector<512x8192xf32> -> vector<512x8192xf32>
      %convert_element_type3A_31 = arith.truncf %dot_general3A_30 : vector<512x8192xf32> to vector<512x8192xbf16>
      %swap3A = arith.constant 0 : index
      %swap3A_32 = arith.constant 0 : index
      %swap3A_33 = vector.load %arg13[%swap3A, %swap3A_32] : memref<512x8192xbf16, #tpu.memory_space<vmem>>, vector<512x8192xbf16>
      tpu.vector_store %arg13[%swap3A, %swap3A_32], %convert_element_type3A_31 {strides = array<i32>} : memref<512x8192xbf16, #tpu.memory_space<vmem>>, vector<512x8192xbf16>,
      %broadcast_in_dim3A = arith.constant 0.000000e+00 : f32
      %broadcast_in_dim3A_34 = vector.broadcast %broadcast_in_dim3A : f32 to vector<512x128xf32>
      %get3A_35 = arith.constant 0 : index
      %get3A_36 = arith.constant 0 : index
      %get3A_37 = vector.load %arg13[%get3A_35, %get3A_36] : memref<512x8192xbf16, #tpu.memory_space<vmem>>, vector<512x128xbf16>
      %dot_general3A_38 = arith.constant dense<0.000000e+00> : vector<512x128xf32>
      %dot_general3A_39 = tpu.matmul %get3A_37, %get3A_17, %dot_general3A_38 {dimension_numbers = #tpu.dot_dimension_numbers<[1], [0], [0], [1], [0, 0, 1, 1], [], []>, transpose_lhs_hint = false} : vector<512x128xbf16>, vector<128x128xbf16>, vector<512x128xf32> -> vector<512x128xf32>
      %add3A_40 = vector.broadcast %get3A_23 : vector<1x128xf32> to vector<512x128xf32>
      %add3A_41 = arith.addf %dot_general3A_39, %add3A_40 : vector<512x128xf32>
      %max3A = arith.constant 0.000000e+00 : f32
      %max3A_42 = vector.broadcast %max3A : f32 to vector<512x128xf32>
      %max3A_43 = arith.maximumf %add3A_41, %max3A_42 : vector<512x128xf32>
      %convert_element_type3A_44 = arith.truncf %max3A_43 : vector<512x128xf32> to vector<512x128xbf16>
      %dot_general3A_45 = arith.constant dense<0.000000e+00> : vector<512x128xf32>
      %dot_general3A_46 = tpu.matmul %convert_element_type3A_44, %get3A_20, %dot_general3A_45 {dimension_numbers = #tpu.dot_dimension_numbers<[1], [0], [0], [1], [0, 0, 1, 1], [], []>, transpose_lhs_hint = false} : vector<512x128xbf16>, vector<128x128xbf16>, vector<512x128xf32> -> vector<512x128xf32>
      %add3A_47 = arith.addf %broadcast_in_dim3A_34, %dot_general3A_46 : vector<512x128xf32>
      %get3A_48 = arith.constant 0 : index
      %get3A_49 = arith.constant 128 : index
      %get3A_50 = vector.load %arg13[%get3A_48, %get3A_49] : memref<512x8192xbf16, #tpu.memory_space<vmem>>, vector<512x128xbf16>
      %dot_general3A_51 = arith.constant dense<0.000000e+00> : vector<512x128xf32>
      %dot_general3A_52 = tpu.matmul %get3A_50, %get3A_17, %dot_general3A_51 {dimension_numbers = #tpu.dot_dimension_numbers<[1], [0], [0], [1], [0, 0, 1, 1], [], []>, transpose_lhs_hint = false} : vector<512x128xbf16>, vector<128x128xbf16>, vector<512x128xf32> -> vector<512x128xf32>
      %add3A_53 = vector.broadcast %get3A_23 : vector<1x128xf32> to vector<512x128xf32>
      %add3A_54 = arith.addf %dot_general3A_52, %add3A_53 : vector<512x128xf32>
      %max3A_55 = arith.constant 0.000000e+00 : f32
      %max3A_56 = vector.broadcast %max3A_55 : f32 to vector<512x128xf32>
      %max3A_57 = arith.maximumf %add3A_54, %max3A_56 : vector<512x128xf32>
      %convert_element_type3A_58 = arith.truncf %max3A_57 : vector<512x128xf32> to vector<512x128xbf16>
      %dot_general3A_59 = arith.constant dense<0.000000e+00> : vector<512x128xf32>
      %dot_general3A_60 = tpu.matmul %convert_element_type3A_58, %get3A_20, %dot_general3A_59 {dimension_numbers = #tpu.dot_dimension_numbers<[1], [0], [0], [1], [0, 0, 1, 1], [], []>, transpose_lhs_hint = false} : vector<512x128xbf16>, vector<128x128xbf16>, vector<512x128xf32> -> vector<512x128xf32>
      %add3A_61 = arith.addf %add3A_47, %dot_general3A_60 : vector<512x128xf32>
      %get3A_62 = arith.constant 0 : index
      %get3A_63 = arith.constant 256 : index
      %get3A_64 = vector.load %arg13[%get3A_62, %get3A_63] : memref<512x8192xbf16, #tpu.memory_space<vmem>>, vector<512x128xbf16>
      %dot_general3A_65 = arith.constant dense<0.000000e+00> : vector<512x128xf32>
      %dot_general3A_66 = tpu.matmul %get3A_64, %get3A_17, %dot_general3A_65 {dimension_numbers = #tpu.dot_dimension_numbers<[1], [0], [0], [1], [0, 0, 1, 1], [], []>, transpose_lhs_hint = false} : vector<512x128xbf16>, vector<128x128xbf16>, vector<512x128xf32> -> vector<512x128xf32>
      %add3A_67 = vector.broadcast %get3A_23 : vector<1x128xf32> to vector<512x128xf32>
      %add3A_68 = arith.addf %dot_general3A_66, %add3A_67 : vector<512x128xf32>
      %max3A_69 = arith.constant 0.000000e+00 : f32
      %max3A_70 = vector.broadcast %max3A_69 : f32 to vector<512x128xf32>
      %max3A_71 = arith.maximumf %add3A_68, %max3A_70 : vector<512x128xf32>
      %convert_element_type3A_72 = arith.truncf %max3A_71 : vector<512x128xf32> to vector<512x128xbf16>
      %dot_general3A_73 = arith.constant dense<0.000000e+00> : vector<512x128xf32>
      %dot_general3A_74 = tpu.matmul %convert_element_type3A_72, %get3A_20, %dot_general3A_73 {dimension_numbers = #tpu.dot_dimension_numbers<[1], [0], [0], [1], [0, 0, 1, 1], [], []>, transpose_lhs_hint = false} : vector<512x128xbf16>, vector<128x128xbf16>, vector<512x128xf32> -> vector<512x128xf32>
      %add3A_75 = arith.addf %add3A_61, %dot_general3A_74 : vector<512x128xf32>
      %get3A_76 = arith.constant 0 : index
      %get3A_77 = arith.constant 384 : index
      %get3A_78 = vector.load %arg13[%get3A_76, %get3A_77] : memref<512x8192xbf16, #tpu.memory_space<vmem>>, vector<512x128xbf16>
      %dot_general3A_79 = arith.constant dense<0.000000e+00> : vector<512x128xf32>
      %dot_general3A_80 = tpu.matmul %get3A_78, %get3A_17, %dot_general3A_79 {dimension_numbers = #tpu.dot_dimension_numbers<[1], [0], [0], [1], [0, 0, 1, 1], [], []>, transpose_lhs_hint = false} : vector<512x128xbf16>, vector<128x128xbf16>, vector<512x128xf32> -> vector<512x128xf32>
      %add3A_81 = vector.broadcast %get3A_23 : vector<1x128xf32> to vector<512x128xf32>
      %add3A_82 = arith.addf %dot_general3A_80, %add3A_81 : vector<512x128xf32>
      %max3A_83 = arith.constant 0.000000e+00 : f32
      %max3A_84 = vector.broadcast %max3A_83 : f32 to vector<512x128xf32>
      %max3A_85 = arith.maximumf %add3A_82, %max3A_84 : vector<512x128xf32>
      %convert_element_type3A_86 = arith.truncf %max3A_85 : vector<512x128xf32> to vector<512x128xbf16>
      %dot_general3A_87 = arith.constant dense<0.000000e+00> : vector<512x128xf32>
      %dot_general3A_88 = tpu.matmul %convert_element_type3A_86, %get3A_20, %dot_general3A_87 {dimension_numbers = #tpu.dot_dimension_numbers<[1], [0], [0], [1], [0, 0, 1, 1], [], []>, transpose_lhs_hint = false} : vector<512x128xbf16>, vector<128x128xbf16>, vector<512x128xf32> -> vector<512x128xf32>
      %add3A_89 = arith.addf %add3A_75, %dot_general3A_88 : vector<512x128xf32>
      %get3A_90 = arith.constant 0 : index
      %get3A_91 = arith.constant 512 : index
      %get3A_92 = vector.load %arg13[%get3A_90, %get3A_91] : memref<512x8192xbf16, #tpu.memory_space<vmem>>, vector<512x128xbf16>
      %dot_general3A_93 = arith.constant dense<0.000000e+00> : vector<512x128xf32>
      %dot_general3A_94 = tpu.matmul %get3A_92, %get3A_17, %dot_general3A_93 {dimension_numbers = #tpu.dot_dimension_numbers<[1], [0], [0], [1], [0, 0, 1, 1], [], []>, transpose_lhs_hint = false} : vector<512x128xbf16>, vector<128x128xbf16>, vector<512x128xf32> -> vector<512x128xf32>
      %add3A_95 = vector.broadcast %get3A_23 : vector<1x128xf32> to vector<512x128xf32>
      %add3A_96 = arith.addf %dot_general3A_94, %add3A_95 : vector<512x128xf32>
      %max3A_97 = arith.constant 0.000000e+00 : f32
      %max3A_98 = vector.broadcast %max3A_97 : f32 to vector<512x128xf32>
      %max3A_99 = arith.maximumf %add3A_96, %max3A_98 : vector<512x128xf32>
      %convert_element_type3A_100 = arith.truncf %max3A_99 : vector<512x128xf32> to vector<512x128xbf16>
      %dot_general3A_101 = arith.constant dense<0.000000e+00> : vector<512x128xf32>
      %dot_general3A_102 = tpu.matmul %convert_element_type3A_100, %get3A_20, %dot_general3A_101 {dimension_numbers = #tpu.dot_dimension_numbers<[1], [0], [0], [1], [0, 0, 1, 1], [], []>, transpose_lhs_hint = false} : vector<512x128xbf16>, vector<128x128xbf16>, vector<512x128xf32> -> vector<512x128xf32>
      %add3A_103 = arith.addf %add3A_89, %dot_general3A_102 : vector<512x128xf32>
      %get3A_104 = arith.constant 0 : index
      %get3A_105 = arith.constant 640 : index
      %get3A_106 = vector.load %arg13[%get3A_104, %get3A_105] : memref<512x8192xbf16, #tpu.memory_space<vmem>>, vector<512x128xbf16>
      %dot_general3A_107 = arith.constant dense<0.000000e+00> : vector<512x128xf32>
      %dot_general3A_108 = tpu.matmul %get3A_106, %get3A_17, %dot_general3A_107 {dimension_numbers = #tpu.dot_dimension_numbers<[1], [0], [0], [1], [0, 0, 1, 1], [], []>, transpose_lhs_hint = false} : vector<512x128xbf16>, vector<128x128xbf16>, vector<512x128xf32> -> vector<512x128xf32>
      %add3A_109 = vector.broadcast %get3A_23 : vector<1x128xf32> to vector<512x128xf32>
      %add3A_110 = arith.addf %dot_general3A_108, %add3A_109 : vector<512x128xf32>
      %max3A_111 = arith.constant 0.000000e+00 : f32
      %max3A_112 = vector.broadcast %max3A_111 : f32 to vector<512x128xf32>
      %max3A_113 = arith.maximumf %add3A_110, %max3A_112 : vector<512x128xf32>
      %convert_element_type3A_114 = arith.truncf %max3A_113 : vector<512x128xf32> to vector<512x128xbf16>
      %dot_general3A_115 = arith.constant dense<0.000000e+00> : vector<512x128xf32>
      %dot_general3A_116 = tpu.matmul %convert_element_type3A_114, %get3A_20, %dot_general3A_115 {dimension_numbers = #tpu.dot_dimension_numbers<[1], [0], [0], [1], [0, 0, 1, 1], [], []>, transpose_lhs_hint = false} : vector<512x128xbf16>, vector<128x128xbf16>, vector<512x128xf32> -> vector<512x128xf32>
      %add3A_117 = arith.addf %add3A_103, %dot_general3A_116 : vector<512x128xf32>
      %get3A_118 = arith.constant 0 : index
      %get3A_119 = arith.constant 768 : index
      %get3A_120 = vector.load %arg13[%get3A_118, %get3A_119] : memref<512x8192xbf16, #tpu.memory_space<vmem>>, vector<512x128xbf16>
      %dot_general3A_121 = arith.constant dense<0.000000e+00> : vector<512x128xf32>
      %dot_general3A_122 = tpu.matmul %get3A_120, %get3A_17, %dot_general3A_121 {dimension_numbers = #tpu.dot_dimension_numbers<[1], [0], [0], [1], [0, 0, 1, 1], [], []>, transpose_lhs_hint = false} : vector<512x128xbf16>, vector<128x128xbf16>, vector<512x128xf32> -> vector<512x128xf32>
      %add3A_123 = vector.broadcast %get3A_23 : vector<1x128xf32> to vector<512x128xf32>
      %add3A_124 = arith.addf %dot_general3A_122, %add3A_123 : vector<512x128xf32>
      %max3A_125 = arith.constant 0.000000e+00 : f32
      %max3A_126 = vector.broadcast %max3A_125 : f32 to vector<512x128xf32>
      %max3A_127 = arith.maximumf %add3A_124, %max3A_126 : vector<512x128xf32>
      %convert_element_type3A_128 = arith.truncf %max3A_127 : vector<512x128xf32> to vector<512x128xbf16>
      %dot_general3A_129 = arith.constant dense<0.000000e+00> : vector<512x128xf32>
      %dot_general3A_130 = tpu.matmul %convert_element_type3A_128, %get3A_20, %dot_general3A_129 {dimension_numbers = #tpu.dot_dimension_numbers<[1], [0], [0], [1], [0, 0, 1, 1], [], []>, transpose_lhs_hint = false} : vector<512x128xbf16>, vector<128x128xbf16>, vector<512x128xf32> -> vector<512x128xf32>
      %add3A_131 = arith.addf %add3A_117, %dot_general3A_130 : vector<512x128xf32>
      %get3A_132 = arith.constant 0 : index
      %get3A_133 = arith.constant 896 : index
      %get3A_134 = vector.load %arg13[%get3A_132, %get3A_133] : memref<512x8192xbf16, #tpu.memory_space<vmem>>, vector<512x128xbf16>
      %dot_general3A_135 = arith.constant dense<0.000000e+00> : vector<512x128xf32>
      %dot_general3A_136 = tpu.matmul %get3A_134, %get3A_17, %dot_general3A_135 {dimension_numbers = #tpu.dot_dimension_numbers<[1], [0], [0], [1], [0, 0, 1, 1], [], []>, transpose_lhs_hint = false} : vector<512x128xbf16>, vector<128x128xbf16>, vector<512x128xf32> -> vector<512x128xf32>
      %add3A_137 = vector.broadcast %get3A_23 : vector<1x128xf32> to vector<512x128xf32>
      %add3A_138 = arith.addf %dot_general3A_136, %add3A_137 : vector<512x128xf32>
      %max3A_139 = arith.constant 0.000000e+00 : f32
      %max3A_140 = vector.broadcast %max3A_139 : f32 to vector<512x128xf32>
      %max3A_141 = arith.maximumf %add3A_138, %max3A_140 : vector<512x128xf32>
      %convert_element_type3A_142 = arith.truncf %max3A_141 : vector<512x128xf32> to vector<512x128xbf16>
      %dot_general3A_143 = arith.constant dense<0.000000e+00> : vector<512x128xf32>
      %dot_general3A_144 = tpu.matmul %convert_element_type3A_142, %get3A_20, %dot_general3A_143 {dimension_numbers = #tpu.dot_dimension_numbers<[1], [0], [0], [1], [0, 0, 1, 1], [], []>, transpose_lhs_hint = false} : vector<512x128xbf16>, vector<128x128xbf16>, vector<512x128xf32> -> vector<512x128xf32>
      %add3A_145 = arith.addf %add3A_131, %dot_general3A_144 : vector<512x128xf32>
      %get3A_146 = arith.constant 0 : index
      %get3A_147 = arith.constant 1024 : index
      %get3A_148 = vector.load %arg13[%get3A_146, %get3A_147] : memref<512x8192xbf16, #tpu.memory_space<vmem>>, vector<512x128xbf16>
      %dot_general3A_149 = arith.constant dense<0.000000e+00> : vector<512x128xf32>
      %dot_general3A_150 = tpu.matmul %get3A_148, %get3A_17, %dot_general3A_149 {dimension_numbers = #tpu.dot_dimension_numbers<[1], [0], [0], [1], [0, 0, 1, 1], [], []>, transpose_lhs_hint = false} : vector<512x128xbf16>, vector<128x128xbf16>, vector<512x128xf32> -> vector<512x128xf32>
      %add3A_151 = vector.broadcast %get3A_23 : vector<1x128xf32> to vector<512x128xf32>
      %add3A_152 = arith.addf %dot_general3A_150, %add3A_151 : vector<512x128xf32>
      %max3A_153 = arith.constant 0.000000e+00 : f32
      %max3A_154 = vector.broadcast %max3A_153 : f32 to vector<512x128xf32>
      %max3A_155 = arith.maximumf %add3A_152, %max3A_154 : vector<512x128xf32>
      %convert_element_type3A_156 = arith.truncf %max3A_155 : vector<512x128xf32> to vector<512x128xbf16>
      %dot_general3A_157 = arith.constant dense<0.000000e+00> : vector<512x128xf32>
      %dot_general3A_158 = tpu.matmul %convert_element_type3A_156, %get3A_20, %dot_general3A_157 {dimension_numbers = #tpu.dot_dimension_numbers<[1], [0], [0], [1], [0, 0, 1, 1], [], []>, transpose_lhs_hint = false} : vector<512x128xbf16>, vector<128x128xbf16>, vector<512x128xf32> -> vector<512x128xf32>
      %add3A_159 = arith.addf %add3A_145, %dot_general3A_158 : vector<512x128xf32>
      %get3A_160 = arith.constant 0 : index
      %get3A_161 = arith.constant 1152 : index
      %get3A_162 = vector.load %arg13[%get3A_160, %get3A_161] : memref<512x8192xbf16, #tpu.memory_space<vmem>>, vector<512x128xbf16>
      %dot_general3A_163 = arith.constant dense<0.000000e+00> : vector<512x128xf32>
      %dot_general3A_164 = tpu.matmul %get3A_162, %get3A_17, %dot_general3A_163 {dimension_numbers = #tpu.dot_dimension_numbers<[1], [0], [0], [1], [0, 0, 1, 1], [], []>, transpose_lhs_hint = false} : vector<512x128xbf16>, vector<128x128xbf16>, vector<512x128xf32> -> vector<512x128xf32>
      %add3A_165 = vector.broadcast %get3A_23 : vector<1x128xf32> to vector<512x128xf32>
      %add3A_166 = arith.addf %dot_general3A_164, %add3A_165 : vector<512x128xf32>
      %max3A_167 = arith.constant 0.000000e+00 : f32
      %max3A_168 = vector.broadcast %max3A_167 : f32 to vector<512x128xf32>
      %max3A_169 = arith.maximumf %add3A_166, %max3A_168 : vector<512x128xf32>
      %convert_element_type3A_170 = arith.truncf %max3A_169 : vector<512x128xf32> to vector<512x128xbf16>
      %dot_general3A_171 = arith.constant dense<0.000000e+00> : vector<512x128xf32>
      %dot_general3A_172 = tpu.matmul %convert_element_type3A_170, %get3A_20, %dot_general3A_171 {dimension_numbers = #tpu.dot_dimension_numbers<[1], [0], [0], [1], [0, 0, 1, 1], [], []>, transpose_lhs_hint = false} : vector<512x128xbf16>, vector<128x128xbf16>, vector<512x128xf32> -> vector<512x128xf32>
      %add3A_173 = arith.addf %add3A_159, %dot_general3A_172 : vector<512x128xf32>
      %get3A_174 = arith.constant 0 : index
      %get3A_175 = arith.constant 1280 : index
      %get3A_176 = vector.load %arg13[%get3A_174, %get3A_175] : memref<512x8192xbf16, #tpu.memory_space<vmem>>, vector<512x128xbf16>
      %dot_general3A_177 = arith.constant dense<0.000000e+00> : vector<512x128xf32>
      %dot_general3A_178 = tpu.matmul %get3A_176, %get3A_17, %dot_general3A_177 {dimension_numbers = #tpu.dot_dimension_numbers<[1], [0], [0], [1], [0, 0, 1, 1], [], []>, transpose_lhs_hint = false} : vector<512x128xbf16>, vector<128x128xbf16>, vector<512x128xf32> -> vector<512x128xf32>
      %add3A_179 = vector.broadcast %get3A_23 : vector<1x128xf32> to vector<512x128xf32>
      %add3A_180 = arith.addf %dot_general3A_178, %add3A_179 : vector<512x128xf32>
      %max3A_181 = arith.constant 0.000000e+00 : f32
      %max3A_182 = vector.broadcast %max3A_181 : f32 to vector<512x128xf32>
      %max3A_183 = arith.maximumf %add3A_180, %max3A_182 : vector<512x128xf32>
      %convert_element_type3A_184 = arith.truncf %max3A_183 : vector<512x128xf32> to vector<512x128xbf16>
      %dot_general3A_185 = arith.constant dense<0.000000e+00> : vector<512x128xf32>
      %dot_general3A_186 = tpu.matmul %convert_element_type3A_184, %get3A_20, %dot_general3A_185 {dimension_numbers = #tpu.dot_dimension_numbers<[1], [0], [0], [1], [0, 0, 1, 1], [], []>, transpose_lhs_hint = false} : vector<512x128xbf16>, vector<128x128xbf16>, vector<512x128xf32> -> vector<512x128xf32>
      %add3A_187 = arith.addf %add3A_173, %dot_general3A_186 : vector<512x128xf32>
      %get3A_188 = arith.constant 0 : index
      %get3A_189 = arith.constant 1408 : index
      %get3A_190 = vector.load %arg13[%get3A_188, %get3A_189] : memref<512x8192xbf16, #tpu.memory_space<vmem>>, vector<512x128xbf16>
      %dot_general3A_191 = arith.constant dense<0.000000e+00> : vector<512x128xf32>
      %dot_general3A_192 = tpu.matmul %get3A_190, %get3A_17, %dot_general3A_191 {dimension_numbers = #tpu.dot_dimension_numbers<[1], [0], [0], [1], [0, 0, 1, 1], [], []>, transpose_lhs_hint = false} : vector<512x128xbf16>, vector<128x128xbf16>, vector<512x128xf32> -> vector<512x128xf32>
      %add3A_193 = vector.broadcast %get3A_23 : vector<1x128xf32> to vector<512x128xf32>
      %add3A_194 = arith.addf %dot_general3A_192, %add3A_193 : vector<512x128xf32>
      %max3A_195 = arith.constant 0.000000e+00 : f32
      %max3A_196 = vector.broadcast %max3A_195 : f32 to vector<512x128xf32>
      %max3A_197 = arith.maximumf %add3A_194, %max3A_196 : vector<512x128xf32>
      %convert_element_type3A_198 = arith.truncf %max3A_197 : vector<512x128xf32> to vector<512x128xbf16>
      %dot_general3A_199 = arith.constant dense<0.000000e+00> : vector<512x128xf32>
      %dot_general3A_200 = tpu.matmul %convert_element_type3A_198, %get3A_20, %dot_general3A_199 {dimension_numbers = #tpu.dot_dimension_numbers<[1], [0], [0], [1], [0, 0, 1, 1], [], []>, transpose_lhs_hint = false} : vector<512x128xbf16>, vector<128x128xbf16>, vector<512x128xf32> -> vector<512x128xf32>
      %add3A_201 = arith.addf %add3A_187, %dot_general3A_200 : vector<512x128xf32>
      %get3A_202 = arith.constant 0 : index
      %get3A_203 = arith.constant 1536 : index
      %get3A_204 = vector.load %arg13[%get3A_202, %get3A_203] : memref<512x8192xbf16, #tpu.memory_space<vmem>>, vector<512x128xbf16>
      %dot_general3A_205 = arith.constant dense<0.000000e+00> : vector<512x128xf32>
      %dot_general3A_206 = tpu.matmul %get3A_204, %get3A_17, %dot_general3A_205 {dimension_numbers = #tpu.dot_dimension_numbers<[1], [0], [0], [1], [0, 0, 1, 1], [], []>, transpose_lhs_hint = false} : vector<512x128xbf16>, vector<128x128xbf16>, vector<512x128xf32> -> vector<512x128xf32>
      %add3A_207 = vector.broadcast %get3A_23 : vector<1x128xf32> to vector<512x128xf32>
      %add3A_208 = arith.addf %dot_general3A_206, %add3A_207 : vector<512x128xf32>
      %max3A_209 = arith.constant 0.000000e+00 : f32
      %max3A_210 = vector.broadcast %max3A_209 : f32 to vector<512x128xf32>
      %max3A_211 = arith.maximumf %add3A_208, %max3A_210 : vector<512x128xf32>
      %convert_element_type3A_212 = arith.truncf %max3A_211 : vector<512x128xf32> to vector<512x128xbf16>
      %dot_general3A_213 = arith.constant dense<0.000000e+00> : vector<512x128xf32>
      %dot_general3A_214 = tpu.matmul %convert_element_type3A_212, %get3A_20, %dot_general3A_213 {dimension_numbers = #tpu.dot_dimension_numbers<[1], [0], [0], [1], [0, 0, 1, 1], [], []>, transpose_lhs_hint = false} : vector<512x128xbf16>, vector<128x128xbf16>, vector<512x128xf32> -> vector<512x128xf32>
      %add3A_215 = arith.addf %add3A_201, %dot_general3A_214 : vector<512x128xf32>
      %get3A_216 = arith.constant 0 : index
      %get3A_217 = arith.constant 1664 : index
      %get3A_218 = vector.load %arg13[%get3A_216, %get3A_217] : memref<512x8192xbf16, #tpu.memory_space<vmem>>, vector<512x128xbf16>
      %dot_general3A_219 = arith.constant dense<0.000000e+00> : vector<512x128xf32>
      %dot_general3A_220 = tpu.matmul %get3A_218, %get3A_17, %dot_general3A_219 {dimension_numbers = #tpu.dot_dimension_numbers<[1], [0], [0], [1], [0, 0, 1, 1], [], []>, transpose_lhs_hint = false} : vector<512x128xbf16>, vector<128x128xbf16>, vector<512x128xf32> -> vector<512x128xf32>
      %add3A_221 = vector.broadcast %get3A_23 : vector<1x128xf32> to vector<512x128xf32>
      %add3A_222 = arith.addf %dot_general3A_220, %add3A_221 : vector<512x128xf32>
      %max3A_223 = arith.constant 0.000000e+00 : f32
      %max3A_224 = vector.broadcast %max3A_223 : f32 to vector<512x128xf32>
      %max3A_225 = arith.maximumf %add3A_222, %max3A_224 : vector<512x128xf32>
      %convert_element_type3A_226 = arith.truncf %max3A_225 : vector<512x128xf32> to vector<512x128xbf16>
      %dot_general3A_227 = arith.constant dense<0.000000e+00> : vector<512x128xf32>
      %dot_general3A_228 = tpu.matmul %convert_element_type3A_226, %get3A_20, %dot_general3A_227 {dimension_numbers = #tpu.dot_dimension_numbers<[1], [0], [0], [1], [0, 0, 1, 1], [], []>, transpose_lhs_hint = false} : vector<512x128xbf16>, vector<128x128xbf16>, vector<512x128xf32> -> vector<512x128xf32>
      %add3A_229 = arith.addf %add3A_215, %dot_general3A_228 : vector<512x128xf32>
      %get3A_230 = arith.constant 0 : index
      %get3A_231 = arith.constant 1792 : index
      %get3A_232 = vector.load %arg13[%get3A_230, %get3A_231] : memref<512x8192xbf16, #tpu.memory_space<vmem>>, vector<512x128xbf16>
      %dot_general3A_233 = arith.constant dense<0.000000e+00> : vector<512x128xf32>
      %dot_general3A_234 = tpu.matmul %get3A_232, %get3A_17, %dot_general3A_233 {dimension_numbers = #tpu.dot_dimension_numbers<[1], [0], [0], [1], [0, 0, 1, 1], [], []>, transpose_lhs_hint = false} : vector<512x128xbf16>, vector<128x128xbf16>, vector<512x128xf32> -> vector<512x128xf32>
      %add3A_235 = vector.broadcast %get3A_23 : vector<1x128xf32> to vector<512x128xf32>
      %add3A_236 = arith.addf %dot_general3A_234, %add3A_235 : vector<512x128xf32>
      %max3A_237 = arith.constant 0.000000e+00 : f32
      %max3A_238 = vector.broadcast %max3A_237 : f32 to vector<512x128xf32>
      %max3A_239 = arith.maximumf %add3A_236, %max3A_238 : vector<512x128xf32>
      %convert_element_type3A_240 = arith.truncf %max3A_239 : vector<512x128xf32> to vector<512x128xbf16>
      %dot_general3A_241 = arith.constant dense<0.000000e+00> : vector<512x128xf32>
      %dot_general3A_242 = tpu.matmul %convert_element_type3A_240, %get3A_20, %dot_general3A_241 {dimension_numbers = #tpu.dot_dimension_numbers<[1], [0], [0], [1], [0, 0, 1, 1], [], []>, transpose_lhs_hint = false} : vector<512x128xbf16>, vector<128x128xbf16>, vector<512x128xf32> -> vector<512x128xf32>
      %add3A_243 = arith.addf %add3A_229, %dot_general3A_242 : vector<512x128xf32>
      %get3A_244 = arith.constant 0 : index
      %get3A_245 = arith.constant 1920 : index
      %get3A_246 = vector.load %arg13[%get3A_244, %get3A_245] : memref<512x8192xbf16, #tpu.memory_space<vmem>>, vector<512x128xbf16>
      %dot_general3A_247 = arith.constant dense<0.000000e+00> : vector<512x128xf32>
      %dot_general3A_248 = tpu.matmul %get3A_246, %get3A_17, %dot_general3A_247 {dimension_numbers = #tpu.dot_dimension_numbers<[1], [0], [0], [1], [0, 0, 1, 1], [], []>, transpose_lhs_hint = false} : vector<512x128xbf16>, vector<128x128xbf16>, vector<512x128xf32> -> vector<512x128xf32>
      %add3A_249 = vector.broadcast %get3A_23 : vector<1x128xf32> to vector<512x128xf32>
      %add3A_250 = arith.addf %dot_general3A_248, %add3A_249 : vector<512x128xf32>
      %max3A_251 = arith.constant 0.000000e+00 : f32
      %max3A_252 = vector.broadcast %max3A_251 : f32 to vector<512x128xf32>
      %max3A_253 = arith.maximumf %add3A_250, %max3A_252 : vector<512x128xf32>
      %convert_element_type3A_254 = arith.truncf %max3A_253 : vector<512x128xf32> to vector<512x128xbf16>
      %dot_general3A_255 = arith.constant dense<0.000000e+00> : vector<512x128xf32>
      %dot_general3A_256 = tpu.matmul %convert_element_type3A_254, %get3A_20, %dot_general3A_255 {dimension_numbers = #tpu.dot_dimension_numbers<[1], [0], [0], [1], [0, 0, 1, 1], [], []>, transpose_lhs_hint = false} : vector<512x128xbf16>, vector<128x128xbf16>, vector<512x128xf32> -> vector<512x128xf32>
      %add3A_257 = arith.addf %add3A_243, %dot_general3A_256 : vector<512x128xf32>
      %get3A_258 = arith.constant 0 : index
      %get3A_259 = arith.constant 2048 : index
      %get3A_260 = vector.load %arg13[%get3A_258, %get3A_259] : memref<512x8192xbf16, #tpu.memory_space<vmem>>, vector<512x128xbf16>
      %dot_general3A_261 = arith.constant dense<0.000000e+00> : vector<512x128xf32>
      %dot_general3A_262 = tpu.matmul %get3A_260, %get3A_17, %dot_general3A_261 {dimension_numbers = #tpu.dot_dimension_numbers<[1], [0], [0], [1], [0, 0, 1, 1], [], []>, transpose_lhs_hint = false} : vector<512x128xbf16>, vector<128x128xbf16>, vector<512x128xf32> -> vector<512x128xf32>
      %add3A_263 = vector.broadcast %get3A_23 : vector<1x128xf32> to vector<512x128xf32>
      %add3A_264 = arith.addf %dot_general3A_262, %add3A_263 : vector<512x128xf32>
      %max3A_265 = arith.constant 0.000000e+00 : f32
      %max3A_266 = vector.broadcast %max3A_265 : f32 to vector<512x128xf32>
      %max3A_267 = arith.maximumf %add3A_264, %max3A_266 : vector<512x128xf32>
      %convert_element_type3A_268 = arith.truncf %max3A_267 : vector<512x128xf32> to vector<512x128xbf16>
      %dot_general3A_269 = arith.constant dense<0.000000e+00> : vector<512x128xf32>
      %dot_general3A_270 = tpu.matmul %convert_element_type3A_268, %get3A_20, %dot_general3A_269 {dimension_numbers = #tpu.dot_dimension_numbers<[1], [0], [0], [1], [0, 0, 1, 1], [], []>, transpose_lhs_hint = false} : vector<512x128xbf16>, vector<128x128xbf16>, vector<512x128xf32> -> vector<512x128xf32>
      %add3A_271 = arith.addf %add3A_257, %dot_general3A_270 : vector<512x128xf32>
      %get3A_272 = arith.constant 0 : index
      %get3A_273 = arith.constant 2176 : index
      %get3A_274 = vector.load %arg13[%get3A_272, %get3A_273] : memref<512x8192xbf16, #tpu.memory_space<vmem>>, vector<512x128xbf16>
      %dot_general3A_275 = arith.constant dense<0.000000e+00> : vector<512x128xf32>
      %dot_general3A_276 = tpu.matmul %get3A_274, %get3A_17, %dot_general3A_275 {dimension_numbers = #tpu.dot_dimension_numbers<[1], [0], [0], [1], [0, 0, 1, 1], [], []>, transpose_lhs_hint = false} : vector<512x128xbf16>, vector<128x128xbf16>, vector<512x128xf32> -> vector<512x128xf32>
      %add3A_277 = vector.broadcast %get3A_23 : vector<1x128xf32> to vector<512x128xf32>
      %add3A_278 = arith.addf %dot_general3A_276, %add3A_277 : vector<512x128xf32>
      %max3A_279 = arith.constant 0.000000e+00 : f32
      %max3A_280 = vector.broadcast %max3A_279 : f32 to vector<512x128xf32>
      %max3A_281 = arith.maximumf %add3A_278, %max3A_280 : vector<512x128xf32>
      %convert_element_type3A_282 = arith.truncf %max3A_281 : vector<512x128xf32> to vector<512x128xbf16>
      %dot_general3A_283 = arith.constant dense<0.000000e+00> : vector<512x128xf32>
      %dot_general3A_284 = tpu.matmul %convert_element_type3A_282, %get3A_20, %dot_general3A_283 {dimension_numbers = #tpu.dot_dimension_numbers<[1], [0], [0], [1], [0, 0, 1, 1], [], []>, transpose_lhs_hint = false} : vector<512x128xbf16>, vector<128x128xbf16>, vector<512x128xf32> -> vector<512x128xf32>
      %add3A_285 = arith.addf %add3A_271, %dot_general3A_284 : vector<512x128xf32>
      %get3A_286 = arith.constant 0 : index
      %get3A_287 = arith.constant 2304 : index
      %get3A_288 = vector.load %arg13[%get3A_286, %get3A_287] : memref<512x8192xbf16, #tpu.memory_space<vmem>>, vector<512x128xbf16>
      %dot_general3A_289 = arith.constant dense<0.000000e+00> : vector<512x128xf32>
      %dot_general3A_290 = tpu.matmul %get3A_288, %get3A_17, %dot_general3A_289 {dimension_numbers = #tpu.dot_dimension_numbers<[1], [0], [0], [1], [0, 0, 1, 1], [], []>, transpose_lhs_hint = false} : vector<512x128xbf16>, vector<128x128xbf16>, vector<512x128xf32> -> vector<512x128xf32>
      %add3A_291 = vector.broadcast %get3A_23 : vector<1x128xf32> to vector<512x128xf32>
      %add3A_292 = arith.addf %dot_general3A_290, %add3A_291 : vector<512x128xf32>
      %max3A_293 = arith.constant 0.000000e+00 : f32
      %max3A_294 = vector.broadcast %max3A_293 : f32 to vector<512x128xf32>
      %max3A_295 = arith.maximumf %add3A_292, %max3A_294 : vector<512x128xf32>
      %convert_element_type3A_296 = arith.truncf %max3A_295 : vector<512x128xf32> to vector<512x128xbf16>
      %dot_general3A_297 = arith.constant dense<0.000000e+00> : vector<512x128xf32>
      %dot_general3A_298 = tpu.matmul %convert_element_type3A_296, %get3A_20, %dot_general3A_297 {dimension_numbers = #tpu.dot_dimension_numbers<[1], [0], [0], [1], [0, 0, 1, 1], [], []>, transpose_lhs_hint = false} : vector<512x128xbf16>, vector<128x128xbf16>, vector<512x128xf32> -> vector<512x128xf32>
      %add3A_299 = arith.addf %add3A_285, %dot_general3A_298 : vector<512x128xf32>
      %get3A_300 = arith.constant 0 : index
      %get3A_301 = arith.constant 2432 : index
      %get3A_302 = vector.load %arg13[%get3A_300, %get3A_301] : memref<512x8192xbf16, #tpu.memory_space<vmem>>, vector<512x128xbf16>
      %dot_general3A_303 = arith.constant dense<0.000000e+00> : vector<512x128xf32>
      %dot_general3A_304 = tpu.matmul %get3A_302, %get3A_17, %dot_general3A_303 {dimension_numbers = #tpu.dot_dimension_numbers<[1], [0], [0], [1], [0, 0, 1, 1], [], []>, transpose_lhs_hint = false} : vector<512x128xbf16>, vector<128x128xbf16>, vector<512x128xf32> -> vector<512x128xf32>
      %add3A_305 = vector.broadcast %get3A_23 : vector<1x128xf32> to vector<512x128xf32>
      %add3A_306 = arith.addf %dot_general3A_304, %add3A_305 : vector<512x128xf32>
      %max3A_307 = arith.constant 0.000000e+00 : f32
      %max3A_308 = vector.broadcast %max3A_307 : f32 to vector<512x128xf32>
      %max3A_309 = arith.maximumf %add3A_306, %max3A_308 : vector<512x128xf32>
      %convert_element_type3A_310 = arith.truncf %max3A_309 : vector<512x128xf32> to vector<512x128xbf16>
      %dot_general3A_311 = arith.constant dense<0.000000e+00> : vector<512x128xf32>
      %dot_general3A_312 = tpu.matmul %convert_element_type3A_310, %get3A_20, %dot_general3A_311 {dimension_numbers = #tpu.dot_dimension_numbers<[1], [0], [0], [1], [0, 0, 1, 1], [], []>, transpose_lhs_hint = false} : vector<512x128xbf16>, vector<128x128xbf16>, vector<512x128xf32> -> vector<512x128xf32>
      %add3A_313 = arith.addf %add3A_299, %dot_general3A_312 : vector<512x128xf32>
      %get3A_314 = arith.constant 0 : index
      %get3A_315 = arith.constant 2560 : index
      %get3A_316 = vector.load %arg13[%get3A_314, %get3A_315] : memref<512x8192xbf16, #tpu.memory_space<vmem>>, vector<512x128xbf16>
      %dot_general3A_317 = arith.constant dense<0.000000e+00> : vector<512x128xf32>
      %dot_general3A_318 = tpu.matmul %get3A_316, %get3A_17, %dot_general3A_317 {dimension_numbers = #tpu.dot_dimension_numbers<[1], [0], [0], [1], [0, 0, 1, 1], [], []>, transpose_lhs_hint = false} : vector<512x128xbf16>, vector<128x128xbf16>, vector<512x128xf32> -> vector<512x128xf32>
      %add3A_319 = vector.broadcast %get3A_23 : vector<1x128xf32> to vector<512x128xf32>
      %add3A_320 = arith.addf %dot_general3A_318, %add3A_319 : vector<512x128xf32>
      %max3A_321 = arith.constant 0.000000e+00 : f32
      %max3A_322 = vector.broadcast %max3A_321 : f32 to vector<512x128xf32>
      %max3A_323 = arith.maximumf %add3A_320, %max3A_322 : vector<512x128xf32>
      %convert_element_type3A_324 = arith.truncf %max3A_323 : vector<512x128xf32> to vector<512x128xbf16>
      %dot_general3A_325 = arith.constant dense<0.000000e+00> : vector<512x128xf32>
      %dot_general3A_326 = tpu.matmul %convert_element_type3A_324, %get3A_20, %dot_general3A_325 {dimension_numbers = #tpu.dot_dimension_numbers<[1], [0], [0], [1], [0, 0, 1, 1], [], []>, transpose_lhs_hint = false} : vector<512x128xbf16>, vector<128x128xbf16>, vector<512x128xf32> -> vector<512x128xf32>
      %add3A_327 = arith.addf %add3A_313, %dot_general3A_326 : vector<512x128xf32>
      %get3A_328 = arith.constant 0 : index
      %get3A_329 = arith.constant 2688 : index
      %get3A_330 = vector.load %arg13[%get3A_328, %get3A_329] : memref<512x8192xbf16, #tpu.memory_space<vmem>>, vector<512x128xbf16>
      %dot_general3A_331 = arith.constant dense<0.000000e+00> : vector<512x128xf32>
      %dot_general3A_332 = tpu.matmul %get3A_330, %get3A_17, %dot_general3A_331 {dimension_numbers = #tpu.dot_dimension_numbers<[1], [0], [0], [1], [0, 0, 1, 1], [], []>, transpose_lhs_hint = false} : vector<512x128xbf16>, vector<128x128xbf16>, vector<512x128xf32> -> vector<512x128xf32>
      %add3A_333 = vector.broadcast %get3A_23 : vector<1x128xf32> to vector<512x128xf32>
      %add3A_334 = arith.addf %dot_general3A_332, %add3A_333 : vector<512x128xf32>
      %max3A_335 = arith.constant 0.000000e+00 : f32
      %max3A_336 = vector.broadcast %max3A_335 : f32 to vector<512x128xf32>
      %max3A_337 = arith.maximumf %add3A_334, %max3A_336 : vector<512x128xf32>
      %convert_element_type3A_338 = arith.truncf %max3A_337 : vector<512x128xf32> to vector<512x128xbf16>
      %dot_general3A_339 = arith.constant dense<0.000000e+00> : vector<512x128xf32>
      %dot_general3A_340 = tpu.matmul %convert_element_type3A_338, %get3A_20, %dot_general3A_339 {dimension_numbers = #tpu.dot_dimension_numbers<[1], [0], [0], [1], [0, 0, 1, 1], [], []>, transpose_lhs_hint = false} : vector<512x128xbf16>, vector<128x128xbf16>, vector<512x128xf32> -> vector<512x128xf32>
      %add3A_341 = arith.addf %add3A_327, %dot_general3A_340 : vector<512x128xf32>
      %get3A_342 = arith.constant 0 : index
      %get3A_343 = arith.constant 2816 : index
      %get3A_344 = vector.load %arg13[%get3A_342, %get3A_343] : memref<512x8192xbf16, #tpu.memory_space<vmem>>, vector<512x128xbf16>
      %dot_general3A_345 = arith.constant dense<0.000000e+00> : vector<512x128xf32>
      %dot_general3A_346 = tpu.matmul %get3A_344, %get3A_17, %dot_general3A_345 {dimension_numbers = #tpu.dot_dimension_numbers<[1], [0], [0], [1], [0, 0, 1, 1], [], []>, transpose_lhs_hint = false} : vector<512x128xbf16>, vector<128x128xbf16>, vector<512x128xf32> -> vector<512x128xf32>
      %add3A_347 = vector.broadcast %get3A_23 : vector<1x128xf32> to vector<512x128xf32>
      %add3A_348 = arith.addf %dot_general3A_346, %add3A_347 : vector<512x128xf32>
      %max3A_349 = arith.constant 0.000000e+00 : f32
      %max3A_350 = vector.broadcast %max3A_349 : f32 to vector<512x128xf32>
      %max3A_351 = arith.maximumf %add3A_348, %max3A_350 : vector<512x128xf32>
      %convert_element_type3A_352 = arith.truncf %max3A_351 : vector<512x128xf32> to vector<512x128xbf16>
      %dot_general3A_353 = arith.constant dense<0.000000e+00> : vector<512x128xf32>
      %dot_general3A_354 = tpu.matmul %convert_element_type3A_352, %get3A_20, %dot_general3A_353 {dimension_numbers = #tpu.dot_dimension_numbers<[1], [0], [0], [1], [0, 0, 1, 1], [], []>, transpose_lhs_hint = false} : vector<512x128xbf16>, vector<128x128xbf16>, vector<512x128xf32> -> vector<512x128xf32>
      %add3A_355 = arith.addf %add3A_341, %dot_general3A_354 : vector<512x128xf32>
      %get3A_356 = arith.constant 0 : index
      %get3A_357 = arith.constant 2944 : index
      %get3A_358 = vector.load %arg13[%get3A_356, %get3A_357] : memref<512x8192xbf16, #tpu.memory_space<vmem>>, vector<512x128xbf16>
      %dot_general3A_359 = arith.constant dense<0.000000e+00> : vector<512x128xf32>
      %dot_general3A_360 = tpu.matmul %get3A_358, %get3A_17, %dot_general3A_359 {dimension_numbers = #tpu.dot_dimension_numbers<[1], [0], [0], [1], [0, 0, 1, 1], [], []>, transpose_lhs_hint = false} : vector<512x128xbf16>, vector<128x128xbf16>, vector<512x128xf32> -> vector<512x128xf32>
      %add3A_361 = vector.broadcast %get3A_23 : vector<1x128xf32> to vector<512x128xf32>
      %add3A_362 = arith.addf %dot_general3A_360, %add3A_361 : vector<512x128xf32>
      %max3A_363 = arith.constant 0.000000e+00 : f32
      %max3A_364 = vector.broadcast %max3A_363 : f32 to vector<512x128xf32>
      %max3A_365 = arith.maximumf %add3A_362, %max3A_364 : vector<512x128xf32>
      %convert_element_type3A_366 = arith.truncf %max3A_365 : vector<512x128xf32> to vector<512x128xbf16>
      %dot_general3A_367 = arith.constant dense<0.000000e+00> : vector<512x128xf32>
      %dot_general3A_368 = tpu.matmul %convert_element_type3A_366, %get3A_20, %dot_general3A_367 {dimension_numbers = #tpu.dot_dimension_numbers<[1], [0], [0], [1], [0, 0, 1, 1], [], []>, transpose_lhs_hint = false} : vector<512x128xbf16>, vector<128x128xbf16>, vector<512x128xf32> -> vector<512x128xf32>
      %add3A_369 = arith.addf %add3A_355, %dot_general3A_368 : vector<512x128xf32>
      %get3A_370 = arith.constant 0 : index
      %get3A_371 = arith.constant 3072 : index
      %get3A_372 = vector.load %arg13[%get3A_370, %get3A_371] : memref<512x8192xbf16, #tpu.memory_space<vmem>>, vector<512x128xbf16>
      %dot_general3A_373 = arith.constant dense<0.000000e+00> : vector<512x128xf32>
      %dot_general3A_374 = tpu.matmul %get3A_372, %get3A_17, %dot_general3A_373 {dimension_numbers = #tpu.dot_dimension_numbers<[1], [0], [0], [1], [0, 0, 1, 1], [], []>, transpose_lhs_hint = false} : vector<512x128xbf16>, vector<128x128xbf16>, vector<512x128xf32> -> vector<512x128xf32>
      %add3A_375 = vector.broadcast %get3A_23 : vector<1x128xf32> to vector<512x128xf32>
      %add3A_376 = arith.addf %dot_general3A_374, %add3A_375 : vector<512x128xf32>
      %max3A_377 = arith.constant 0.000000e+00 : f32
      %max3A_378 = vector.broadcast %max3A_377 : f32 to vector<512x128xf32>
      %max3A_379 = arith.maximumf %add3A_376, %max3A_378 : vector<512x128xf32>
      %convert_element_type3A_380 = arith.truncf %max3A_379 : vector<512x128xf32> to vector<512x128xbf16>
      %dot_general3A_381 = arith.constant dense<0.000000e+00> : vector<512x128xf32>
      %dot_general3A_382 = tpu.matmul %convert_element_type3A_380, %get3A_20, %dot_general3A_381 {dimension_numbers = #tpu.dot_dimension_numbers<[1], [0], [0], [1], [0, 0, 1, 1], [], []>, transpose_lhs_hint = false} : vector<512x128xbf16>, vector<128x128xbf16>, vector<512x128xf32> -> vector<512x128xf32>
      %add3A_383 = arith.addf %add3A_369, %dot_general3A_382 : vector<512x128xf32>
      %get3A_384 = arith.constant 0 : index
      %get3A_385 = arith.constant 3200 : index
      %get3A_386 = vector.load %arg13[%get3A_384, %get3A_385] : memref<512x8192xbf16, #tpu.memory_space<vmem>>, vector<512x128xbf16>
      %dot_general3A_387 = arith.constant dense<0.000000e+00> : vector<512x128xf32>
      %dot_general3A_388 = tpu.matmul %get3A_386, %get3A_17, %dot_general3A_387 {dimension_numbers = #tpu.dot_dimension_numbers<[1], [0], [0], [1], [0, 0, 1, 1], [], []>, transpose_lhs_hint = false} : vector<512x128xbf16>, vector<128x128xbf16>, vector<512x128xf32> -> vector<512x128xf32>
      %add3A_389 = vector.broadcast %get3A_23 : vector<1x128xf32> to vector<512x128xf32>
      %add3A_390 = arith.addf %dot_general3A_388, %add3A_389 : vector<512x128xf32>
      %max3A_391 = arith.constant 0.000000e+00 : f32
      %max3A_392 = vector.broadcast %max3A_391 : f32 to vector<512x128xf32>
      %max3A_393 = arith.maximumf %add3A_390, %max3A_392 : vector<512x128xf32>
      %convert_element_type3A_394 = arith.truncf %max3A_393 : vector<512x128xf32> to vector<512x128xbf16>
      %dot_general3A_395 = arith.constant dense<0.000000e+00> : vector<512x128xf32>
      %dot_general3A_396 = tpu.matmul %convert_element_type3A_394, %get3A_20, %dot_general3A_395 {dimension_numbers = #tpu.dot_dimension_numbers<[1], [0], [0], [1], [0, 0, 1, 1], [], []>, transpose_lhs_hint = false} : vector<512x128xbf16>, vector<128x128xbf16>, vector<512x128xf32> -> vector<512x128xf32>
      %add3A_397 = arith.addf %add3A_383, %dot_general3A_396 : vector<512x128xf32>
      %get3A_398 = arith.constant 0 : index
      %get3A_399 = arith.constant 3328 : index
      %get3A_400 = vector.load %arg13[%get3A_398, %get3A_399] : memref<512x8192xbf16, #tpu.memory_space<vmem>>, vector<512x128xbf16>
      %dot_general3A_401 = arith.constant dense<0.000000e+00> : vector<512x128xf32>
      %dot_general3A_402 = tpu.matmul %get3A_400, %get3A_17, %dot_general3A_401 {dimension_numbers = #tpu.dot_dimension_numbers<[1], [0], [0], [1], [0, 0, 1, 1], [], []>, transpose_lhs_hint = false} : vector<512x128xbf16>, vector<128x128xbf16>, vector<512x128xf32> -> vector<512x128xf32>
      %add3A_403 = vector.broadcast %get3A_23 : vector<1x128xf32> to vector<512x128xf32>
      %add3A_404 = arith.addf %dot_general3A_402, %add3A_403 : vector<512x128xf32>
      %max3A_405 = arith.constant 0.000000e+00 : f32
      %max3A_406 = vector.broadcast %max3A_405 : f32 to vector<512x128xf32>
      %max3A_407 = arith.maximumf %add3A_404, %max3A_406 : vector<512x128xf32>
      %convert_element_type3A_408 = arith.truncf %max3A_407 : vector<512x128xf32> to vector<512x128xbf16>
      %dot_general3A_409 = arith.constant dense<0.000000e+00> : vector<512x128xf32>
      %dot_general3A_410 = tpu.matmul %convert_element_type3A_408, %get3A_20, %dot_general3A_409 {dimension_numbers = #tpu.dot_dimension_numbers<[1], [0], [0], [1], [0, 0, 1, 1], [], []>, transpose_lhs_hint = false} : vector<512x128xbf16>, vector<128x128xbf16>, vector<512x128xf32> -> vector<512x128xf32>
      %add3A_411 = arith.addf %add3A_397, %dot_general3A_410 : vector<512x128xf32>
      %get3A_412 = arith.constant 0 : index
      %get3A_413 = arith.constant 3456 : index
      %get3A_414 = vector.load %arg13[%get3A_412, %get3A_413] : memref<512x8192xbf16, #tpu.memory_space<vmem>>, vector<512x128xbf16>
      %dot_general3A_415 = arith.constant dense<0.000000e+00> : vector<512x128xf32>
      %dot_general3A_416 = tpu.matmul %get3A_414, %get3A_17, %dot_general3A_415 {dimension_numbers = #tpu.dot_dimension_numbers<[1], [0], [0], [1], [0, 0, 1, 1], [], []>, transpose_lhs_hint = false} : vector<512x128xbf16>, vector<128x128xbf16>, vector<512x128xf32> -> vector<512x128xf32>
      %add3A_417 = vector.broadcast %get3A_23 : vector<1x128xf32> to vector<512x128xf32>
      %add3A_418 = arith.addf %dot_general3A_416, %add3A_417 : vector<512x128xf32>
      %max3A_419 = arith.constant 0.000000e+00 : f32
      %max3A_420 = vector.broadcast %max3A_419 : f32 to vector<512x128xf32>
      %max3A_421 = arith.maximumf %add3A_418, %max3A_420 : vector<512x128xf32>
      %convert_element_type3A_422 = arith.truncf %max3A_421 : vector<512x128xf32> to vector<512x128xbf16>
      %dot_general3A_423 = arith.constant dense<0.000000e+00> : vector<512x128xf32>
      %dot_general3A_424 = tpu.matmul %convert_element_type3A_422, %get3A_20, %dot_general3A_423 {dimension_numbers = #tpu.dot_dimension_numbers<[1], [0], [0], [1], [0, 0, 1, 1], [], []>, transpose_lhs_hint = false} : vector<512x128xbf16>, vector<128x128xbf16>, vector<512x128xf32> -> vector<512x128xf32>
      %add3A_425 = arith.addf %add3A_411, %dot_general3A_424 : vector<512x128xf32>
      %get3A_426 = arith.constant 0 : index
      %get3A_427 = arith.constant 3584 : index
      %get3A_428 = vector.load %arg13[%get3A_426, %get3A_427] : memref<512x8192xbf16, #tpu.memory_space<vmem>>, vector<512x128xbf16>
      %dot_general3A_429 = arith.constant dense<0.000000e+00> : vector<512x128xf32>
      %dot_general3A_430 = tpu.matmul %get3A_428, %get3A_17, %dot_general3A_429 {dimension_numbers = #tpu.dot_dimension_numbers<[1], [0], [0], [1], [0, 0, 1, 1], [], []>, transpose_lhs_hint = false} : vector<512x128xbf16>, vector<128x128xbf16>, vector<512x128xf32> -> vector<512x128xf32>
      %add3A_431 = vector.broadcast %get3A_23 : vector<1x128xf32> to vector<512x128xf32>
      %add3A_432 = arith.addf %dot_general3A_430, %add3A_431 : vector<512x128xf32>
      %max3A_433 = arith.constant 0.000000e+00 : f32
      %max3A_434 = vector.broadcast %max3A_433 : f32 to vector<512x128xf32>
      %max3A_435 = arith.maximumf %add3A_432, %max3A_434 : vector<512x128xf32>
      %convert_element_type3A_436 = arith.truncf %max3A_435 : vector<512x128xf32> to vector<512x128xbf16>
      %dot_general3A_437 = arith.constant dense<0.000000e+00> : vector<512x128xf32>
      %dot_general3A_438 = tpu.matmul %convert_element_type3A_436, %get3A_20, %dot_general3A_437 {dimension_numbers = #tpu.dot_dimension_numbers<[1], [0], [0], [1], [0, 0, 1, 1], [], []>, transpose_lhs_hint = false} : vector<512x128xbf16>, vector<128x128xbf16>, vector<512x128xf32> -> vector<512x128xf32>
      %add3A_439 = arith.addf %add3A_425, %dot_general3A_438 : vector<512x128xf32>
      %get3A_440 = arith.constant 0 : index
      %get3A_441 = arith.constant 3712 : index
      %get3A_442 = vector.load %arg13[%get3A_440, %get3A_441] : memref<512x8192xbf16, #tpu.memory_space<vmem>>, vector<512x128xbf16>
      %dot_general3A_443 = arith.constant dense<0.000000e+00> : vector<512x128xf32>
      %dot_general3A_444 = tpu.matmul %get3A_442, %get3A_17, %dot_general3A_443 {dimension_numbers = #tpu.dot_dimension_numbers<[1], [0], [0], [1], [0, 0, 1, 1], [], []>, transpose_lhs_hint = false} : vector<512x128xbf16>, vector<128x128xbf16>, vector<512x128xf32> -> vector<512x128xf32>
      %add3A_445 = vector.broadcast %get3A_23 : vector<1x128xf32> to vector<512x128xf32>
      %add3A_446 = arith.addf %dot_general3A_444, %add3A_445 : vector<512x128xf32>
      %max3A_447 = arith.constant 0.000000e+00 : f32
      %max3A_448 = vector.broadcast %max3A_447 : f32 to vector<512x128xf32>
      %max3A_449 = arith.maximumf %add3A_446, %max3A_448 : vector<512x128xf32>
      %convert_element_type3A_450 = arith.truncf %max3A_449 : vector<512x128xf32> to vector<512x128xbf16>
      %dot_general3A_451 = arith.constant dense<0.000000e+00> : vector<512x128xf32>
      %dot_general3A_452 = tpu.matmul %convert_element_type3A_450, %get3A_20, %dot_general3A_451 {dimension_numbers = #tpu.dot_dimension_numbers<[1], [0], [0], [1], [0, 0, 1, 1], [], []>, transpose_lhs_hint = false} : vector<512x128xbf16>, vector<128x128xbf16>, vector<512x128xf32> -> vector<512x128xf32>
      %add3A_453 = arith.addf %add3A_439, %dot_general3A_452 : vector<512x128xf32>
      %get3A_454 = arith.constant 0 : index
      %get3A_455 = arith.constant 3840 : index
      %get3A_456 = vector.load %arg13[%get3A_454, %get3A_455] : memref<512x8192xbf16, #tpu.memory_space<vmem>>, vector<512x128xbf16>
      %dot_general3A_457 = arith.constant dense<0.000000e+00> : vector<512x128xf32>
      %dot_general3A_458 = tpu.matmul %get3A_456, %get3A_17, %dot_general3A_457 {dimension_numbers = #tpu.dot_dimension_numbers<[1], [0], [0], [1], [0, 0, 1, 1], [], []>, transpose_lhs_hint = false} : vector<512x128xbf16>, vector<128x128xbf16>, vector<512x128xf32> -> vector<512x128xf32>
      %add3A_459 = vector.broadcast %get3A_23 : vector<1x128xf32> to vector<512x128xf32>
      %add3A_460 = arith.addf %dot_general3A_458, %add3A_459 : vector<512x128xf32>
      %max3A_461 = arith.constant 0.000000e+00 : f32
      %max3A_462 = vector.broadcast %max3A_461 : f32 to vector<512x128xf32>
      %max3A_463 = arith.maximumf %add3A_460, %max3A_462 : vector<512x128xf32>
      %convert_element_type3A_464 = arith.truncf %max3A_463 : vector<512x128xf32> to vector<512x128xbf16>
      %dot_general3A_465 = arith.constant dense<0.000000e+00> : vector<512x128xf32>
      %dot_general3A_466 = tpu.matmul %convert_element_type3A_464, %get3A_20, %dot_general3A_465 {dimension_numbers = #tpu.dot_dimension_numbers<[1], [0], [0], [1], [0, 0, 1, 1], [], []>, transpose_lhs_hint = false} : vector<512x128xbf16>, vector<128x128xbf16>, vector<512x128xf32> -> vector<512x128xf32>
      %add3A_467 = arith.addf %add3A_453, %dot_general3A_466 : vector<512x128xf32>
      %get3A_468 = arith.constant 0 : index
      %get3A_469 = arith.constant 3968 : index
      %get3A_470 = vector.load %arg13[%get3A_468, %get3A_469] : memref<512x8192xbf16, #tpu.memory_space<vmem>>, vector<512x128xbf16>
      %dot_general3A_471 = arith.constant dense<0.000000e+00> : vector<512x128xf32>
      %dot_general3A_472 = tpu.matmul %get3A_470, %get3A_17, %dot_general3A_471 {dimension_numbers = #tpu.dot_dimension_numbers<[1], [0], [0], [1], [0, 0, 1, 1], [], []>, transpose_lhs_hint = false} : vector<512x128xbf16>, vector<128x128xbf16>, vector<512x128xf32> -> vector<512x128xf32>
      %add3A_473 = vector.broadcast %get3A_23 : vector<1x128xf32> to vector<512x128xf32>
      %add3A_474 = arith.addf %dot_general3A_472, %add3A_473 : vector<512x128xf32>
      %max3A_475 = arith.constant 0.000000e+00 : f32
      %max3A_476 = vector.broadcast %max3A_475 : f32 to vector<512x128xf32>
      %max3A_477 = arith.maximumf %add3A_474, %max3A_476 : vector<512x128xf32>
      %convert_element_type3A_478 = arith.truncf %max3A_477 : vector<512x128xf32> to vector<512x128xbf16>
      %dot_general3A_479 = arith.constant dense<0.000000e+00> : vector<512x128xf32>
      %dot_general3A_480 = tpu.matmul %convert_element_type3A_478, %get3A_20, %dot_general3A_479 {dimension_numbers = #tpu.dot_dimension_numbers<[1], [0], [0], [1], [0, 0, 1, 1], [], []>, transpose_lhs_hint = false} : vector<512x128xbf16>, vector<128x128xbf16>, vector<512x128xf32> -> vector<512x128xf32>
      %add3A_481 = arith.addf %add3A_467, %dot_general3A_480 : vector<512x128xf32>
      %get3A_482 = arith.constant 0 : index
      %get3A_483 = arith.constant 4096 : index
      %get3A_484 = vector.load %arg13[%get3A_482, %get3A_483] : memref<512x8192xbf16, #tpu.memory_space<vmem>>, vector<512x128xbf16>
      %dot_general3A_485 = arith.constant dense<0.000000e+00> : vector<512x128xf32>
      %dot_general3A_486 = tpu.matmul %get3A_484, %get3A_17, %dot_general3A_485 {dimension_numbers = #tpu.dot_dimension_numbers<[1], [0], [0], [1], [0, 0, 1, 1], [], []>, transpose_lhs_hint = false} : vector<512x128xbf16>, vector<128x128xbf16>, vector<512x128xf32> -> vector<512x128xf32>
      %add3A_487 = vector.broadcast %get3A_23 : vector<1x128xf32> to vector<512x128xf32>
      %add3A_488 = arith.addf %dot_general3A_486, %add3A_487 : vector<512x128xf32>
      %max3A_489 = arith.constant 0.000000e+00 : f32
      %max3A_490 = vector.broadcast %max3A_489 : f32 to vector<512x128xf32>
      %max3A_491 = arith.maximumf %add3A_488, %max3A_490 : vector<512x128xf32>
      %convert_element_type3A_492 = arith.truncf %max3A_491 : vector<512x128xf32> to vector<512x128xbf16>
      %dot_general3A_493 = arith.constant dense<0.000000e+00> : vector<512x128xf32>
      %dot_general3A_494 = tpu.matmul %convert_element_type3A_492, %get3A_20, %dot_general3A_493 {dimension_numbers = #tpu.dot_dimension_numbers<[1], [0], [0], [1], [0, 0, 1, 1], [], []>, transpose_lhs_hint = false} : vector<512x128xbf16>, vector<128x128xbf16>, vector<512x128xf32> -> vector<512x128xf32>
      %add3A_495 = arith.addf %add3A_481, %dot_general3A_494 : vector<512x128xf32>
      %get3A_496 = arith.constant 0 : index
      %get3A_497 = arith.constant 4224 : index
      %get3A_498 = vector.load %arg13[%get3A_496, %get3A_497] : memref<512x8192xbf16, #tpu.memory_space<vmem>>, vector<512x128xbf16>
      %dot_general3A_499 = arith.constant dense<0.000000e+00> : vector<512x128xf32>
      %dot_general3A_500 = tpu.matmul %get3A_498, %get3A_17, %dot_general3A_499 {dimension_numbers = #tpu.dot_dimension_numbers<[1], [0], [0], [1], [0, 0, 1, 1], [], []>, transpose_lhs_hint = false} : vector<512x128xbf16>, vector<128x128xbf16>, vector<512x128xf32> -> vector<512x128xf32>
      %add3A_501 = vector.broadcast %get3A_23 : vector<1x128xf32> to vector<512x128xf32>
      %add3A_502 = arith.addf %dot_general3A_500, %add3A_501 : vector<512x128xf32>
      %max3A_503 = arith.constant 0.000000e+00 : f32
      %max3A_504 = vector.broadcast %max3A_503 : f32 to vector<512x128xf32>
      %max3A_505 = arith.maximumf %add3A_502, %max3A_504 : vector<512x128xf32>
      %convert_element_type3A_506 = arith.truncf %max3A_505 : vector<512x128xf32> to vector<512x128xbf16>
      %dot_general3A_507 = arith.constant dense<0.000000e+00> : vector<512x128xf32>
      %dot_general3A_508 = tpu.matmul %convert_element_type3A_506, %get3A_20, %dot_general3A_507 {dimension_numbers = #tpu.dot_dimension_numbers<[1], [0], [0], [1], [0, 0, 1, 1], [], []>, transpose_lhs_hint = false} : vector<512x128xbf16>, vector<128x128xbf16>, vector<512x128xf32> -> vector<512x128xf32>
      %add3A_509 = arith.addf %add3A_495, %dot_general3A_508 : vector<512x128xf32>
      %get3A_510 = arith.constant 0 : index
      %get3A_511 = arith.constant 4352 : index
      %get3A_512 = vector.load %arg13[%get3A_510, %get3A_511] : memref<512x8192xbf16, #tpu.memory_space<vmem>>, vector<512x128xbf16>
      %dot_general3A_513 = arith.constant dense<0.000000e+00> : vector<512x128xf32>
      %dot_general3A_514 = tpu.matmul %get3A_512, %get3A_17, %dot_general3A_513 {dimension_numbers = #tpu.dot_dimension_numbers<[1], [0], [0], [1], [0, 0, 1, 1], [], []>, transpose_lhs_hint = false} : vector<512x128xbf16>, vector<128x128xbf16>, vector<512x128xf32> -> vector<512x128xf32>
      %add3A_515 = vector.broadcast %get3A_23 : vector<1x128xf32> to vector<512x128xf32>
      %add3A_516 = arith.addf %dot_general3A_514, %add3A_515 : vector<512x128xf32>
      %max3A_517 = arith.constant 0.000000e+00 : f32
      %max3A_518 = vector.broadcast %max3A_517 : f32 to vector<512x128xf32>
      %max3A_519 = arith.maximumf %add3A_516, %max3A_518 : vector<512x128xf32>
      %convert_element_type3A_520 = arith.truncf %max3A_519 : vector<512x128xf32> to vector<512x128xbf16>
      %dot_general3A_521 = arith.constant dense<0.000000e+00> : vector<512x128xf32>
      %dot_general3A_522 = tpu.matmul %convert_element_type3A_520, %get3A_20, %dot_general3A_521 {dimension_numbers = #tpu.dot_dimension_numbers<[1], [0], [0], [1], [0, 0, 1, 1], [], []>, transpose_lhs_hint = false} : vector<512x128xbf16>, vector<128x128xbf16>, vector<512x128xf32> -> vector<512x128xf32>
      %add3A_523 = arith.addf %add3A_509, %dot_general3A_522 : vector<512x128xf32>
      %get3A_524 = arith.constant 0 : index
      %get3A_525 = arith.constant 4480 : index
      %get3A_526 = vector.load %arg13[%get3A_524, %get3A_525] : memref<512x8192xbf16, #tpu.memory_space<vmem>>, vector<512x128xbf16>
      %dot_general3A_527 = arith.constant dense<0.000000e+00> : vector<512x128xf32>
      %dot_general3A_528 = tpu.matmul %get3A_526, %get3A_17, %dot_general3A_527 {dimension_numbers = #tpu.dot_dimension_numbers<[1], [0], [0], [1], [0, 0, 1, 1], [], []>, transpose_lhs_hint = false} : vector<512x128xbf16>, vector<128x128xbf16>, vector<512x128xf32> -> vector<512x128xf32>
      %add3A_529 = vector.broadcast %get3A_23 : vector<1x128xf32> to vector<512x128xf32>
      %add3A_530 = arith.addf %dot_general3A_528, %add3A_529 : vector<512x128xf32>
      %max3A_531 = arith.constant 0.000000e+00 : f32
      %max3A_532 = vector.broadcast %max3A_531 : f32 to vector<512x128xf32>
      %max3A_533 = arith.maximumf %add3A_530, %max3A_532 : vector<512x128xf32>
      %convert_element_type3A_534 = arith.truncf %max3A_533 : vector<512x128xf32> to vector<512x128xbf16>
      %dot_general3A_535 = arith.constant dense<0.000000e+00> : vector<512x128xf32>
      %dot_general3A_536 = tpu.matmul %convert_element_type3A_534, %get3A_20, %dot_general3A_535 {dimension_numbers = #tpu.dot_dimension_numbers<[1], [0], [0], [1], [0, 0, 1, 1], [], []>, transpose_lhs_hint = false} : vector<512x128xbf16>, vector<128x128xbf16>, vector<512x128xf32> -> vector<512x128xf32>
      %add3A_537 = arith.addf %add3A_523, %dot_general3A_536 : vector<512x128xf32>
      %get3A_538 = arith.constant 0 : index
      %get3A_539 = arith.constant 4608 : index
      %get3A_540 = vector.load %arg13[%get3A_538, %get3A_539] : memref<512x8192xbf16, #tpu.memory_space<vmem>>, vector<512x128xbf16>
      %dot_general3A_541 = arith.constant dense<0.000000e+00> : vector<512x128xf32>
      %dot_general3A_542 = tpu.matmul %get3A_540, %get3A_17, %dot_general3A_541 {dimension_numbers = #tpu.dot_dimension_numbers<[1], [0], [0], [1], [0, 0, 1, 1], [], []>, transpose_lhs_hint = false} : vector<512x128xbf16>, vector<128x128xbf16>, vector<512x128xf32> -> vector<512x128xf32>
      %add3A_543 = vector.broadcast %get3A_23 : vector<1x128xf32> to vector<512x128xf32>
      %add3A_544 = arith.addf %dot_general3A_542, %add3A_543 : vector<512x128xf32>
      %max3A_545 = arith.constant 0.000000e+00 : f32
      %max3A_546 = vector.broadcast %max3A_545 : f32 to vector<512x128xf32>
      %max3A_547 = arith.maximumf %add3A_544, %max3A_546 : vector<512x128xf32>
      %convert_element_type3A_548 = arith.truncf %max3A_547 : vector<512x128xf32> to vector<512x128xbf16>
      %dot_general3A_549 = arith.constant dense<0.000000e+00> : vector<512x128xf32>
      %dot_general3A_550 = tpu.matmul %convert_element_type3A_548, %get3A_20, %dot_general3A_549 {dimension_numbers = #tpu.dot_dimension_numbers<[1], [0], [0], [1], [0, 0, 1, 1], [], []>, transpose_lhs_hint = false} : vector<512x128xbf16>, vector<128x128xbf16>, vector<512x128xf32> -> vector<512x128xf32>
      %add3A_551 = arith.addf %add3A_537, %dot_general3A_550 : vector<512x128xf32>
      %get3A_552 = arith.constant 0 : index
      %get3A_553 = arith.constant 4736 : index
      %get3A_554 = vector.load %arg13[%get3A_552, %get3A_553] : memref<512x8192xbf16, #tpu.memory_space<vmem>>, vector<512x128xbf16>
      %dot_general3A_555 = arith.constant dense<0.000000e+00> : vector<512x128xf32>
      %dot_general3A_556 = tpu.matmul %get3A_554, %get3A_17, %dot_general3A_555 {dimension_numbers = #tpu.dot_dimension_numbers<[1], [0], [0], [1], [0, 0, 1, 1], [], []>, transpose_lhs_hint = false} : vector<512x128xbf16>, vector<128x128xbf16>, vector<512x128xf32> -> vector<512x128xf32>
      %add3A_557 = vector.broadcast %get3A_23 : vector<1x128xf32> to vector<512x128xf32>
      %add3A_558 = arith.addf %dot_general3A_556, %add3A_557 : vector<512x128xf32>
      %max3A_559 = arith.constant 0.000000e+00 : f32
      %max3A_560 = vector.broadcast %max3A_559 : f32 to vector<512x128xf32>
      %max3A_561 = arith.maximumf %add3A_558, %max3A_560 : vector<512x128xf32>
      %convert_element_type3A_562 = arith.truncf %max3A_561 : vector<512x128xf32> to vector<512x128xbf16>
      %dot_general3A_563 = arith.constant dense<0.000000e+00> : vector<512x128xf32>
      %dot_general3A_564 = tpu.matmul %convert_element_type3A_562, %get3A_20, %dot_general3A_563 {dimension_numbers = #tpu.dot_dimension_numbers<[1], [0], [0], [1], [0, 0, 1, 1], [], []>, transpose_lhs_hint = false} : vector<512x128xbf16>, vector<128x128xbf16>, vector<512x128xf32> -> vector<512x128xf32>
      %add3A_565 = arith.addf %add3A_551, %dot_general3A_564 : vector<512x128xf32>
      %get3A_566 = arith.constant 0 : index
      %get3A_567 = arith.constant 4864 : index
      %get3A_568 = vector.load %arg13[%get3A_566, %get3A_567] : memref<512x8192xbf16, #tpu.memory_space<vmem>>, vector<512x128xbf16>
      %dot_general3A_569 = arith.constant dense<0.000000e+00> : vector<512x128xf32>
      %dot_general3A_570 = tpu.matmul %get3A_568, %get3A_17, %dot_general3A_569 {dimension_numbers = #tpu.dot_dimension_numbers<[1], [0], [0], [1], [0, 0, 1, 1], [], []>, transpose_lhs_hint = false} : vector<512x128xbf16>, vector<128x128xbf16>, vector<512x128xf32> -> vector<512x128xf32>
      %add3A_571 = vector.broadcast %get3A_23 : vector<1x128xf32> to vector<512x128xf32>
      %add3A_572 = arith.addf %dot_general3A_570, %add3A_571 : vector<512x128xf32>
      %max3A_573 = arith.constant 0.000000e+00 : f32
      %max3A_574 = vector.broadcast %max3A_573 : f32 to vector<512x128xf32>
      %max3A_575 = arith.maximumf %add3A_572, %max3A_574 : vector<512x128xf32>
      %convert_element_type3A_576 = arith.truncf %max3A_575 : vector<512x128xf32> to vector<512x128xbf16>
      %dot_general3A_577 = arith.constant dense<0.000000e+00> : vector<512x128xf32>
      %dot_general3A_578 = tpu.matmul %convert_element_type3A_576, %get3A_20, %dot_general3A_577 {dimension_numbers = #tpu.dot_dimension_numbers<[1], [0], [0], [1], [0, 0, 1, 1], [], []>, transpose_lhs_hint = false} : vector<512x128xbf16>, vector<128x128xbf16>, vector<512x128xf32> -> vector<512x128xf32>
      %add3A_579 = arith.addf %add3A_565, %dot_general3A_578 : vector<512x128xf32>
      %get3A_580 = arith.constant 0 : index
      %get3A_581 = arith.constant 4992 : index
      %get3A_582 = vector.load %arg13[%get3A_580, %get3A_581] : memref<512x8192xbf16, #tpu.memory_space<vmem>>, vector<512x128xbf16>
      %dot_general3A_583 = arith.constant dense<0.000000e+00> : vector<512x128xf32>
      %dot_general3A_584 = tpu.matmul %get3A_582, %get3A_17, %dot_general3A_583 {dimension_numbers = #tpu.dot_dimension_numbers<[1], [0], [0], [1], [0, 0, 1, 1], [], []>, transpose_lhs_hint = false} : vector<512x128xbf16>, vector<128x128xbf16>, vector<512x128xf32> -> vector<512x128xf32>
      %add3A_585 = vector.broadcast %get3A_23 : vector<1x128xf32> to vector<512x128xf32>
      %add3A_586 = arith.addf %dot_general3A_584, %add3A_585 : vector<512x128xf32>
      %max3A_587 = arith.constant 0.000000e+00 : f32
      %max3A_588 = vector.broadcast %max3A_587 : f32 to vector<512x128xf32>
      %max3A_589 = arith.maximumf %add3A_586, %max3A_588 : vector<512x128xf32>
      %convert_element_type3A_590 = arith.truncf %max3A_589 : vector<512x128xf32> to vector<512x128xbf16>
      %dot_general3A_591 = arith.constant dense<0.000000e+00> : vector<512x128xf32>
      %dot_general3A_592 = tpu.matmul %convert_element_type3A_590, %get3A_20, %dot_general3A_591 {dimension_numbers = #tpu.dot_dimension_numbers<[1], [0], [0], [1], [0, 0, 1, 1], [], []>, transpose_lhs_hint = false} : vector<512x128xbf16>, vector<128x128xbf16>, vector<512x128xf32> -> vector<512x128xf32>
      %add3A_593 = arith.addf %add3A_579, %dot_general3A_592 : vector<512x128xf32>
      %get3A_594 = arith.constant 0 : index
      %get3A_595 = arith.constant 5120 : index
      %get3A_596 = vector.load %arg13[%get3A_594, %get3A_595] : memref<512x8192xbf16, #tpu.memory_space<vmem>>, vector<512x128xbf16>
      %dot_general3A_597 = arith.constant dense<0.000000e+00> : vector<512x128xf32>
      %dot_general3A_598 = tpu.matmul %get3A_596, %get3A_17, %dot_general3A_597 {dimension_numbers = #tpu.dot_dimension_numbers<[1], [0], [0], [1], [0, 0, 1, 1], [], []>, transpose_lhs_hint = false} : vector<512x128xbf16>, vector<128x128xbf16>, vector<512x128xf32> -> vector<512x128xf32>
      %add3A_599 = vector.broadcast %get3A_23 : vector<1x128xf32> to vector<512x128xf32>
      %add3A_600 = arith.addf %dot_general3A_598, %add3A_599 : vector<512x128xf32>
      %max3A_601 = arith.constant 0.000000e+00 : f32
      %max3A_602 = vector.broadcast %max3A_601 : f32 to vector<512x128xf32>
      %max3A_603 = arith.maximumf %add3A_600, %max3A_602 : vector<512x128xf32>
      %convert_element_type3A_604 = arith.truncf %max3A_603 : vector<512x128xf32> to vector<512x128xbf16>
      %dot_general3A_605 = arith.constant dense<0.000000e+00> : vector<512x128xf32>
      %dot_general3A_606 = tpu.matmul %convert_element_type3A_604, %get3A_20, %dot_general3A_605 {dimension_numbers = #tpu.dot_dimension_numbers<[1], [0], [0], [1], [0, 0, 1, 1], [], []>, transpose_lhs_hint = false} : vector<512x128xbf16>, vector<128x128xbf16>, vector<512x128xf32> -> vector<512x128xf32>
      %add3A_607 = arith.addf %add3A_593, %dot_general3A_606 : vector<512x128xf32>
      %get3A_608 = arith.constant 0 : index
      %get3A_609 = arith.constant 5248 : index
      %get3A_610 = vector.load %arg13[%get3A_608, %get3A_609] : memref<512x8192xbf16, #tpu.memory_space<vmem>>, vector<512x128xbf16>
      %dot_general3A_611 = arith.constant dense<0.000000e+00> : vector<512x128xf32>
      %dot_general3A_612 = tpu.matmul %get3A_610, %get3A_17, %dot_general3A_611 {dimension_numbers = #tpu.dot_dimension_numbers<[1], [0], [0], [1], [0, 0, 1, 1], [], []>, transpose_lhs_hint = false} : vector<512x128xbf16>, vector<128x128xbf16>, vector<512x128xf32> -> vector<512x128xf32>
      %add3A_613 = vector.broadcast %get3A_23 : vector<1x128xf32> to vector<512x128xf32>
      %add3A_614 = arith.addf %dot_general3A_612, %add3A_613 : vector<512x128xf32>
      %max3A_615 = arith.constant 0.000000e+00 : f32
      %max3A_616 = vector.broadcast %max3A_615 : f32 to vector<512x128xf32>
      %max3A_617 = arith.maximumf %add3A_614, %max3A_616 : vector<512x128xf32>
      %convert_element_type3A_618 = arith.truncf %max3A_617 : vector<512x128xf32> to vector<512x128xbf16>
      %dot_general3A_619 = arith.constant dense<0.000000e+00> : vector<512x128xf32>
      %dot_general3A_620 = tpu.matmul %convert_element_type3A_618, %get3A_20, %dot_general3A_619 {dimension_numbers = #tpu.dot_dimension_numbers<[1], [0], [0], [1], [0, 0, 1, 1], [], []>, transpose_lhs_hint = false} : vector<512x128xbf16>, vector<128x128xbf16>, vector<512x128xf32> -> vector<512x128xf32>
      %add3A_621 = arith.addf %add3A_607, %dot_general3A_620 : vector<512x128xf32>
      %get3A_622 = arith.constant 0 : index
      %get3A_623 = arith.constant 5376 : index
      %get3A_624 = vector.load %arg13[%get3A_622, %get3A_623] : memref<512x8192xbf16, #tpu.memory_space<vmem>>, vector<512x128xbf16>
      %dot_general3A_625 = arith.constant dense<0.000000e+00> : vector<512x128xf32>
      %dot_general3A_626 = tpu.matmul %get3A_624, %get3A_17, %dot_general3A_625 {dimension_numbers = #tpu.dot_dimension_numbers<[1], [0], [0], [1], [0, 0, 1, 1], [], []>, transpose_lhs_hint = false} : vector<512x128xbf16>, vector<128x128xbf16>, vector<512x128xf32> -> vector<512x128xf32>
      %add3A_627 = vector.broadcast %get3A_23 : vector<1x128xf32> to vector<512x128xf32>
      %add3A_628 = arith.addf %dot_general3A_626, %add3A_627 : vector<512x128xf32>
      %max3A_629 = arith.constant 0.000000e+00 : f32
      %max3A_630 = vector.broadcast %max3A_629 : f32 to vector<512x128xf32>
      %max3A_631 = arith.maximumf %add3A_628, %max3A_630 : vector<512x128xf32>
      %convert_element_type3A_632 = arith.truncf %max3A_631 : vector<512x128xf32> to vector<512x128xbf16>
      %dot_general3A_633 = arith.constant dense<0.000000e+00> : vector<512x128xf32>
      %dot_general3A_634 = tpu.matmul %convert_element_type3A_632, %get3A_20, %dot_general3A_633 {dimension_numbers = #tpu.dot_dimension_numbers<[1], [0], [0], [1], [0, 0, 1, 1], [], []>, transpose_lhs_hint = false} : vector<512x128xbf16>, vector<128x128xbf16>, vector<512x128xf32> -> vector<512x128xf32>
      %add3A_635 = arith.addf %add3A_621, %dot_general3A_634 : vector<512x128xf32>
      %get3A_636 = arith.constant 0 : index
      %get3A_637 = arith.constant 5504 : index
      %get3A_638 = vector.load %arg13[%get3A_636, %get3A_637] : memref<512x8192xbf16, #tpu.memory_space<vmem>>, vector<512x128xbf16>
      %dot_general3A_639 = arith.constant dense<0.000000e+00> : vector<512x128xf32>
      %dot_general3A_640 = tpu.matmul %get3A_638, %get3A_17, %dot_general3A_639 {dimension_numbers = #tpu.dot_dimension_numbers<[1], [0], [0], [1], [0, 0, 1, 1], [], []>, transpose_lhs_hint = false} : vector<512x128xbf16>, vector<128x128xbf16>, vector<512x128xf32> -> vector<512x128xf32>
      %add3A_641 = vector.broadcast %get3A_23 : vector<1x128xf32> to vector<512x128xf32>
      %add3A_642 = arith.addf %dot_general3A_640, %add3A_641 : vector<512x128xf32>
      %max3A_643 = arith.constant 0.000000e+00 : f32
      %max3A_644 = vector.broadcast %max3A_643 : f32 to vector<512x128xf32>
      %max3A_645 = arith.maximumf %add3A_642, %max3A_644 : vector<512x128xf32>
      %convert_element_type3A_646 = arith.truncf %max3A_645 : vector<512x128xf32> to vector<512x128xbf16>
      %dot_general3A_647 = arith.constant dense<0.000000e+00> : vector<512x128xf32>
      %dot_general3A_648 = tpu.matmul %convert_element_type3A_646, %get3A_20, %dot_general3A_647 {dimension_numbers = #tpu.dot_dimension_numbers<[1], [0], [0], [1], [0, 0, 1, 1], [], []>, transpose_lhs_hint = false} : vector<512x128xbf16>, vector<128x128xbf16>, vector<512x128xf32> -> vector<512x128xf32>
      %add3A_649 = arith.addf %add3A_635, %dot_general3A_648 : vector<512x128xf32>
      %get3A_650 = arith.constant 0 : index
      %get3A_651 = arith.constant 5632 : index
      %get3A_652 = vector.load %arg13[%get3A_650, %get3A_651] : memref<512x8192xbf16, #tpu.memory_space<vmem>>, vector<512x128xbf16>
      %dot_general3A_653 = arith.constant dense<0.000000e+00> : vector<512x128xf32>
      %dot_general3A_654 = tpu.matmul %get3A_652, %get3A_17, %dot_general3A_653 {dimension_numbers = #tpu.dot_dimension_numbers<[1], [0], [0], [1], [0, 0, 1, 1], [], []>, transpose_lhs_hint = false} : vector<512x128xbf16>, vector<128x128xbf16>, vector<512x128xf32> -> vector<512x128xf32>
      %add3A_655 = vector.broadcast %get3A_23 : vector<1x128xf32> to vector<512x128xf32>
      %add3A_656 = arith.addf %dot_general3A_654, %add3A_655 : vector<512x128xf32>
      %max3A_657 = arith.constant 0.000000e+00 : f32
      %max3A_658 = vector.broadcast %max3A_657 : f32 to vector<512x128xf32>
      %max3A_659 = arith.maximumf %add3A_656, %max3A_658 : vector<512x128xf32>
      %convert_element_type3A_660 = arith.truncf %max3A_659 : vector<512x128xf32> to vector<512x128xbf16>
      %dot_general3A_661 = arith.constant dense<0.000000e+00> : vector<512x128xf32>
      %dot_general3A_662 = tpu.matmul %convert_element_type3A_660, %get3A_20, %dot_general3A_661 {dimension_numbers = #tpu.dot_dimension_numbers<[1], [0], [0], [1], [0, 0, 1, 1], [], []>, transpose_lhs_hint = false} : vector<512x128xbf16>, vector<128x128xbf16>, vector<512x128xf32> -> vector<512x128xf32>
      %add3A_663 = arith.addf %add3A_649, %dot_general3A_662 : vector<512x128xf32>
      %get3A_664 = arith.constant 0 : index
      %get3A_665 = arith.constant 5760 : index
      %get3A_666 = vector.load %arg13[%get3A_664, %get3A_665] : memref<512x8192xbf16, #tpu.memory_space<vmem>>, vector<512x128xbf16>
      %dot_general3A_667 = arith.constant dense<0.000000e+00> : vector<512x128xf32>
      %dot_general3A_668 = tpu.matmul %get3A_666, %get3A_17, %dot_general3A_667 {dimension_numbers = #tpu.dot_dimension_numbers<[1], [0], [0], [1], [0, 0, 1, 1], [], []>, transpose_lhs_hint = false} : vector<512x128xbf16>, vector<128x128xbf16>, vector<512x128xf32> -> vector<512x128xf32>
      %add3A_669 = vector.broadcast %get3A_23 : vector<1x128xf32> to vector<512x128xf32>
      %add3A_670 = arith.addf %dot_general3A_668, %add3A_669 : vector<512x128xf32>
      %max3A_671 = arith.constant 0.000000e+00 : f32
      %max3A_672 = vector.broadcast %max3A_671 : f32 to vector<512x128xf32>
      %max3A_673 = arith.maximumf %add3A_670, %max3A_672 : vector<512x128xf32>
      %convert_element_type3A_674 = arith.truncf %max3A_673 : vector<512x128xf32> to vector<512x128xbf16>
      %dot_general3A_675 = arith.constant dense<0.000000e+00> : vector<512x128xf32>
      %dot_general3A_676 = tpu.matmul %convert_element_type3A_674, %get3A_20, %dot_general3A_675 {dimension_numbers = #tpu.dot_dimension_numbers<[1], [0], [0], [1], [0, 0, 1, 1], [], []>, transpose_lhs_hint = false} : vector<512x128xbf16>, vector<128x128xbf16>, vector<512x128xf32> -> vector<512x128xf32>
      %add3A_677 = arith.addf %add3A_663, %dot_general3A_676 : vector<512x128xf32>
      %get3A_678 = arith.constant 0 : index
      %get3A_679 = arith.constant 5888 : index
      %get3A_680 = vector.load %arg13[%get3A_678, %get3A_679] : memref<512x8192xbf16, #tpu.memory_space<vmem>>, vector<512x128xbf16>
      %dot_general3A_681 = arith.constant dense<0.000000e+00> : vector<512x128xf32>
      %dot_general3A_682 = tpu.matmul %get3A_680, %get3A_17, %dot_general3A_681 {dimension_numbers = #tpu.dot_dimension_numbers<[1], [0], [0], [1], [0, 0, 1, 1], [], []>, transpose_lhs_hint = false} : vector<512x128xbf16>, vector<128x128xbf16>, vector<512x128xf32> -> vector<512x128xf32>
      %add3A_683 = vector.broadcast %get3A_23 : vector<1x128xf32> to vector<512x128xf32>
      %add3A_684 = arith.addf %dot_general3A_682, %add3A_683 : vector<512x128xf32>
      %max3A_685 = arith.constant 0.000000e+00 : f32
      %max3A_686 = vector.broadcast %max3A_685 : f32 to vector<512x128xf32>
      %max3A_687 = arith.maximumf %add3A_684, %max3A_686 : vector<512x128xf32>
      %convert_element_type3A_688 = arith.truncf %max3A_687 : vector<512x128xf32> to vector<512x128xbf16>
      %dot_general3A_689 = arith.constant dense<0.000000e+00> : vector<512x128xf32>
      %dot_general3A_690 = tpu.matmul %convert_element_type3A_688, %get3A_20, %dot_general3A_689 {dimension_numbers = #tpu.dot_dimension_numbers<[1], [0], [0], [1], [0, 0, 1, 1], [], []>, transpose_lhs_hint = false} : vector<512x128xbf16>, vector<128x128xbf16>, vector<512x128xf32> -> vector<512x128xf32>
      %add3A_691 = arith.addf %add3A_677, %dot_general3A_690 : vector<512x128xf32>
      %get3A_692 = arith.constant 0 : index
      %get3A_693 = arith.constant 6016 : index
      %get3A_694 = vector.load %arg13[%get3A_692, %get3A_693] : memref<512x8192xbf16, #tpu.memory_space<vmem>>, vector<512x128xbf16>
      %dot_general3A_695 = arith.constant dense<0.000000e+00> : vector<512x128xf32>
      %dot_general3A_696 = tpu.matmul %get3A_694, %get3A_17, %dot_general3A_695 {dimension_numbers = #tpu.dot_dimension_numbers<[1], [0], [0], [1], [0, 0, 1, 1], [], []>, transpose_lhs_hint = false} : vector<512x128xbf16>, vector<128x128xbf16>, vector<512x128xf32> -> vector<512x128xf32>
      %add3A_697 = vector.broadcast %get3A_23 : vector<1x128xf32> to vector<512x128xf32>
      %add3A_698 = arith.addf %dot_general3A_696, %add3A_697 : vector<512x128xf32>
      %max3A_699 = arith.constant 0.000000e+00 : f32
      %max3A_700 = vector.broadcast %max3A_699 : f32 to vector<512x128xf32>
      %max3A_701 = arith.maximumf %add3A_698, %max3A_700 : vector<512x128xf32>
      %convert_element_type3A_702 = arith.truncf %max3A_701 : vector<512x128xf32> to vector<512x128xbf16>
      %dot_general3A_703 = arith.constant dense<0.000000e+00> : vector<512x128xf32>
      %dot_general3A_704 = tpu.matmul %convert_element_type3A_702, %get3A_20, %dot_general3A_703 {dimension_numbers = #tpu.dot_dimension_numbers<[1], [0], [0], [1], [0, 0, 1, 1], [], []>, transpose_lhs_hint = false} : vector<512x128xbf16>, vector<128x128xbf16>, vector<512x128xf32> -> vector<512x128xf32>
      %add3A_705 = arith.addf %add3A_691, %dot_general3A_704 : vector<512x128xf32>
      %get3A_706 = arith.constant 0 : index
      %get3A_707 = arith.constant 6144 : index
      %get3A_708 = vector.load %arg13[%get3A_706, %get3A_707] : memref<512x8192xbf16, #tpu.memory_space<vmem>>, vector<512x128xbf16>
      %dot_general3A_709 = arith.constant dense<0.000000e+00> : vector<512x128xf32>
      %dot_general3A_710 = tpu.matmul %get3A_708, %get3A_17, %dot_general3A_709 {dimension_numbers = #tpu.dot_dimension_numbers<[1], [0], [0], [1], [0, 0, 1, 1], [], []>, transpose_lhs_hint = false} : vector<512x128xbf16>, vector<128x128xbf16>, vector<512x128xf32> -> vector<512x128xf32>
      %add3A_711 = vector.broadcast %get3A_23 : vector<1x128xf32> to vector<512x128xf32>
      %add3A_712 = arith.addf %dot_general3A_710, %add3A_711 : vector<512x128xf32>
      %max3A_713 = arith.constant 0.000000e+00 : f32
      %max3A_714 = vector.broadcast %max3A_713 : f32 to vector<512x128xf32>
      %max3A_715 = arith.maximumf %add3A_712, %max3A_714 : vector<512x128xf32>
      %convert_element_type3A_716 = arith.truncf %max3A_715 : vector<512x128xf32> to vector<512x128xbf16>
      %dot_general3A_717 = arith.constant dense<0.000000e+00> : vector<512x128xf32>
      %dot_general3A_718 = tpu.matmul %convert_element_type3A_716, %get3A_20, %dot_general3A_717 {dimension_numbers = #tpu.dot_dimension_numbers<[1], [0], [0], [1], [0, 0, 1, 1], [], []>, transpose_lhs_hint = false} : vector<512x128xbf16>, vector<128x128xbf16>, vector<512x128xf32> -> vector<512x128xf32>
      %add3A_719 = arith.addf %add3A_705, %dot_general3A_718 : vector<512x128xf32>
      %get3A_720 = arith.constant 0 : index
      %get3A_721 = arith.constant 6272 : index
      %get3A_722 = vector.load %arg13[%get3A_720, %get3A_721] : memref<512x8192xbf16, #tpu.memory_space<vmem>>, vector<512x128xbf16>
      %dot_general3A_723 = arith.constant dense<0.000000e+00> : vector<512x128xf32>
      %dot_general3A_724 = tpu.matmul %get3A_722, %get3A_17, %dot_general3A_723 {dimension_numbers = #tpu.dot_dimension_numbers<[1], [0], [0], [1], [0, 0, 1, 1], [], []>, transpose_lhs_hint = false} : vector<512x128xbf16>, vector<128x128xbf16>, vector<512x128xf32> -> vector<512x128xf32>
      %add3A_725 = vector.broadcast %get3A_23 : vector<1x128xf32> to vector<512x128xf32>
      %add3A_726 = arith.addf %dot_general3A_724, %add3A_725 : vector<512x128xf32>
      %max3A_727 = arith.constant 0.000000e+00 : f32
      %max3A_728 = vector.broadcast %max3A_727 : f32 to vector<512x128xf32>
      %max3A_729 = arith.maximumf %add3A_726, %max3A_728 : vector<512x128xf32>
      %convert_element_type3A_730 = arith.truncf %max3A_729 : vector<512x128xf32> to vector<512x128xbf16>
      %dot_general3A_731 = arith.constant dense<0.000000e+00> : vector<512x128xf32>
      %dot_general3A_732 = tpu.matmul %convert_element_type3A_730, %get3A_20, %dot_general3A_731 {dimension_numbers = #tpu.dot_dimension_numbers<[1], [0], [0], [1], [0, 0, 1, 1], [], []>, transpose_lhs_hint = false} : vector<512x128xbf16>, vector<128x128xbf16>, vector<512x128xf32> -> vector<512x128xf32>
      %add3A_733 = arith.addf %add3A_719, %dot_general3A_732 : vector<512x128xf32>
      %get3A_734 = arith.constant 0 : index
      %get3A_735 = arith.constant 6400 : index
      %get3A_736 = vector.load %arg13[%get3A_734, %get3A_735] : memref<512x8192xbf16, #tpu.memory_space<vmem>>, vector<512x128xbf16>
      %dot_general3A_737 = arith.constant dense<0.000000e+00> : vector<512x128xf32>
      %dot_general3A_738 = tpu.matmul %get3A_736, %get3A_17, %dot_general3A_737 {dimension_numbers = #tpu.dot_dimension_numbers<[1], [0], [0], [1], [0, 0, 1, 1], [], []>, transpose_lhs_hint = false} : vector<512x128xbf16>, vector<128x128xbf16>, vector<512x128xf32> -> vector<512x128xf32>
      %add3A_739 = vector.broadcast %get3A_23 : vector<1x128xf32> to vector<512x128xf32>
      %add3A_740 = arith.addf %dot_general3A_738, %add3A_739 : vector<512x128xf32>
      %max3A_741 = arith.constant 0.000000e+00 : f32
      %max3A_742 = vector.broadcast %max3A_741 : f32 to vector<512x128xf32>
      %max3A_743 = arith.maximumf %add3A_740, %max3A_742 : vector<512x128xf32>
      %convert_element_type3A_744 = arith.truncf %max3A_743 : vector<512x128xf32> to vector<512x128xbf16>
      %dot_general3A_745 = arith.constant dense<0.000000e+00> : vector<512x128xf32>
      %dot_general3A_746 = tpu.matmul %convert_element_type3A_744, %get3A_20, %dot_general3A_745 {dimension_numbers = #tpu.dot_dimension_numbers<[1], [0], [0], [1], [0, 0, 1, 1], [], []>, transpose_lhs_hint = false} : vector<512x128xbf16>, vector<128x128xbf16>, vector<512x128xf32> -> vector<512x128xf32>
      %add3A_747 = arith.addf %add3A_733, %dot_general3A_746 : vector<512x128xf32>
      %get3A_748 = arith.constant 0 : index
      %get3A_749 = arith.constant 6528 : index
      %get3A_750 = vector.load %arg13[%get3A_748, %get3A_749] : memref<512x8192xbf16, #tpu.memory_space<vmem>>, vector<512x128xbf16>
      %dot_general3A_751 = arith.constant dense<0.000000e+00> : vector<512x128xf32>
      %dot_general3A_752 = tpu.matmul %get3A_750, %get3A_17, %dot_general3A_751 {dimension_numbers = #tpu.dot_dimension_numbers<[1], [0], [0], [1], [0, 0, 1, 1], [], []>, transpose_lhs_hint = false} : vector<512x128xbf16>, vector<128x128xbf16>, vector<512x128xf32> -> vector<512x128xf32>
      %add3A_753 = vector.broadcast %get3A_23 : vector<1x128xf32> to vector<512x128xf32>
      %add3A_754 = arith.addf %dot_general3A_752, %add3A_753 : vector<512x128xf32>
      %max3A_755 = arith.constant 0.000000e+00 : f32
      %max3A_756 = vector.broadcast %max3A_755 : f32 to vector<512x128xf32>
      %max3A_757 = arith.maximumf %add3A_754, %max3A_756 : vector<512x128xf32>
      %convert_element_type3A_758 = arith.truncf %max3A_757 : vector<512x128xf32> to vector<512x128xbf16>
      %dot_general3A_759 = arith.constant dense<0.000000e+00> : vector<512x128xf32>
      %dot_general3A_760 = tpu.matmul %convert_element_type3A_758, %get3A_20, %dot_general3A_759 {dimension_numbers = #tpu.dot_dimension_numbers<[1], [0], [0], [1], [0, 0, 1, 1], [], []>, transpose_lhs_hint = false} : vector<512x128xbf16>, vector<128x128xbf16>, vector<512x128xf32> -> vector<512x128xf32>
      %add3A_761 = arith.addf %add3A_747, %dot_general3A_760 : vector<512x128xf32>
      %get3A_762 = arith.constant 0 : index
      %get3A_763 = arith.constant 6656 : index
      %get3A_764 = vector.load %arg13[%get3A_762, %get3A_763] : memref<512x8192xbf16, #tpu.memory_space<vmem>>, vector<512x128xbf16>
      %dot_general3A_765 = arith.constant dense<0.000000e+00> : vector<512x128xf32>
      %dot_general3A_766 = tpu.matmul %get3A_764, %get3A_17, %dot_general3A_765 {dimension_numbers = #tpu.dot_dimension_numbers<[1], [0], [0], [1], [0, 0, 1, 1], [], []>, transpose_lhs_hint = false} : vector<512x128xbf16>, vector<128x128xbf16>, vector<512x128xf32> -> vector<512x128xf32>
      %add3A_767 = vector.broadcast %get3A_23 : vector<1x128xf32> to vector<512x128xf32>
      %add3A_768 = arith.addf %dot_general3A_766, %add3A_767 : vector<512x128xf32>
      %max3A_769 = arith.constant 0.000000e+00 : f32
      %max3A_770 = vector.broadcast %max3A_769 : f32 to vector<512x128xf32>
      %max3A_771 = arith.maximumf %add3A_768, %max3A_770 : vector<512x128xf32>
      %convert_element_type3A_772 = arith.truncf %max3A_771 : vector<512x128xf32> to vector<512x128xbf16>
      %dot_general3A_773 = arith.constant dense<0.000000e+00> : vector<512x128xf32>
      %dot_general3A_774 = tpu.matmul %convert_element_type3A_772, %get3A_20, %dot_general3A_773 {dimension_numbers = #tpu.dot_dimension_numbers<[1], [0], [0], [1], [0, 0, 1, 1], [], []>, transpose_lhs_hint = false} : vector<512x128xbf16>, vector<128x128xbf16>, vector<512x128xf32> -> vector<512x128xf32>
      %add3A_775 = arith.addf %add3A_761, %dot_general3A_774 : vector<512x128xf32>
      %get3A_776 = arith.constant 0 : index
      %get3A_777 = arith.constant 6784 : index
      %get3A_778 = vector.load %arg13[%get3A_776, %get3A_777] : memref<512x8192xbf16, #tpu.memory_space<vmem>>, vector<512x128xbf16>
      %dot_general3A_779 = arith.constant dense<0.000000e+00> : vector<512x128xf32>
      %dot_general3A_780 = tpu.matmul %get3A_778, %get3A_17, %dot_general3A_779 {dimension_numbers = #tpu.dot_dimension_numbers<[1], [0], [0], [1], [0, 0, 1, 1], [], []>, transpose_lhs_hint = false} : vector<512x128xbf16>, vector<128x128xbf16>, vector<512x128xf32> -> vector<512x128xf32>
      %add3A_781 = vector.broadcast %get3A_23 : vector<1x128xf32> to vector<512x128xf32>
      %add3A_782 = arith.addf %dot_general3A_780, %add3A_781 : vector<512x128xf32>
      %max3A_783 = arith.constant 0.000000e+00 : f32
      %max3A_784 = vector.broadcast %max3A_783 : f32 to vector<512x128xf32>
      %max3A_785 = arith.maximumf %add3A_782, %max3A_784 : vector<512x128xf32>
      %convert_element_type3A_786 = arith.truncf %max3A_785 : vector<512x128xf32> to vector<512x128xbf16>
      %dot_general3A_787 = arith.constant dense<0.000000e+00> : vector<512x128xf32>
      %dot_general3A_788 = tpu.matmul %convert_element_type3A_786, %get3A_20, %dot_general3A_787 {dimension_numbers = #tpu.dot_dimension_numbers<[1], [0], [0], [1], [0, 0, 1, 1], [], []>, transpose_lhs_hint = false} : vector<512x128xbf16>, vector<128x128xbf16>, vector<512x128xf32> -> vector<512x128xf32>
      %add3A_789 = arith.addf %add3A_775, %dot_general3A_788 : vector<512x128xf32>
      %get3A_790 = arith.constant 0 : index
      %get3A_791 = arith.constant 6912 : index
      %get3A_792 = vector.load %arg13[%get3A_790, %get3A_791] : memref<512x8192xbf16, #tpu.memory_space<vmem>>, vector<512x128xbf16>
      %dot_general3A_793 = arith.constant dense<0.000000e+00> : vector<512x128xf32>
      %dot_general3A_794 = tpu.matmul %get3A_792, %get3A_17, %dot_general3A_793 {dimension_numbers = #tpu.dot_dimension_numbers<[1], [0], [0], [1], [0, 0, 1, 1], [], []>, transpose_lhs_hint = false} : vector<512x128xbf16>, vector<128x128xbf16>, vector<512x128xf32> -> vector<512x128xf32>
      %add3A_795 = vector.broadcast %get3A_23 : vector<1x128xf32> to vector<512x128xf32>
      %add3A_796 = arith.addf %dot_general3A_794, %add3A_795 : vector<512x128xf32>
      %max3A_797 = arith.constant 0.000000e+00 : f32
      %max3A_798 = vector.broadcast %max3A_797 : f32 to vector<512x128xf32>
      %max3A_799 = arith.maximumf %add3A_796, %max3A_798 : vector<512x128xf32>
      %convert_element_type3A_800 = arith.truncf %max3A_799 : vector<512x128xf32> to vector<512x128xbf16>
      %dot_general3A_801 = arith.constant dense<0.000000e+00> : vector<512x128xf32>
      %dot_general3A_802 = tpu.matmul %convert_element_type3A_800, %get3A_20, %dot_general3A_801 {dimension_numbers = #tpu.dot_dimension_numbers<[1], [0], [0], [1], [0, 0, 1, 1], [], []>, transpose_lhs_hint = false} : vector<512x128xbf16>, vector<128x128xbf16>, vector<512x128xf32> -> vector<512x128xf32>
      %add3A_803 = arith.addf %add3A_789, %dot_general3A_802 : vector<512x128xf32>
      %get3A_804 = arith.constant 0 : index
      %get3A_805 = arith.constant 7040 : index
      %get3A_806 = vector.load %arg13[%get3A_804, %get3A_805] : memref<512x8192xbf16, #tpu.memory_space<vmem>>, vector<512x128xbf16>
      %dot_general3A_807 = arith.constant dense<0.000000e+00> : vector<512x128xf32>
      %dot_general3A_808 = tpu.matmul %get3A_806, %get3A_17, %dot_general3A_807 {dimension_numbers = #tpu.dot_dimension_numbers<[1], [0], [0], [1], [0, 0, 1, 1], [], []>, transpose_lhs_hint = false} : vector<512x128xbf16>, vector<128x128xbf16>, vector<512x128xf32> -> vector<512x128xf32>
      %add3A_809 = vector.broadcast %get3A_23 : vector<1x128xf32> to vector<512x128xf32>
      %add3A_810 = arith.addf %dot_general3A_808, %add3A_809 : vector<512x128xf32>
      %max3A_811 = arith.constant 0.000000e+00 : f32
      %max3A_812 = vector.broadcast %max3A_811 : f32 to vector<512x128xf32>
      %max3A_813 = arith.maximumf %add3A_810, %max3A_812 : vector<512x128xf32>
      %convert_element_type3A_814 = arith.truncf %max3A_813 : vector<512x128xf32> to vector<512x128xbf16>
      %dot_general3A_815 = arith.constant dense<0.000000e+00> : vector<512x128xf32>
      %dot_general3A_816 = tpu.matmul %convert_element_type3A_814, %get3A_20, %dot_general3A_815 {dimension_numbers = #tpu.dot_dimension_numbers<[1], [0], [0], [1], [0, 0, 1, 1], [], []>, transpose_lhs_hint = false} : vector<512x128xbf16>, vector<128x128xbf16>, vector<512x128xf32> -> vector<512x128xf32>
      %add3A_817 = arith.addf %add3A_803, %dot_general3A_816 : vector<512x128xf32>
      %get3A_818 = arith.constant 0 : index
      %get3A_819 = arith.constant 7168 : index
      %get3A_820 = vector.load %arg13[%get3A_818, %get3A_819] : memref<512x8192xbf16, #tpu.memory_space<vmem>>, vector<512x128xbf16>
      %dot_general3A_821 = arith.constant dense<0.000000e+00> : vector<512x128xf32>
      %dot_general3A_822 = tpu.matmul %get3A_820, %get3A_17, %dot_general3A_821 {dimension_numbers = #tpu.dot_dimension_numbers<[1], [0], [0], [1], [0, 0, 1, 1], [], []>, transpose_lhs_hint = false} : vector<512x128xbf16>, vector<128x128xbf16>, vector<512x128xf32> -> vector<512x128xf32>
      %add3A_823 = vector.broadcast %get3A_23 : vector<1x128xf32> to vector<512x128xf32>
      %add3A_824 = arith.addf %dot_general3A_822, %add3A_823 : vector<512x128xf32>
      %max3A_825 = arith.constant 0.000000e+00 : f32
      %max3A_826 = vector.broadcast %max3A_825 : f32 to vector<512x128xf32>
      %max3A_827 = arith.maximumf %add3A_824, %max3A_826 : vector<512x128xf32>
      %convert_element_type3A_828 = arith.truncf %max3A_827 : vector<512x128xf32> to vector<512x128xbf16>
      %dot_general3A_829 = arith.constant dense<0.000000e+00> : vector<512x128xf32>
      %dot_general3A_830 = tpu.matmul %convert_element_type3A_828, %get3A_20, %dot_general3A_829 {dimension_numbers = #tpu.dot_dimension_numbers<[1], [0], [0], [1], [0, 0, 1, 1], [], []>, transpose_lhs_hint = false} : vector<512x128xbf16>, vector<128x128xbf16>, vector<512x128xf32> -> vector<512x128xf32>
      %add3A_831 = arith.addf %add3A_817, %dot_general3A_830 : vector<512x128xf32>
      %get3A_832 = arith.constant 0 : index
      %get3A_833 = arith.constant 7296 : index
      %get3A_834 = vector.load %arg13[%get3A_832, %get3A_833] : memref<512x8192xbf16, #tpu.memory_space<vmem>>, vector<512x128xbf16>
      %dot_general3A_835 = arith.constant dense<0.000000e+00> : vector<512x128xf32>
      %dot_general3A_836 = tpu.matmul %get3A_834, %get3A_17, %dot_general3A_835 {dimension_numbers = #tpu.dot_dimension_numbers<[1], [0], [0], [1], [0, 0, 1, 1], [], []>, transpose_lhs_hint = false} : vector<512x128xbf16>, vector<128x128xbf16>, vector<512x128xf32> -> vector<512x128xf32>
      %add3A_837 = vector.broadcast %get3A_23 : vector<1x128xf32> to vector<512x128xf32>
      %add3A_838 = arith.addf %dot_general3A_836, %add3A_837 : vector<512x128xf32>
      %max3A_839 = arith.constant 0.000000e+00 : f32
      %max3A_840 = vector.broadcast %max3A_839 : f32 to vector<512x128xf32>
      %max3A_841 = arith.maximumf %add3A_838, %max3A_840 : vector<512x128xf32>
      %convert_element_type3A_842 = arith.truncf %max3A_841 : vector<512x128xf32> to vector<512x128xbf16>
      %dot_general3A_843 = arith.constant dense<0.000000e+00> : vector<512x128xf32>
      %dot_general3A_844 = tpu.matmul %convert_element_type3A_842, %get3A_20, %dot_general3A_843 {dimension_numbers = #tpu.dot_dimension_numbers<[1], [0], [0], [1], [0, 0, 1, 1], [], []>, transpose_lhs_hint = false} : vector<512x128xbf16>, vector<128x128xbf16>, vector<512x128xf32> -> vector<512x128xf32>
      %add3A_845 = arith.addf %add3A_831, %dot_general3A_844 : vector<512x128xf32>
      %get3A_846 = arith.constant 0 : index
      %get3A_847 = arith.constant 7424 : index
      %get3A_848 = vector.load %arg13[%get3A_846, %get3A_847] : memref<512x8192xbf16, #tpu.memory_space<vmem>>, vector<512x128xbf16>
      %dot_general3A_849 = arith.constant dense<0.000000e+00> : vector<512x128xf32>
      %dot_general3A_850 = tpu.matmul %get3A_848, %get3A_17, %dot_general3A_849 {dimension_numbers = #tpu.dot_dimension_numbers<[1], [0], [0], [1], [0, 0, 1, 1], [], []>, transpose_lhs_hint = false} : vector<512x128xbf16>, vector<128x128xbf16>, vector<512x128xf32> -> vector<512x128xf32>
      %add3A_851 = vector.broadcast %get3A_23 : vector<1x128xf32> to vector<512x128xf32>
      %add3A_852 = arith.addf %dot_general3A_850, %add3A_851 : vector<512x128xf32>
      %max3A_853 = arith.constant 0.000000e+00 : f32
      %max3A_854 = vector.broadcast %max3A_853 : f32 to vector<512x128xf32>
      %max3A_855 = arith.maximumf %add3A_852, %max3A_854 : vector<512x128xf32>
      %convert_element_type3A_856 = arith.truncf %max3A_855 : vector<512x128xf32> to vector<512x128xbf16>
      %dot_general3A_857 = arith.constant dense<0.000000e+00> : vector<512x128xf32>
      %dot_general3A_858 = tpu.matmul %convert_element_type3A_856, %get3A_20, %dot_general3A_857 {dimension_numbers = #tpu.dot_dimension_numbers<[1], [0], [0], [1], [0, 0, 1, 1], [], []>, transpose_lhs_hint = false} : vector<512x128xbf16>, vector<128x128xbf16>, vector<512x128xf32> -> vector<512x128xf32>
      %add3A_859 = arith.addf %add3A_845, %dot_general3A_858 : vector<512x128xf32>
      %get3A_860 = arith.constant 0 : index
      %get3A_861 = arith.constant 7552 : index
      %get3A_862 = vector.load %arg13[%get3A_860, %get3A_861] : memref<512x8192xbf16, #tpu.memory_space<vmem>>, vector<512x128xbf16>
      %dot_general3A_863 = arith.constant dense<0.000000e+00> : vector<512x128xf32>
      %dot_general3A_864 = tpu.matmul %get3A_862, %get3A_17, %dot_general3A_863 {dimension_numbers = #tpu.dot_dimension_numbers<[1], [0], [0], [1], [0, 0, 1, 1], [], []>, transpose_lhs_hint = false} : vector<512x128xbf16>, vector<128x128xbf16>, vector<512x128xf32> -> vector<512x128xf32>
      %add3A_865 = vector.broadcast %get3A_23 : vector<1x128xf32> to vector<512x128xf32>
      %add3A_866 = arith.addf %dot_general3A_864, %add3A_865 : vector<512x128xf32>
      %max3A_867 = arith.constant 0.000000e+00 : f32
      %max3A_868 = vector.broadcast %max3A_867 : f32 to vector<512x128xf32>
      %max3A_869 = arith.maximumf %add3A_866, %max3A_868 : vector<512x128xf32>
      %convert_element_type3A_870 = arith.truncf %max3A_869 : vector<512x128xf32> to vector<512x128xbf16>
      %dot_general3A_871 = arith.constant dense<0.000000e+00> : vector<512x128xf32>
      %dot_general3A_872 = tpu.matmul %convert_element_type3A_870, %get3A_20, %dot_general3A_871 {dimension_numbers = #tpu.dot_dimension_numbers<[1], [0], [0], [1], [0, 0, 1, 1], [], []>, transpose_lhs_hint = false} : vector<512x128xbf16>, vector<128x128xbf16>, vector<512x128xf32> -> vector<512x128xf32>
      %add3A_873 = arith.addf %add3A_859, %dot_general3A_872 : vector<512x128xf32>
      %get3A_874 = arith.constant 0 : index
      %get3A_875 = arith.constant 7680 : index
      %get3A_876 = vector.load %arg13[%get3A_874, %get3A_875] : memref<512x8192xbf16, #tpu.memory_space<vmem>>, vector<512x128xbf16>
      %dot_general3A_877 = arith.constant dense<0.000000e+00> : vector<512x128xf32>
      %dot_general3A_878 = tpu.matmul %get3A_876, %get3A_17, %dot_general3A_877 {dimension_numbers = #tpu.dot_dimension_numbers<[1], [0], [0], [1], [0, 0, 1, 1], [], []>, transpose_lhs_hint = false} : vector<512x128xbf16>, vector<128x128xbf16>, vector<512x128xf32> -> vector<512x128xf32>
      %add3A_879 = vector.broadcast %get3A_23 : vector<1x128xf32> to vector<512x128xf32>
      %add3A_880 = arith.addf %dot_general3A_878, %add3A_879 : vector<512x128xf32>
      %max3A_881 = arith.constant 0.000000e+00 : f32
      %max3A_882 = vector.broadcast %max3A_881 : f32 to vector<512x128xf32>
      %max3A_883 = arith.maximumf %add3A_880, %max3A_882 : vector<512x128xf32>
      %convert_element_type3A_884 = arith.truncf %max3A_883 : vector<512x128xf32> to vector<512x128xbf16>
      %dot_general3A_885 = arith.constant dense<0.000000e+00> : vector<512x128xf32>
      %dot_general3A_886 = tpu.matmul %convert_element_type3A_884, %get3A_20, %dot_general3A_885 {dimension_numbers = #tpu.dot_dimension_numbers<[1], [0], [0], [1], [0, 0, 1, 1], [], []>, transpose_lhs_hint = false} : vector<512x128xbf16>, vector<128x128xbf16>, vector<512x128xf32> -> vector<512x128xf32>
      %add3A_887 = arith.addf %add3A_873, %dot_general3A_886 : vector<512x128xf32>
      %get3A_888 = arith.constant 0 : index
      %get3A_889 = arith.constant 7808 : index
      %get3A_890 = vector.load %arg13[%get3A_888, %get3A_889] : memref<512x8192xbf16, #tpu.memory_space<vmem>>, vector<512x128xbf16>
      %dot_general3A_891 = arith.constant dense<0.000000e+00> : vector<512x128xf32>
      %dot_general3A_892 = tpu.matmul %get3A_890, %get3A_17, %dot_general3A_891 {dimension_numbers = #tpu.dot_dimension_numbers<[1], [0], [0], [1], [0, 0, 1, 1], [], []>, transpose_lhs_hint = false} : vector<512x128xbf16>, vector<128x128xbf16>, vector<512x128xf32> -> vector<512x128xf32>
      %add3A_893 = vector.broadcast %get3A_23 : vector<1x128xf32> to vector<512x128xf32>
      %add3A_894 = arith.addf %dot_general3A_892, %add3A_893 : vector<512x128xf32>
      %max3A_895 = arith.constant 0.000000e+00 : f32
      %max3A_896 = vector.broadcast %max3A_895 : f32 to vector<512x128xf32>
      %max3A_897 = arith.maximumf %add3A_894, %max3A_896 : vector<512x128xf32>
      %convert_element_type3A_898 = arith.truncf %max3A_897 : vector<512x128xf32> to vector<512x128xbf16>
      %dot_general3A_899 = arith.constant dense<0.000000e+00> : vector<512x128xf32>
      %dot_general3A_900 = tpu.matmul %convert_element_type3A_898, %get3A_20, %dot_general3A_899 {dimension_numbers = #tpu.dot_dimension_numbers<[1], [0], [0], [1], [0, 0, 1, 1], [], []>, transpose_lhs_hint = false} : vector<512x128xbf16>, vector<128x128xbf16>, vector<512x128xf32> -> vector<512x128xf32>
      %add3A_901 = arith.addf %add3A_887, %dot_general3A_900 : vector<512x128xf32>
      %get3A_902 = arith.constant 0 : index
      %get3A_903 = arith.constant 7936 : index
      %get3A_904 = vector.load %arg13[%get3A_902, %get3A_903] : memref<512x8192xbf16, #tpu.memory_space<vmem>>, vector<512x128xbf16>
      %dot_general3A_905 = arith.constant dense<0.000000e+00> : vector<512x128xf32>
      %dot_general3A_906 = tpu.matmul %get3A_904, %get3A_17, %dot_general3A_905 {dimension_numbers = #tpu.dot_dimension_numbers<[1], [0], [0], [1], [0, 0, 1, 1], [], []>, transpose_lhs_hint = false} : vector<512x128xbf16>, vector<128x128xbf16>, vector<512x128xf32> -> vector<512x128xf32>
      %add3A_907 = vector.broadcast %get3A_23 : vector<1x128xf32> to vector<512x128xf32>
      %add3A_908 = arith.addf %dot_general3A_906, %add3A_907 : vector<512x128xf32>
      %max3A_909 = arith.constant 0.000000e+00 : f32
      %max3A_910 = vector.broadcast %max3A_909 : f32 to vector<512x128xf32>
      %max3A_911 = arith.maximumf %add3A_908, %max3A_910 : vector<512x128xf32>
      %convert_element_type3A_912 = arith.truncf %max3A_911 : vector<512x128xf32> to vector<512x128xbf16>
      %dot_general3A_913 = arith.constant dense<0.000000e+00> : vector<512x128xf32>
      %dot_general3A_914 = tpu.matmul %convert_element_type3A_912, %get3A_20, %dot_general3A_913 {dimension_numbers = #tpu.dot_dimension_numbers<[1], [0], [0], [1], [0, 0, 1, 1], [], []>, transpose_lhs_hint = false} : vector<512x128xbf16>, vector<128x128xbf16>, vector<512x128xf32> -> vector<512x128xf32>
      %add3A_915 = arith.addf %add3A_901, %dot_general3A_914 : vector<512x128xf32>
      %get3A_916 = arith.constant 0 : index
      %get3A_917 = arith.constant 8064 : index
      %get3A_918 = vector.load %arg13[%get3A_916, %get3A_917] : memref<512x8192xbf16, #tpu.memory_space<vmem>>, vector<512x128xbf16>
      %dot_general3A_919 = arith.constant dense<0.000000e+00> : vector<512x128xf32>
      %dot_general3A_920 = tpu.matmul %get3A_918, %get3A_17, %dot_general3A_919 {dimension_numbers = #tpu.dot_dimension_numbers<[1], [0], [0], [1], [0, 0, 1, 1], [], []>, transpose_lhs_hint = false} : vector<512x128xbf16>, vector<128x128xbf16>, vector<512x128xf32> -> vector<512x128xf32>
      %add3A_921 = vector.broadcast %get3A_23 : vector<1x128xf32> to vector<512x128xf32>
      %add3A_922 = arith.addf %dot_general3A_920, %add3A_921 : vector<512x128xf32>
      %max3A_923 = arith.constant 0.000000e+00 : f32
      %max3A_924 = vector.broadcast %max3A_923 : f32 to vector<512x128xf32>
      %max3A_925 = arith.maximumf %add3A_922, %max3A_924 : vector<512x128xf32>
      %convert_element_type3A_926 = arith.truncf %max3A_925 : vector<512x128xf32> to vector<512x128xbf16>
      %dot_general3A_927 = arith.constant dense<0.000000e+00> : vector<512x128xf32>
      %dot_general3A_928 = tpu.matmul %convert_element_type3A_926, %get3A_20, %dot_general3A_927 {dimension_numbers = #tpu.dot_dimension_numbers<[1], [0], [0], [1], [0, 0, 1, 1], [], []>, transpose_lhs_hint = false} : vector<512x128xbf16>, vector<128x128xbf16>, vector<512x128xf32> -> vector<512x128xf32>
      %add3A_929 = arith.addf %add3A_915, %dot_general3A_928 : vector<512x128xf32>
      %broadcast_in_dim3A_930 = arith.constant 0.000000e+00 : f32
      %broadcast_in_dim3A_931 = vector.broadcast %broadcast_in_dim3A_930 : f32 to vector<512x16xf32>
      %slice3A = vector.extract_strided_slice %add3A_929 {offsets = [0, 0], sizes = [512, 16], strides = [1, 1]} : vector<512x128xf32> to vector<512x16xf32>
      %add3A_932 = arith.addf %broadcast_in_dim3A_931, %slice3A : vector<512x16xf32>
      %slice3A_933 = vector.extract_strided_slice %add3A_929 {offsets = [0, 16], sizes = [512, 16], strides = [1, 1]} : vector<512x128xf32> to vector<512x16xf32>
      %add3A_934 = arith.addf %add3A_932, %slice3A_933 : vector<512x16xf32>
      %slice3A_935 = vector.extract_strided_slice %add3A_929 {offsets = [0, 32], sizes = [512, 16], strides = [1, 1]} : vector<512x128xf32> to vector<512x16xf32>
      %add3A_936 = arith.addf %add3A_934, %slice3A_935 : vector<512x16xf32>
      %slice3A_937 = vector.extract_strided_slice %add3A_929 {offsets = [0, 48], sizes = [512, 16], strides = [1, 1]} : vector<512x128xf32> to vector<512x16xf32>
      %add3A_938 = arith.addf %add3A_936, %slice3A_937 : vector<512x16xf32>
      %slice3A_939 = vector.extract_strided_slice %add3A_929 {offsets = [0, 64], sizes = [512, 16], strides = [1, 1]} : vector<512x128xf32> to vector<512x16xf32>
      %add3A_940 = arith.addf %add3A_938, %slice3A_939 : vector<512x16xf32>
      %slice3A_941 = vector.extract_strided_slice %add3A_929 {offsets = [0, 80], sizes = [512, 16], strides = [1, 1]} : vector<512x128xf32> to vector<512x16xf32>
      %add3A_942 = arith.addf %add3A_940, %slice3A_941 : vector<512x16xf32>
      %slice3A_943 = vector.extract_strided_slice %add3A_929 {offsets = [0, 96], sizes = [512, 16], strides = [1, 1]} : vector<512x128xf32> to vector<512x16xf32>
      %add3A_944 = arith.addf %add3A_942, %slice3A_943 : vector<512x16xf32>
      %slice3A_945 = vector.extract_strided_slice %add3A_929 {offsets = [0, 112], sizes = [512, 16], strides = [1, 1]} : vector<512x128xf32> to vector<512x16xf32>
      %add3A_946 = arith.addf %add3A_944, %slice3A_945 : vector<512x16xf32>
      %swap3A_947 = arith.constant 0 : index
      %swap3A_948 = arith.constant 0 : index
      %swap3A_949 = vector.load %arg11[%swap3A_947, %swap3A_948] : memref<512x16xf32, #tpu.memory_space<vmem>>, vector<512x16xf32>
      tpu.vector_store %arg11[%swap3A_947, %swap3A_948], %add3A_946 {strides = array<i32>} : memref<512x16xf32, #tpu.memory_space<vmem>>, vector<512x16xf32>,
    } else {
    }
    return
  }
  func.func @transform_0(%arg0: i32) -> (i32, i32) {
    %jit3A = arith.constant 1 : i32
    %eq3A = arith.constant 0 : i32
    %eq3A_0 = arith.cmpi eq, %jit3A, %eq3A : i32
    %jit3A_1 = arith.constant 1 : i32
    %select_n3A = arith.select %eq3A_0, %jit3A_1, %jit3A : i32
    %rem3A = arith.remsi %arg0, %select_n3A : i32
    %ne3A = arith.constant 0 : i32
    %ne3A_2 = arith.cmpi ne, %rem3A, %ne3A : i32
    %lt3A = arith.constant 0 : i32
    %lt3A_3 = arith.cmpi slt, %rem3A, %lt3A : i32
    %lt3A_4 = arith.constant 0 : i32
    %lt3A_5 = arith.cmpi slt, %select_n3A, %lt3A_4 : i32
    %ne3A_6 = arith.xori %lt3A_3, %lt3A_5 : i1
    %and3A = arith.andi %ne3A_6, %ne3A_2 : i1
    %add3A = arith.addi %rem3A, %select_n3A : i32
    %select_n3A_7 = arith.select %and3A, %add3A, %rem3A : i32
    %c0_i32 = arith.constant 0 : i32
    %c0_i32_8 = arith.constant 0 : i32
    return %select_n3A_7, %c0_i32 : i32, i32
  }
  func.func @transform_1(%arg0: i32) -> (i32, i32) {
    %jit3A = arith.constant 1 : i32
    %eq3A = arith.constant 0 : i32
    %eq3A_0 = arith.cmpi eq, %jit3A, %eq3A : i32
    %jit3A_1 = arith.constant 1 : i32
    %select_n3A = arith.select %eq3A_0, %jit3A_1, %jit3A : i32
    %rem3A = arith.remsi %arg0, %select_n3A : i32
    %ne3A = arith.constant 0 : i32
    %ne3A_2 = arith.cmpi ne, %rem3A, %ne3A : i32
    %lt3A = arith.constant 0 : i32
    %lt3A_3 = arith.cmpi slt, %rem3A, %lt3A : i32
    %lt3A_4 = arith.constant 0 : i32
    %lt3A_5 = arith.cmpi slt, %select_n3A, %lt3A_4 : i32
    %ne3A_6 = arith.xori %lt3A_3, %lt3A_5 : i1
    %and3A = arith.andi %ne3A_6, %ne3A_2 : i1
    %add3A = arith.addi %rem3A, %select_n3A : i32
    %select_n3A_7 = arith.select %and3A, %add3A, %rem3A : i32
    %c0_i32 = arith.constant 0 : i32
    %c0_i32_8 = arith.constant 0 : i32
    return %select_n3A_7, %c0_i32 : i32, i32
  }
  func.func @transform_2(%arg0: i32) -> (i32, i32) {
    %c0_i32 = arith.constant 0 : i32
    %c0_i32_0 = arith.constant 0 : i32
    %c0_i32_1 = arith.constant 0 : i32
    return %c0_i32, %c0_i32_0 : i32, i32
  }
  func.func @transform_3(%arg0: i32) -> (i32, i32) {
    %c0_i32 = arith.constant 0 : i32
    %c0_i32_0 = arith.constant 0 : i32
    %c0_i32_1 = arith.constant 0 : i32
    return %c0_i32, %c0_i32_0 : i32, i32
  }
  func.func @transform_4(%arg0: i32) -> (i32, i32) {
    %c0_i32 = arith.constant 0 : i32
    %c0_i32_0 = arith.constant 0 : i32
    %c0_i32_1 = arith.constant 0 : i32
    return %c0_i32, %c0_i32_0 : i32, i32
  }
  func.func @transform_5(%arg0: i32) -> (i32, i32) {
    %c0_i32 = arith.constant 0 : i32
    %c0_i32_0 = arith.constant 0 : i32
    %c0_i32_1 = arith.constant 0 : i32
    return %c0_i32, %c0_i32_0 : i32, i32
  }
  func.func @transform_6(%arg0: i32) -> (i32, i32) {
    %c0_i32 = arith.constant 0 : i32
    %c0_i32_0 = arith.constant 0 : i32
    %c0_i32_1 = arith.constant 0 : i32
    return %c0_i32, %c0_i32_0 : i32, i32
  }
  func.func @transform_7(%arg0: i32) -> (i32, i32) {
    %c0_i32 = arith.constant 0 : i32
    %c0_i32_0 = arith.constant 0 : i32
    %c0_i32_1 = arith.constant 0 : i32
    return %c0_i32, %c0_i32_0 : i32, i32
  }
  func.func @transform_8(%arg0: i32) -> (i32, i32) {
    %c0_i32 = arith.constant 0 : i32
    %c0_i32_0 = arith.constant 0 : i32
    %c0_i32_1 = arith.constant 0 : i32
    return %c0_i32, %c0_i32_0 : i32, i32
  }
  func.func @transform_9(%arg0: i32) -> (i32, i32) {
    %c0_i32 = arith.constant 0 : i32
    %c0_i32_0 = arith.constant 0 : i32
    %c0_i32_1 = arith.constant 0 : i32
    return %c0_i32, %c0_i32_0 : i32, i32
  }
  func.func @transform_10(%arg0: i32) -> (i32, i32) {
    %sub3A = arith.constant 1 : i32
    %sub3A_0 = arith.subi %arg0, %sub3A : i32
    %max3A = arith.constant 0 : i32
    %max3A_1 = arith.maxsi %sub3A_0, %max3A : i32
    %c0_i32 = arith.constant 0 : i32
    %c0_i32_2 = arith.constant 0 : i32
    return %max3A_1, %c0_i32 : i32, i32
  }
}

</mosaic_0001>

<sc_bundles>
// kernel: kernel.4.cloned.1.call-start
scs
__scs_entry_jumppad:
0x0: {  	(pc) =	sbr.rel $0x88, $3  }
0x1: {  	(tag) =	ssettag $0x0;
	lr =	simm.s32 $0x1  }
0x2: {  	[smem:$0x3F94] =	sst lr;
	_ =	strace $0xD0000000  }
0x3: {  	_ = 	snop  }
0x4: {  	_ = 	snop  }
0x5: {  	_ = 	snop  }
0x6: {  	_ = 	snop  }
0x7: {  	_ = 	snop  }
__scs_overlays_trampoline_lowered:
0x8: {  	[smem:$0x3FA3] =	sst s0  }
0x9: {  	[smem:$0x3FA4] =	sst s1  }
0xa: {  	[smem:$0x3FA5] =	sst s2  }
0xb: {  	[smem:$0x3FA6] =	sst s3  }
0xc: {  	[smem:$0x3FA7] =	sst s4  }
0xd: {  	[smem:$0x3FA8] =	sst s5  }
0xe: {  	[smem:$0x3FA9] =	sst s6  }
0xf: {  	[smem:$0x3FAA] =	sst s7  }
0x10: {  	[smem:$0x3FAB] =	sst s8  }
0x11: {  	[smem:$0x3FAC] =	sst s9;
	s0 =	simm.s32 @!p0 $0x0  }
0x12: {  	s1 =	sld [smem:$0x3F92];
	s0 =	simm.s32 @p0 $0x1  }
0x13: {  	[smem:$0x3FAD] =	sst s0;
	s0 =	simm.s32 @!p1 $0x0  }
0x14: {  	s2 =	sld [smem:$0x3F91];
	s0 =	simm.s32 @p1 $0x1  }
0x15: {  	[smem:$0x3FAE] =	sst s0;
	s0 =	simm.s32 @!p2 $0x0  }
0x16: {  	s3 =	sld [smem:$0x3FDB];
	s0 =	simm.s32 @p2 $0x1  }
0x17: {  	s4 =	simm.s32 $0x1BF5;
	[smem:$0x3FB0] =	sst s0  }
0x18: {  	s0 =	sld [smem:$0x3F93];
	_ =	swait.ge [sflag:s4], $0x0  }
0x19: {  	s7 =	sld [smem:$0x3F94]  }
0x1a: {  	s8 =	sadd.s32 $0xFFFFE003, lr  }
0x1b: {  	s9 =	sadd.s32 $0xFFFFFEF7, lr;
	s5 =	simm.s32 $0xFFFFFFFF;
	p2 =	slt.u32 s8, $0xFFFFF086  }
0x1c: {  	p1 =	slt.u32 s9, $0xF7A;
	s5 =	simm.s32 @!p2 $0x0  }
0x1d: {  	s5 =	simm.s32 @p1 $0x1;
	p0 =	seq.s32 s7, s2  }
0x1e: {  	s7 =	smul.u32 @!p0 $0xF7A, s2;
	p2 =	seq.s32 @!p0 s5, $0x0  }
0x1f: {  	s9 =	smul.u32 $0xF7A, s1;
	s8 =	simm.s32 @!p0 $0x1BF5;
	p2 =	por !p2, p0  }
0x20: {  	[sflag:s8] =	ssyncset.s32 @!p0 $0xFFFFF086;
	s6 =	sadd.s32 @!p0 s3, s7;
	s7 =	simm.s32 @!p0 $0x108  }
0x21: {  	s3 =	sadd.s32 s3, s9;
	s6 =	sadd.s32 @!p0 $0x88, s6;
	s7 =	simm.s32 @p2 $0x1082  }
0x22: {  	[simem:s7], [sflag:s8] =	dma.local @!p0 [hbm:s6], $0xF7A  }
0x23: {  	s9 =	sor.u32 $0xD0000000, s2;
	s6 =	simm.s32 $0x108;
	_ =	swait.ge @!p0 [sflag:s8], $0x0  }
0x24: {  	s3 =	sadd.s32 $0x88, s3;
	s6 =	simm.s32 @!p1 $0x1082;
	[sflag:s4] =	ssyncset.s32 $0xFFFFF086  }
0x25: {  	[simem:s6], [sflag:s4] =	dma.local [hbm:s3], $0xF7A  }
0x26: {  	[smem:$0x3F94] =	sst s1;
	(tag) =	ssettag s2;
	_ =	strace s9  }
0x27: {  	s1 =	sld [smem:$0x3FA4]  }
0x28: {  	s2 =	sld [smem:$0x3FA5]  }
0x29: {  	s4 =	sld [smem:$0x3FA7]  }
0x2a: {  	p0 =	seq.s32 s5, $0x0;
	s5 =	sld [smem:$0x3FA8]  }
0x2b: {  	s6 =	sld [smem:$0x3FA9]  }
0x2c: {  	s7 =	sld [smem:$0x3FAA]  }
0x2d: {  	s3 =	simm.s32 $0x108;
	s8 =	sld [smem:$0x3FAB]  }
0x2e: {  	s3 =	simm.s32 @!p0 $0x1082;
	s9 =	sld [smem:$0x3FAC]  }
0x2f: {  	lr =	sadd.s32 s0, s3;
	s0 =	sld [smem:$0x3FA3]  }
0x30: {  	s3 =	sld [smem:$0x3FA6]  }
0x31: {  	[smem:$0x3FAF] =	sst s10  }
0x32: {  	s10 =	sld [smem:$0x3FAD];
	_ =	sdelay $0x3  }
0x33: {  	p0 =	seq.s32 s10, $0x1;
	s10 =	sld [smem:$0x3FAF];
	_ =	sdelay $0x3  }
0x34: {  	[smem:$0x3FAF] =	sst s10  }
0x35: {  	s10 =	sld [smem:$0x3FAE];
	_ =	sdelay $0x3  }
0x36: {  	p1 =	seq.s32 s10, $0x1;
	s10 =	sld [smem:$0x3FAF];
	_ =	sdelay $0x3  }
0x37: {  	[smem:$0x3FAF] =	sst s10  }
0x38: {  	s10 =	sld [smem:$0x3FB0]  }
0x39: {  	_ = 	snop;
	(pc) =	sbr.ind lr, $3  }
0x3a: {  	_ = 	snop  }
0x3b: {  	_ = 	snop  }
0x3c: {  	p2 =	seq.s32 s10, $0x1;
	s10 =	sld [smem:$0x3FAF]  }
0x3d: {  	_ =	shalt  }
0x3e: {  	_ =	shalt  }
0x3f: {  	_ =	shalt  }
0x40: {  	_ =	shalt  }
0x41: {  	_ =	shalt  }
0x42: {  	_ =	shalt  }
0x43: {  	_ =	shalt  }
0x44: {  	_ =	shalt  }
0x45: {  	_ =	shalt  }
0x46: {  	_ =	shalt  }
0x47: {  	_ =	shalt  }
0x48: {  	_ =	shalt  }
0x49: {  	_ =	shalt  }
0x4a: {  	_ =	shalt  }
0x4b: {  	_ =	shalt  }
0x4c: {  	_ =	shalt  }
0x4d: {  	_ =	shalt  }
0x4e: {  	_ =	shalt  }
0x4f: {  	_ =	shalt  }
0x50: {  	_ =	shalt  }
0x51: {  	_ =	shalt  }
0x52: {  	_ =	shalt  }
0x53: {  	_ =	shalt  }
0x54: {  	_ =	shalt  }
0x55: {  	_ =	shalt  }
0x56: {  	_ =	shalt  }
0x57: {  	_ =	shalt  }
0x58: {  	_ =	shalt  }
0x59: {  	_ =	shalt  }
0x5a: {  	_ =	shalt  }
0x5b: {  	_ =	shalt  }
0x5c: {  	_ =	shalt  }
0x5d: {  	_ =	shalt  }
0x5e: {  	_ =	shalt  }
0x5f: {  	_ =	shalt  }
0x60: {  	_ =	shalt  }
0x61: {  	_ =	shalt  }
0x62: {  	_ =	shalt  }
0x63: {  	_ =	shalt  }
0x64: {  	_ =	shalt  }
0x65: {  	_ =	shalt  }
0x66: {  	_ =	shalt  }
0x67: {  	_ =	shalt  }
0x68: {  	_ =	shalt  }
0x69: {  	_ =	shalt  }
0x6a: {  	_ =	shalt  }
0x6b: {  	_ =	shalt  }
0x6c: {  	_ =	shalt  }
0x6d: {  	_ =	shalt  }
0x6e: {  	_ =	shalt  }
0x6f: {  	_ =	shalt  }
0x70: {  	_ =	shalt  }
0x71: {  	_ =	shalt  }
0x72: {  	_ =	shalt  }
0x73: {  	_ =	shalt  }
0x74: {  	_ =	shalt  }
0x75: {  	_ =	shalt  }
0x76: {  	_ =	shalt  }
0x77: {  	_ =	shalt  }
0x78: {  	_ =	shalt  }
0x79: {  	_ =	shalt  }
0x7a: {  	_ =	shalt  }
0x7b: {  	_ =	shalt  }
0x7c: {  	_ =	shalt  }
0x7d: {  	_ =	shalt  }
0x7e: {  	_ =	shalt  }
0x7f: {  	_ =	shalt  }
0x80: {  	_ =	shalt  }
0x81: {  	_ =	shalt  }
0x82: {  	_ =	shalt  }
0x83: {  	_ =	shalt  }
0x84: {  	_ =	shalt  }
0x85: {  	_ =	shalt  }
0x86: {  	_ =	shalt  }
0x87: {  	_ =	shalt  }
.Lfunc_end0:
.L_simem_size_0:
called_computation_lowered:
.L_overlay_start_0:
0x88: {  	s0 =	sld [smem:$0x3FD9]  }
0x89: {  	s1 =	sld [smem:$0x3FFE];
	_ =	sdelay $0x3  }
0x8a: {  	s0 =	sadd.s32 s1, s0  }
0x8b: {  	[smem:$0x3FBB] =	sst s0  }
0x8c: {  	_ = 	snop  }
0x8d: {  	s0 =	sld [smem:$0x3FD0];
	(tm) =	ssettm $0x1  }
0x8e: {  	s16 =	sld [smem:$0x3FFB];
	_ =	sdelay $0x3  }
0x8f: {  	_ =	strace s16  }
0x90: {  	s1 =	sld [smem:$0x3FFC];
	_ =	sdelay $0x3  }
0x91: {  	_ =	strace s1  }
0x92: {  	s1 =	sld [smem:$0x3FFD];
	_ =	sdelay $0x3  }
0x93: {  	_ =	strace s1  }
0x94: {  	_ =	strace $0x8FFFFFFF  }
0x95: {  	s17 =	sld [smem:$0x3FDB];
	_ =	sdelay $0x1  }
0x96: {  	s2 =	simm.s32 $_scs_section_size  }
0x97: {  	s3 =	simm.s32 $_size__tile_overlayer_lowered;
	s4 =	simm.s32 $_tile_overlayer_lowered  }
0x98: {  	s20 =	simm.s32 $0x1BFF;
	s19 =	sshll.u32 s4, $0x1;
	s1 =	sadd.s32 s2, s17  }
0x99: {  	s5 =	simm.s32 $0x0;
	s18 =	sshll.u32 s3, $0x1;
	s3 =	sadd.s32 s19, s1  }
0x9a: {  	[timem:s5], [sflag:s20] =	dma.local [hbm:s3], s18  }
0x9b: {  	_ =	swait.ge [sflag:s20], s18  }
0x9c: {  	s2 =	ssub.s32 $0x0, s18;
	[sflag:s20] =	ssyncset.done $0x0  }
0x9d: {  	[sflag:s20] =	ssyncadd.s32 s2;
	_ =	sdelay $0x1  }
0x9e: {  	s21 =	simm.s32 $0x1B8B  }
0x9f: {  	_ =	swait.ge [sflag:s21], $0x1  }
0xa0: {  	[sflag:s21] =	ssyncset.done $0x0  }
0xa1: {  	s23 =	simm.s32 $0x1B8E;
	s22 =	sld [smem:$0x3FFE];
	[sflag:s21] =	ssyncadd.s32 $0xFFFFFFFF  }
0xa2: {  	s24 =	simm.s32 $execute0_lowered;
	[smem:$0x3FD2] =	sst s23  }
0xa3: {  	s3 =	sshll.u32 s24, $0x1;
	_ =	strace $0x80000046;
	[dreg:$0x1] =	wrdreg $0xFFFFFFFF  }
0xa4: {  	s25 =	simm.s32 $_size_execute0_lowered;
	s1 =	sadd.s32 s1, s3;
	[dreg:$0x0] =	wrdreg $0x0  }
0xa5: {  	s3 =	sshll.u32 s25, $0x1;
	[dreg:$0x2] =	wrdreg s1  }
0xa6: {  	[dreg:$0x3] =	wrdreg s3  }
0xa7: {  	[dreg:$0x4] =	wrdreg $0xC0  }
0xa8: {  	_ =	task [dreg:s5], $0x5FFFF  }
0xa9: {  	[dreg:$0x1] =	wrdreg $0xFFFFFFFF  }
0xaa: {  	[dreg:$0x0] =	wrdreg $0x60  }
0xab: {  	[dreg:$0x2] =	wrdreg s22  }
0xac: {  	[dreg:$0x3] =	wrdreg s0  }
0xad: {  	[dreg:$0x4] =	wrdreg $0x4000  }
0xae: {  	[dreg:$0x5] =	wrdreg $0x9  }
0xaf: {  	_ =	task.clear_ibuf [dreg:s5], $0x6FFFF;
	_ =	strace $0x90000046  }
0xb0: {  	s26 =	simm.s32 $0x9;
	_ =	strace $0x80000048  }
0xb1: {  	_ =	swait.ge [sflag:s26], $0x1  }
0xb2: {  	[sflag:s26] =	ssyncadd.s32 $0xFFFFFFFF  }
0xb3: {  	_ =	strace $0x90000048  }
0xb4: {  	_ =	sfence  }
0xb5: {  	s28 =	sld [smem:$0x0];
	_ =	sdelay $0x1  }
0xb6: {  	s29 =	srdreg.scid  }
0xb7: {  	s30 =	sshll.u32 s29, $0xD;
	s31 =	sshrl.u32 s29, $0x2  }
0xb8: {  	s2 =	sand.u32 $0x4000, s30;
	s1 =	sand.u32 $0x1, s29;
	s0 =	sadd.s32 s31, s28  }
0xb9: {  	s1 =	sor.u32 s2, s1;
	s0 =	sshll.u32 s0, $0x11  }
0xba: {  	s0 =	sor.u32 s0, s1  }
0xbb: {  	s0 =	sadd.s32 $0x8F2B, s0  }
0xbc: {  	[sflag:s0] =	ssyncadd.remote.s32 $0x1  }
0xbd: {  	_ =	sfence.sel $0xFFFF  }
0xbe: {  	[dreg:$0x0] =	wrdreg $0xFFFFFFFF;
	(pc) =	sbr.abs _section_cstart, $3  }
0xbf: {  	[dreg:$0x1] =	wrdreg $0xFFFFFFFF  }
0xc0: {  	_ =	task.clear_ibuf [dreg:s5], $0x2FFFF;
	_ =	strace $0x9FFFFFFF  }
0xc1: {  	(tm) =	ssettm $0x7FFFFFFF  }
tec
execute0_lowered:
.L_overlay_start_1:
0x0: {  	(tag) =	ssettag $0x1  }
0x1: {  	s7 =	rddreg [dreg:$0x0]  }
0x2: {  	s8 =	rddreg [dreg:$0x1]  }
0x3: {  	s2 =	rddreg [dreg:$0x2]  }
0x4: {  	s0 =	rddreg [dreg:$0x3];
	s9 =	simm.s32 $0x0  }
0x5: {  	s1 =	stileid.u32;
	s24 =	simm.s32 $0x1;
	[smem:$0x7FF] =	sst s9  }
0x6: {  	s3 =	sshll.u32 s1, $0xB;
	s4 =	sshll.u32 s1, $0xE;
	s23 =	sshll.u32 s1, $0x6  }
0x7: {  	_ =	strace $0x80000047;
	s3 =	sadd.s32 s3, s7;
	s5 =	sadd.s32 s4, s2  }
0x8: {  	s4 =	sor.u32 $0x1C01, s23;
	s10 =	sadd.s32 $0x1E00, s3;
	s6 =	sshrl.u32 s5, $0x3  }
0x9: {  	[spmem:s6], [sflag:s4] =	dma.local [hbm:s10], $0x800  }
0xa: {  	s25 =	sshll.u32 s1, $0x5;
	_ =	swait.ge [sflag:s24], $0x800  }
0xb: {  	s11 =	sadd.s32 s25, s7;
	[sflag:s24] =	ssyncset.done $0x0  }
0xc: {  	s7 =	sadd.s32 $0x1A00, s11;
	[sflag:s24] =	ssyncadd.s32 $0xFFFFF800  }
0xd: {  	[tilespmem:s9], [sflag:$0x1] =	stream.linear.gather [hbm4b:s7+s9], $0x100, $0x38;
	[tilespmem:$0x4400] =	vst v63  }
0xe: {  	_ =	swait.ge [sflag:s24], $0x100  }
0xf: {  	[sflag:s24] =	ssyncset.done $0x0  }
0x10: {  	s26 =	simm.s32 $0x100;
	s8 =	sadd.s32 s8, s25;
	[sflag:s24] =	ssyncadd.s32 $0xFFFFFF00  }
0x11: {  	[tilespmem:s26], [sflag:$0x1] =	stream.linear.gather [hbm4b:s8+s9], $0x100, $0x38;
	[tilespmem:$0x4400] =	vst v63  }
0x12: {  	_ =	swait.ge [sflag:s24], $0x100  }
0x13: {  	[sflag:s24] =	ssyncset.done $0x0  }
0x14: {  	s29 =	simm.s32 $0x300;
	s28 =	sadd.s32 $0x1C00, s11;
	[sflag:s24] =	ssyncadd.s32 $0xFFFFFF00  }
0x15: {  	[tilespmem:s29], [sflag:$0x1] =	stream.linear.gather [hbm4b:s28+s9], $0x100, $0x38;
	[tilespmem:$0x4400] =	vst v63  }
0x16: {  	_ =	swait.ge [sflag:s24], $0x100  }
0x17: {  	[sflag:s24] =	ssyncset.done $0x0  }
0x18: {  	[sflag:s24] =	ssyncadd.s32 $0xFFFFFF00  }
0x19: {  	v0 =	vld [tilespmem:$0x100]  }
0x1a: {  	v1 =	vld [tilespmem:$0x0]  }
0x1b: {  	v2 =	vld [tilespmem:$0x110]  }
0x1c: {  	v3 =	vld [tilespmem:$0x10]  }
0x1d: {  	v4 =	vld [tilespmem:$0x120]  }
0x1e: {  	v5 =	vld [tilespmem:$0x20]  }
0x1f: {  	v6 =	vld [tilespmem:$0x130]  }
0x20: {  	v7 =	vld [tilespmem:$0x30]  }
0x21: {  	v8 =	vld [tilespmem:$0x140]  }
0x22: {  	v9 =	vld [tilespmem:$0x40]  }
0x23: {  	v10 =	vld [tilespmem:$0x150]  }
0x24: {  	v11 =	vld [tilespmem:$0x50]  }
0x25: {  	v12 =	vld [tilespmem:$0x160]  }
0x26: {  	v13 =	vld [tilespmem:$0x60]  }
0x27: {  	v14 =	vld [tilespmem:$0x170]  }
0x28: {  	v15 =	vld [tilespmem:$0x70]  }
0x29: {  	v16 =	vld [tilespmem:$0x180]  }
0x2a: {  	v17 =	vld [tilespmem:$0x80]  }
0x2b: {  	v18 =	vld [tilespmem:$0x190]  }
0x2c: {  	v19 =	vld [tilespmem:$0x90]  }
0x2d: {  	v20 =	vld [tilespmem:$0x1A0];
	v0 =	vshll.u32 v0, $0x9  }
0x2e: {  	v24 =	vld [tilespmem:$0xA0];
	v23 =	vshll.u32 v2, $0x9;
	v0 =	vadd.s32 v1, v0  }
0x2f: {  	v27 =	vld [tilespmem:$0x1B0];
	v26 =	vshll.u32 v4, $0x9;
	v25 =	vadd.s32 v3, v23;
	[tilespmem:$0x200] =	vst v0  }
0x30: {  	v30 =	vld [tilespmem:$0xB0];
	v29 =	vshll.u32 v6, $0x9;
	v28 =	vadd.s32 v5, v26;
	[tilespmem:$0x210] =	vst v25  }
0x31: {  	v33 =	vld [tilespmem:$0x1C0];
	v32 =	vshll.u32 v8, $0x9;
	v31 =	vadd.s32 v7, v29;
	[tilespmem:$0x220] =	vst v28  }
0x32: {  	v36 =	vld [tilespmem:$0xC0];
	v35 =	vshll.u32 v10, $0x9;
	v34 =	vadd.s32 v9, v32;
	[tilespmem:$0x230] =	vst v31  }
0x33: {  	v39 =	vld [tilespmem:$0x1D0];
	v38 =	vshll.u32 v12, $0x9;
	v37 =	vadd.s32 v11, v35;
	[tilespmem:$0x240] =	vst v34  }
0x34: {  	v42 =	vld [tilespmem:$0xD0];
	v41 =	vshll.u32 v14, $0x9;
	v40 =	vadd.s32 v13, v38;
	[tilespmem:$0x250] =	vst v37  }
0x35: {  	v45 =	vld [tilespmem:$0x1E0];
	v44 =	vshll.u32 v16, $0x9;
	v43 =	vadd.s32 v15, v41;
	[tilespmem:$0x260] =	vst v40  }
0x36: {  	v48 =	vld [tilespmem:$0xE0];
	v47 =	vshll.u32 v18, $0x9;
	v46 =	vadd.s32 v17, v44;
	[tilespmem:$0x270] =	vst v43  }
0x37: {  	v51 =	vld [tilespmem:$0x1F0];
	v50 =	vshll.u32 v20, $0x9;
	v49 =	vadd.s32 v19, v47;
	[tilespmem:$0x280] =	vst v46  }
0x38: {  	v54 =	vld [tilespmem:$0xF0];
	v53 =	vshll.u32 v27, $0x9;
	v52 =	vadd.s32 v24, v50;
	[tilespmem:$0x290] =	vst v49  }
0x39: {  	v56 =	vshll.u32 v33, $0x9;
	v55 =	vadd.s32 v30, v53;
	[tilespmem:$0x2A0] =	vst v52  }
0x3a: {  	v58 =	vshll.u32 v39, $0x9;
	v57 =	vadd.s32 v36, v56;
	[tilespmem:$0x2B0] =	vst v55  }
0x3b: {  	v60 =	vshll.u32 v45, $0x9;
	v59 =	vadd.s32 v42, v58;
	[tilespmem:$0x2C0] =	vst v57  }
0x3c: {  	v62 =	vshll.u32 v51, $0x9;
	v61 =	vadd.s32 v48, v60;
	[tilespmem:$0x2D0] =	vst v59  }
0x3d: {  	v63 =	vadd.s32 v54, v62;
	[tilespmem:$0x2E0] =	vst v61  }
0x3e: {  	[tilespmem:$0x2F0] =	vst v63  }
0x3f: {  	s30 =	simm.s32 $0x200;
	[bflag:$0x0] =	sbarrier.arrive $0xFFFF  }
0x40: {  	[spmem:s2] =	stream.indirect.scatter.add.f32 [tilespmem:s29], [sflag:$0x1], $0x1, s30, s26, $0xb8;
	[tilespmem:$0x4400] =	vst v63  }
0x41: {  	_ =	swait.ge [sflag:s24], $0x100  }
0x42: {  	[sflag:s24] =	ssyncset.done $0x0  }
0x43: {  	[sflag:s24] =	ssyncadd.s32 $0xFFFFFF00  }
0x44: {  	s31 =	sadd.s32 $0x9E00, s3;
	[bflag:$0x0] =	sbarrier.arrive $0xFFFF  }
0x45: {  	[hbm:s31], [sflag:s4] =	dma.local [spmem:s6], $0x800  }
0x46: {  	_ =	swait.ge [sflag:s24], $0x800  }
0x47: {  	[sflag:s24] =	ssyncset.done $0x0  }
0x48: {  	[sflag:s24] =	ssyncadd.s32 $0xFFFFF800  }
0x49: {  	_ =	sfence.sel $0x180000  }
0x4a: {  	[bflag:$0x0] =	sbarrier.arrive $0xFFFF  }
0x4b: {  	p0 =	sne.s32 s1, $0x0;
	_ =	strace $0x90000047  }
0x4c: {  	s0 =	sadd.s32 @!p0 $0x100000, s0;
	[bflag:$0x2] =	sbarrier.arrive $0xFFFF  }
0x4d: {  	[sflag:s0] =	ssyncadd.tile.s32 @!p0 $0x1;
	_ =	shalt  }
.Lfunc_end2:
_tile_overlayer_lowered:
.L_overlay_start_2:
0x4e: {  	(tag) =	ssettag $0x2  }
0x4f: {  	s0 =	rddreg [dreg:$0x0];
	s2 =	stileid.u32  }
0x50: {  	s1 =	rddreg [dreg:$0x1];
	p0 =	sne.s32 s2, $0x0  }
0x51: {  	s3 =	rddreg [dreg:$0x2];
	[bflag:$0x3] =	sbarrier.arrive $0xFFFF;
	s2 =	simm.s32 @!p0 $0x1C01  }
0x52: {  	[timem:s3], [sflag:s2] =	dma.local @!p0 [hbm:s0], s1  }
0x53: {  	s0 =	simm.s32 @!p0 $0x1  }
0x54: {  	_ =	swait.ge @!p0 [sflag:s0], s1  }
0x55: {  	s1 =	ssub.s32 @!p0 $0x0, s1;
	[sflag:s0] =	ssyncset.done @!p0 $0x0  }
0x56: {  	[sflag:s0] =	ssyncadd.s32 @!p0 s1  }
0x57: {  	[bflag:$0x3] =	sbarrier.arrive $0xFFFF  }
0x58: {  	_ =	shalt  }

</sc_bundles>
